<compile_context>
chip_gen: v7x
topology: tpu7x:2x2x1
jax: 0.10.2.dev20260603
libtpu: 0.0.44.dev20260713+nightly
codegen_flags: <defaults>
</compile_context>

<pallas_src>
import functools

import jax
import jax.numpy as jnp
from jax import lax
from jax.experimental import pallas as pl
from jax.experimental.pallas import tpu as pltpu
from jax.experimental.pallas import tpu_sc as plsc

_NC = 2
_NS = 16
_EB = 64
_CG = 8
_RW = 128


def _transform_table(node_states, W, b, E):
    N, D = node_states.shape
    RB = 2000
    assert N % RB == 0

    def body(x_ref, w_ref, b_ref, o_ref):
        acc = lax.dot_general(
            x_ref[...], w_ref[...], (((1,), (1,)), ((), ())),
            preferred_element_type=jnp.float32)
        o_ref[...] = (acc + b_ref[0])[None]

    out = pl.pallas_call(
        body,
        grid=(E, N // RB),
        in_specs=[
            pl.BlockSpec((RB, D), lambda e, r: (r, 0)),
            pl.BlockSpec((D, D), lambda e, r: (e, 0)),
            pl.BlockSpec((1, 1, D), lambda e, r: (e, 0, 0)),
        ],
        out_specs=pl.BlockSpec((1, RB, D), lambda e, r: (e, r, 0)),
        out_shape=jax.ShapeDtypeStruct((E, N, D), jnp.float32),
    )(node_states, W, b.reshape(E, 1, D))
    return out.reshape(E * N, D)


def _scatter_accumulate(src, tgt, tgt_hi, tgt_lo, table, n_pad, D):
    NC, NS, NB, EB = src.shape
    rpt = n_pad // NS
    nck = rpt // EB
    crows = n_pad // _RW
    crows_pad = -(-crows // 8) * 8
    mesh = plsc.VectorSubcoreMesh(core_axis_name="c", subcore_axis_name="s")

    @functools.partial(
        pl.kernel,
        mesh=mesh,
        out_type=[
            jax.ShapeDtypeStruct((NC, n_pad, D), jnp.float32),
            jax.ShapeDtypeStruct((NC, crows, _RW), jnp.float32),
        ],
        scratch_types=[
            pltpu.VMEM_SHARED((n_pad, D), jnp.float32),
            pltpu.VMEM_SHARED((crows_pad, _RW), jnp.float32),
            pltpu.VMEM((_CG, EB), jnp.int32),
            pltpu.VMEM((_CG, EB), jnp.int32),
            pltpu.VMEM((_CG, EB), jnp.int32),
            pltpu.VMEM((_CG, EB), jnp.int32),
            pltpu.VMEM((EB, D), jnp.float32),
            pltpu.VMEM((EB, D), jnp.float32),
            pltpu.VMEM((EB, _RW), jnp.float32),
            pltpu.VMEM((EB, _RW), jnp.float32),
            [pltpu.SemaphoreType.DMA] * 8,
        ],
    )
    def sc_kernel(src_hbm, tgt_hbm, hi_hbm, lo_hbm, table_hbm, zero_hbm,
                  id_hbm, acc_out, cnt_out,
                  acc_sh, cnt_sh, src_v, tgt_v, hi_v, lo_v,
                  rows0, rows1, oh0, oh1, sems):
        c = lax.axis_index("c")
        s = lax.axis_index("s")
        t0 = s * rpt
        rows = (rows0, rows1)
        oh = (oh0, oh1)
        sgm, som, sam, scm = sems[0:2], sems[2:4], sems[4:6], sems[6:8]
        pltpu.sync_copy(zero_hbm, rows0)
        for k in range(nck):
            pltpu.sync_copy(rows0.at[pl.ds(0, EB)],
                            acc_sh.at[pl.ds(t0 + k * EB, EB)])

        @pl.when(s < crows_pad // 8)
        def _zero_cnt_sh():
            pltpu.sync_copy(rows0.at[pl.ds(0, 8)],
                            cnt_sh.at[pl.ds(s * 8, 8)])

        plsc.subcore_barrier()

        def chunk_body(g, carry):
            pltpu.sync_copy(src_hbm.at[c, s, pl.ds(g * _CG, _CG)], src_v)
            pltpu.sync_copy(tgt_hbm.at[c, s, pl.ds(g * _CG, _CG)], tgt_v)
            pltpu.sync_copy(hi_hbm.at[c, s, pl.ds(g * _CG, _CG)], hi_v)
            pltpu.sync_copy(lo_hbm.at[c, s, pl.ds(g * _CG, _CG)], lo_v)
            sca = [None, None]
            scc = [None, None]
            for j in range(_CG):
                b = j & 1
                if sca[b] is not None:
                    sca[b].wait()
                cp_r = pltpu.async_copy(table_hbm.at[src_v.at[j]], rows[b],
                                        sgm[b])
                if scc[b] is not None:
                    scc[b].wait()
                cp_o = pltpu.async_copy(id_hbm.at[lo_v.at[j]], oh[b], som[b])
                cp_r.wait()
                sca[b] = pltpu.async_copy(rows[b], acc_sh.at[tgt_v.at[j]],
                                          sam[b], add=True)
                cp_o.wait()
                scc[b] = pltpu.async_copy(oh[b], cnt_sh.at[hi_v.at[j]],
                                          scm[b], add=True)
            for b in range(2):
                sca[b].wait()
                scc[b].wait()
            return carry

        lax.fori_loop(0, NB // _CG, chunk_body, 0)
        plsc.subcore_barrier()
        for k in range(nck):
            pltpu.sync_copy(acc_sh.at[pl.ds(t0 + k * EB, EB)],
                            rows0.at[pl.ds(0, EB)])
            pltpu.sync_copy(rows0.at[pl.ds(0, EB)],
                            acc_out.at[c, pl.ds(t0 + k * EB, EB)])

        @pl.when(s < crows // 8)
        def _drain_cnt():
            pltpu.sync_copy(cnt_sh.at[pl.ds(s * 8, 8)],
                            oh0.at[pl.ds(0, 8)])
            pltpu.sync_copy(oh0.at[pl.ds(0, 8)],
                            cnt_out.at[c, pl.ds(s * 8, 8)])

    zero = jnp.zeros((_EB, D), jnp.float32)
    id128 = jnp.eye(_RW, dtype=jnp.float32)
    return sc_kernel(src, tgt, tgt_hi, tgt_lo, table, zero, id128)


def _normalize(acc, cnt, n_pad, D):
    RB = 1024
    assert n_pad % RB == 0

    def body(a_ref, c_ref, o_ref):
        p = a_ref[0] + a_ref[1]
        n = c_ref[0] + c_ref[1]
        div = jnp.where(n == 0.0, 1.0, n)
        o_ref[...] = p / div + 1e-8

    return pl.pallas_call(
        body,
        grid=(n_pad // RB,),
        in_specs=[
            pl.BlockSpec((2, RB, D), lambda r: (0, r, 0)),
            pl.BlockSpec((2, RB, 1), lambda r: (0, r, 0)),
        ],
        out_specs=pl.BlockSpec((RB, D), lambda r: (r, 0)),
        out_shape=jax.ShapeDtypeStruct((n_pad, D), jnp.float32),
    )(acc, cnt)


def kernel(edge_lists, node_states, W, b):
    E, M, _ = edge_lists.shape
    N, D = node_states.shape

    table = _transform_table(node_states, W, b, E)

    el = edge_lists.astype(jnp.int32)
    src = (el[:, :, 0] + (jnp.arange(E, dtype=jnp.int32) * N)[:, None]).reshape(-1)
    tgt = el[:, :, 1].reshape(-1)

    lane_total = _NC * _NS * _EB * _CG
    m_tot = E * M
    m_pad = -(-m_tot // lane_total) * lane_total
    n_pad = -(-(N + 1) // (_NS * _EB)) * (_NS * _EB)
    src = jnp.pad(src, (0, m_pad - m_tot))
    tgt = jnp.pad(tgt, (0, m_pad - m_tot), constant_values=N)
    NB = m_pad // (_NC * _NS * _EB)
    shape4 = (_NC, _NS, NB, _EB)
    src = src.reshape(shape4)
    tgt = tgt.reshape(shape4)
    tgt_hi = jax.lax.shift_right_logical(tgt, 7)
    tgt_lo = jax.lax.bitwise_and(tgt, 127)

    acc, cnt = _scatter_accumulate(src, tgt, tgt_hi, tgt_lo, table, n_pad, D)
    out = _normalize(acc, cnt.reshape(_NC, n_pad, 1), n_pad, D)
    return out[:N]

# --- scband reference (transcript-rebuilt; emitter-appended) ---
"""Pipeline reference for scband-ggnnmessage-layer-25194278158854 (READ-ONLY COPY).

The authoritative reference and input builder live on the scoring server;
editing this copy changes nothing except your own understanding.
"""

import jax, jax.numpy as jnp
import numpy as np

SMALL_NUMBER = 1e-08

def setup_inputs(seed: int = 0) -> dict:
    key = jax.random.key(seed)
    k1, k2, k3 = jax.random.split(key, 3)
    n_nodes = 10000
    dim = 128
    edge_type_count = 2
    m_per_type = 160000
    node_states = jax.random.normal(k1, (n_nodes, dim), dtype=jnp.float32)
    edge_lists = jax.random.randint(k2, (edge_type_count, m_per_type, 2), 0, n_nodes, dtype=jnp.int64)
    # LinearNet weight (xavier-uniform style) and zero bias, per init
    fan_in, fan_out = dim, dim * edge_type_count
    limit = float(np.sqrt(6.0 / (fan_in + fan_out)))
    W = jax.random.uniform(k3, (dim * edge_type_count, dim), dtype=jnp.float32, minval=-limit, maxval=limit)
    b = jnp.zeros((dim * edge_type_count,), dtype=jnp.float32)
    return {"edge_lists": edge_lists, "node_states": node_states, "W": W, "b": b}

def reference(edge_lists, node_states, W, b):
    edge_type_count = edge_lists.shape[0]
    n_nodes = node_states.shape[0]
    # transform: F.linear(node_states, W, b), then chunk along feature dim
    propagated = node_states @ W.T + b
    chunks = jnp.split(propagated, edge_type_count, axis=1)
    messages_by_targets = jnp.zeros_like(node_states)
    bincount = jnp.zeros((n_nodes,), dtype=jnp.int32)
    for i in range(edge_type_count):
        edge_sources = edge_lists[i, :, 0]
        edge_targets = edge_lists[i, :, 1]
        messages_by_source = jnp.take(chunks[i], edge_sources, axis=0)
        messages_by_targets = messages_by_targets.at[edge_targets].add(messages_by_source)
        bincount = bincount + jnp.bincount(edge_targets, length=n_nodes)
    divisor = bincount.astype(jnp.float32)
    divisor = jnp.where(bincount == 0, 1.0, divisor)
    messages_by_targets = messages_by_targets / divisor[:, None] + SMALL_NUMBER
    return messages_by_targets

if __name__ == "__main__":
    import jax
    _d = setup_inputs()
    print(jax.jit(kernel)(*tuple(_d.values())))

</pallas_src>

<mosaic_0001>
#map = affine_map<(d0, d1) -> (0, 0, 0, 0)>
#map1 = affine_map<(d0, d1) -> (0, 0)>
#map2 = affine_map<(d0, d1) -> (0, 0, 0)>
module attributes {stable_mosaic.version = 14 : i64} {
  func.func @sc_kernel(%arg0: i32, %arg1: i32, %arg2: memref<2x16x160x64xi32, #tpu.memory_space<hbm>>, %arg3: memref<2x16x160x64xi32, #tpu.memory_space<hbm>>, %arg4: memref<2x16x160x64xi32, #tpu.memory_space<hbm>>, %arg5: memref<2x16x160x64xi32, #tpu.memory_space<hbm>>, %arg6: memref<20000x128xf32, #tpu.memory_space<hbm>>, %arg7: memref<64x128xf32, #tpu.memory_space<hbm>>, %arg8: memref<128x128xf32, #tpu.memory_space<hbm>>, %arg9: memref<2x10240x128xf32, #tpu.memory_space<hbm>>, %arg10: memref<2x80x128xf32, #tpu.memory_space<hbm>>, %arg11: memref<10240x128xf32, #tpu.memory_space<vmem_shared>>, %arg12: memref<80x128xf32, #tpu.memory_space<vmem_shared>>, %arg13: memref<8x64xi32, #tpu.memory_space<vmem>>, %arg14: memref<8x64xi32, #tpu.memory_space<vmem>>, %arg15: memref<8x64xi32, #tpu.memory_space<vmem>>, %arg16: memref<8x64xi32, #tpu.memory_space<vmem>>, %arg17: memref<64x128xf32, #tpu.memory_space<vmem>>, %arg18: memref<64x128xf32, #tpu.memory_space<vmem>>, %arg19: memref<64x128xf32, #tpu.memory_space<vmem>>, %arg20: memref<64x128xf32, #tpu.memory_space<vmem>>, %arg21: memref<!tpu.dma_semaphore, #tpu.memory_space<semaphore_mem>>, %arg22: memref<!tpu.dma_semaphore, #tpu.memory_space<semaphore_mem>>, %arg23: memref<!tpu.dma_semaphore, #tpu.memory_space<semaphore_mem>>, %arg24: memref<!tpu.dma_semaphore, #tpu.memory_space<semaphore_mem>>, %arg25: memref<!tpu.dma_semaphore, #tpu.memory_space<semaphore_mem>>, %arg26: memref<!tpu.dma_semaphore, #tpu.memory_space<semaphore_mem>>, %arg27: memref<!tpu.dma_semaphore, #tpu.memory_space<semaphore_mem>>, %arg28: memref<!tpu.dma_semaphore, #tpu.memory_space<semaphore_mem>>) attributes {dimension_semantics = [#tpu.dimension_semantics<core_parallel>, #tpu.dimension_semantics<subcore_parallel>], iteration_bounds = array<i64: 2, 16>, scalar_prefetch = 0 : i64, scratch_operands = 18 : i64, tpu.core_type = #tpu.core_type<sc_vector_subcore>, window_params = [{transform_indices = #map}, {transform_indices = #map}, {transform_indices = #map}, {transform_indices = #map}, {transform_indices = #map1}, {transform_indices = #map1}, {transform_indices = #map1}, {transform_indices = #map2}, {transform_indices = #map2}]} {
    %mul3A = arith.constant 640 : i32
    %mul3A_0 = arith.muli %arg1, %mul3A : i32
    "tpu.region"() ({
      %run_scoped3A = tpu.sem_alloc : memref<!tpu.dma_semaphore, #tpu.memory_space<semaphore_mem>>
      tpu.enqueue_dma source(%arg7 : memref<64x128xf32, #tpu.memory_space<hbm>>) target(%arg17 : memref<64x128xf32, #tpu.memory_space<vmem>>) target_semaphore(%run_scoped3A : memref<!tpu.dma_semaphore, #tpu.memory_space<semaphore_mem>>)
      tpu.wait_dma2 semaphore(%run_scoped3A : memref<!tpu.dma_semaphore, #tpu.memory_space<semaphore_mem>>) src(%arg7 : memref<64x128xf32, #tpu.memory_space<hbm>>) dst(%arg17 : memref<64x128xf32, #tpu.memory_space<vmem>>)
      tpu.yield
    }) : () -> ()
    %add3A = arith.constant 0 : i32
    %add3A_1 = arith.addi %mul3A_0, %add3A : i32
    "tpu.region"() ({
      %run_scoped3A = tpu.sem_alloc : memref<!tpu.dma_semaphore, #tpu.memory_space<semaphore_mem>>
      %dma_start3A = arith.constant 0 : i32
      %dma_start3A_73 = arith.constant 0 : i32
      %dma_start3A_74 = tpu.memref_slice %arg17[%dma_start3A, %dma_start3A_73] : memref<64x128xf32, #tpu.memory_space<vmem>> -> memref<64x128xf32, #tpu.memory_space<vmem>>
      %dma_start3A_75 = arith.constant 0 : i32
      %dma_start3A_76 = tpu.memref_slice %arg11[%add3A_1, %dma_start3A_75] : memref<10240x128xf32, #tpu.memory_space<vmem_shared>> -> memref<64x128xf32, #tpu.memory_space<vmem_shared>>
      %dma_start3A_77 = arith.constant 0 : i32
      %dma_start3A_78 = tpu.memref_slice %arg11[%add3A_1, %dma_start3A_77] : memref<10240x128xf32, #tpu.memory_space<vmem_shared>> -> memref<64x128xf32, #tpu.memory_space<vmem_shared>>
      %dma_start3A_79 = arith.constant 0 : i32
      %dma_start3A_80 = arith.constant 0 : i32
      %dma_start3A_81 = tpu.memref_slice %arg17[%dma_start3A_79, %dma_start3A_80] : memref<64x128xf32, #tpu.memory_space<vmem>> -> memref<64x128xf32, #tpu.memory_space<vmem>>
      tpu.enqueue_dma source(%dma_start3A_81 : memref<64x128xf32, #tpu.memory_space<vmem>>) target(%dma_start3A_78 : memref<64x128xf32, #tpu.memory_space<vmem_shared>>) target_semaphore(%run_scoped3A : memref<!tpu.dma_semaphore, #tpu.memory_space<semaphore_mem>>)
      %dma_wait3A = arith.constant 0 : i32
      %dma_wait3A_82 = arith.constant 0 : i32
      %dma_wait3A_83 = tpu.memref_slice %arg17[%dma_wait3A, %dma_wait3A_82] : memref<64x128xf32, #tpu.memory_space<vmem>> -> memref<64x128xf32, #tpu.memory_space<vmem>>
      %dma_wait3A_84 = arith.constant 0 : i32
      %dma_wait3A_85 = tpu.memref_slice %arg11[%add3A_1, %dma_wait3A_84] : memref<10240x128xf32, #tpu.memory_space<vmem_shared>> -> memref<64x128xf32, #tpu.memory_space<vmem_shared>>
      %dma_wait3A_86 = arith.constant 0 : i32
      %dma_wait3A_87 = tpu.memref_slice %arg11[%add3A_1, %dma_wait3A_86] : memref<10240x128xf32, #tpu.memory_space<vmem_shared>> -> memref<64x128xf32, #tpu.memory_space<vmem_shared>>
      %dma_wait3A_88 = arith.constant 0 : i32
      %dma_wait3A_89 = arith.constant 0 : i32
      %dma_wait3A_90 = tpu.memref_slice %arg17[%dma_wait3A_88, %dma_wait3A_89] : memref<64x128xf32, #tpu.memory_space<vmem>> -> memref<64x128xf32, #tpu.memory_space<vmem>>
      tpu.wait_dma2 semaphore(%run_scoped3A : memref<!tpu.dma_semaphore, #tpu.memory_space<semaphore_mem>>) src(%dma_wait3A_90 : memref<64x128xf32, #tpu.memory_space<vmem>>) dst(%dma_wait3A_87 : memref<64x128xf32, #tpu.memory_space<vmem_shared>>)
      tpu.yield
    }) : () -> ()
    %add3A_2 = arith.constant 64 : i32
    %add3A_3 = arith.addi %mul3A_0, %add3A_2 : i32
    "tpu.region"() ({
      %run_scoped3A = tpu.sem_alloc : memref<!tpu.dma_semaphore, #tpu.memory_space<semaphore_mem>>
      %dma_start3A = arith.constant 0 : i32
      %dma_start3A_73 = arith.constant 0 : i32
      %dma_start3A_74 = tpu.memref_slice %arg17[%dma_start3A, %dma_start3A_73] : memref<64x128xf32, #tpu.memory_space<vmem>> -> memref<64x128xf32, #tpu.memory_space<vmem>>
      %dma_start3A_75 = arith.constant 0 : i32
      %dma_start3A_76 = tpu.memref_slice %arg11[%add3A_3, %dma_start3A_75] : memref<10240x128xf32, #tpu.memory_space<vmem_shared>> -> memref<64x128xf32, #tpu.memory_space<vmem_shared>>
      %dma_start3A_77 = arith.constant 0 : i32
      %dma_start3A_78 = tpu.memref_slice %arg11[%add3A_3, %dma_start3A_77] : memref<10240x128xf32, #tpu.memory_space<vmem_shared>> -> memref<64x128xf32, #tpu.memory_space<vmem_shared>>
      %dma_start3A_79 = arith.constant 0 : i32
      %dma_start3A_80 = arith.constant 0 : i32
      %dma_start3A_81 = tpu.memref_slice %arg17[%dma_start3A_79, %dma_start3A_80] : memref<64x128xf32, #tpu.memory_space<vmem>> -> memref<64x128xf32, #tpu.memory_space<vmem>>
      tpu.enqueue_dma source(%dma_start3A_81 : memref<64x128xf32, #tpu.memory_space<vmem>>) target(%dma_start3A_78 : memref<64x128xf32, #tpu.memory_space<vmem_shared>>) target_semaphore(%run_scoped3A : memref<!tpu.dma_semaphore, #tpu.memory_space<semaphore_mem>>)
      %dma_wait3A = arith.constant 0 : i32
      %dma_wait3A_82 = arith.constant 0 : i32
      %dma_wait3A_83 = tpu.memref_slice %arg17[%dma_wait3A, %dma_wait3A_82] : memref<64x128xf32, #tpu.memory_space<vmem>> -> memref<64x128xf32, #tpu.memory_space<vmem>>
      %dma_wait3A_84 = arith.constant 0 : i32
      %dma_wait3A_85 = tpu.memref_slice %arg11[%add3A_3, %dma_wait3A_84] : memref<10240x128xf32, #tpu.memory_space<vmem_shared>> -> memref<64x128xf32, #tpu.memory_space<vmem_shared>>
      %dma_wait3A_86 = arith.constant 0 : i32
      %dma_wait3A_87 = tpu.memref_slice %arg11[%add3A_3, %dma_wait3A_86] : memref<10240x128xf32, #tpu.memory_space<vmem_shared>> -> memref<64x128xf32, #tpu.memory_space<vmem_shared>>
      %dma_wait3A_88 = arith.constant 0 : i32
      %dma_wait3A_89 = arith.constant 0 : i32
      %dma_wait3A_90 = tpu.memref_slice %arg17[%dma_wait3A_88, %dma_wait3A_89] : memref<64x128xf32, #tpu.memory_space<vmem>> -> memref<64x128xf32, #tpu.memory_space<vmem>>
      tpu.wait_dma2 semaphore(%run_scoped3A : memref<!tpu.dma_semaphore, #tpu.memory_space<semaphore_mem>>) src(%dma_wait3A_90 : memref<64x128xf32, #tpu.memory_space<vmem>>) dst(%dma_wait3A_87 : memref<64x128xf32, #tpu.memory_space<vmem_shared>>)
      tpu.yield
    }) : () -> ()
    %add3A_4 = arith.constant 128 : i32
    %add3A_5 = arith.addi %mul3A_0, %add3A_4 : i32
    "tpu.region"() ({
      %run_scoped3A = tpu.sem_alloc : memref<!tpu.dma_semaphore, #tpu.memory_space<semaphore_mem>>
      %dma_start3A = arith.constant 0 : i32
      %dma_start3A_73 = arith.constant 0 : i32
      %dma_start3A_74 = tpu.memref_slice %arg17[%dma_start3A, %dma_start3A_73] : memref<64x128xf32, #tpu.memory_space<vmem>> -> memref<64x128xf32, #tpu.memory_space<vmem>>
      %dma_start3A_75 = arith.constant 0 : i32
      %dma_start3A_76 = tpu.memref_slice %arg11[%add3A_5, %dma_start3A_75] : memref<10240x128xf32, #tpu.memory_space<vmem_shared>> -> memref<64x128xf32, #tpu.memory_space<vmem_shared>>
      %dma_start3A_77 = arith.constant 0 : i32
      %dma_start3A_78 = tpu.memref_slice %arg11[%add3A_5, %dma_start3A_77] : memref<10240x128xf32, #tpu.memory_space<vmem_shared>> -> memref<64x128xf32, #tpu.memory_space<vmem_shared>>
      %dma_start3A_79 = arith.constant 0 : i32
      %dma_start3A_80 = arith.constant 0 : i32
      %dma_start3A_81 = tpu.memref_slice %arg17[%dma_start3A_79, %dma_start3A_80] : memref<64x128xf32, #tpu.memory_space<vmem>> -> memref<64x128xf32, #tpu.memory_space<vmem>>
      tpu.enqueue_dma source(%dma_start3A_81 : memref<64x128xf32, #tpu.memory_space<vmem>>) target(%dma_start3A_78 : memref<64x128xf32, #tpu.memory_space<vmem_shared>>) target_semaphore(%run_scoped3A : memref<!tpu.dma_semaphore, #tpu.memory_space<semaphore_mem>>)
      %dma_wait3A = arith.constant 0 : i32
      %dma_wait3A_82 = arith.constant 0 : i32
      %dma_wait3A_83 = tpu.memref_slice %arg17[%dma_wait3A, %dma_wait3A_82] : memref<64x128xf32, #tpu.memory_space<vmem>> -> memref<64x128xf32, #tpu.memory_space<vmem>>
      %dma_wait3A_84 = arith.constant 0 : i32
      %dma_wait3A_85 = tpu.memref_slice %arg11[%add3A_5, %dma_wait3A_84] : memref<10240x128xf32, #tpu.memory_space<vmem_shared>> -> memref<64x128xf32, #tpu.memory_space<vmem_shared>>
      %dma_wait3A_86 = arith.constant 0 : i32
      %dma_wait3A_87 = tpu.memref_slice %arg11[%add3A_5, %dma_wait3A_86] : memref<10240x128xf32, #tpu.memory_space<vmem_shared>> -> memref<64x128xf32, #tpu.memory_space<vmem_shared>>
      %dma_wait3A_88 = arith.constant 0 : i32
      %dma_wait3A_89 = arith.constant 0 : i32
      %dma_wait3A_90 = tpu.memref_slice %arg17[%dma_wait3A_88, %dma_wait3A_89] : memref<64x128xf32, #tpu.memory_space<vmem>> -> memref<64x128xf32, #tpu.memory_space<vmem>>
      tpu.wait_dma2 semaphore(%run_scoped3A : memref<!tpu.dma_semaphore, #tpu.memory_space<semaphore_mem>>) src(%dma_wait3A_90 : memref<64x128xf32, #tpu.memory_space<vmem>>) dst(%dma_wait3A_87 : memref<64x128xf32, #tpu.memory_space<vmem_shared>>)
      tpu.yield
    }) : () -> ()
    %add3A_6 = arith.constant 192 : i32
    %add3A_7 = arith.addi %mul3A_0, %add3A_6 : i32
    "tpu.region"() ({
      %run_scoped3A = tpu.sem_alloc : memref<!tpu.dma_semaphore, #tpu.memory_space<semaphore_mem>>
      %dma_start3A = arith.constant 0 : i32
      %dma_start3A_73 = arith.constant 0 : i32
      %dma_start3A_74 = tpu.memref_slice %arg17[%dma_start3A, %dma_start3A_73] : memref<64x128xf32, #tpu.memory_space<vmem>> -> memref<64x128xf32, #tpu.memory_space<vmem>>
      %dma_start3A_75 = arith.constant 0 : i32
      %dma_start3A_76 = tpu.memref_slice %arg11[%add3A_7, %dma_start3A_75] : memref<10240x128xf32, #tpu.memory_space<vmem_shared>> -> memref<64x128xf32, #tpu.memory_space<vmem_shared>>
      %dma_start3A_77 = arith.constant 0 : i32
      %dma_start3A_78 = tpu.memref_slice %arg11[%add3A_7, %dma_start3A_77] : memref<10240x128xf32, #tpu.memory_space<vmem_shared>> -> memref<64x128xf32, #tpu.memory_space<vmem_shared>>
      %dma_start3A_79 = arith.constant 0 : i32
      %dma_start3A_80 = arith.constant 0 : i32
      %dma_start3A_81 = tpu.memref_slice %arg17[%dma_start3A_79, %dma_start3A_80] : memref<64x128xf32, #tpu.memory_space<vmem>> -> memref<64x128xf32, #tpu.memory_space<vmem>>
      tpu.enqueue_dma source(%dma_start3A_81 : memref<64x128xf32, #tpu.memory_space<vmem>>) target(%dma_start3A_78 : memref<64x128xf32, #tpu.memory_space<vmem_shared>>) target_semaphore(%run_scoped3A : memref<!tpu.dma_semaphore, #tpu.memory_space<semaphore_mem>>)
      %dma_wait3A = arith.constant 0 : i32
      %dma_wait3A_82 = arith.constant 0 : i32
      %dma_wait3A_83 = tpu.memref_slice %arg17[%dma_wait3A, %dma_wait3A_82] : memref<64x128xf32, #tpu.memory_space<vmem>> -> memref<64x128xf32, #tpu.memory_space<vmem>>
      %dma_wait3A_84 = arith.constant 0 : i32
      %dma_wait3A_85 = tpu.memref_slice %arg11[%add3A_7, %dma_wait3A_84] : memref<10240x128xf32, #tpu.memory_space<vmem_shared>> -> memref<64x128xf32, #tpu.memory_space<vmem_shared>>
      %dma_wait3A_86 = arith.constant 0 : i32
      %dma_wait3A_87 = tpu.memref_slice %arg11[%add3A_7, %dma_wait3A_86] : memref<10240x128xf32, #tpu.memory_space<vmem_shared>> -> memref<64x128xf32, #tpu.memory_space<vmem_shared>>
      %dma_wait3A_88 = arith.constant 0 : i32
      %dma_wait3A_89 = arith.constant 0 : i32
      %dma_wait3A_90 = tpu.memref_slice %arg17[%dma_wait3A_88, %dma_wait3A_89] : memref<64x128xf32, #tpu.memory_space<vmem>> -> memref<64x128xf32, #tpu.memory_space<vmem>>
      tpu.wait_dma2 semaphore(%run_scoped3A : memref<!tpu.dma_semaphore, #tpu.memory_space<semaphore_mem>>) src(%dma_wait3A_90 : memref<64x128xf32, #tpu.memory_space<vmem>>) dst(%dma_wait3A_87 : memref<64x128xf32, #tpu.memory_space<vmem_shared>>)
      tpu.yield
    }) : () -> ()
    %add3A_8 = arith.constant 256 : i32
    %add3A_9 = arith.addi %mul3A_0, %add3A_8 : i32
    "tpu.region"() ({
      %run_scoped3A = tpu.sem_alloc : memref<!tpu.dma_semaphore, #tpu.memory_space<semaphore_mem>>
      %dma_start3A = arith.constant 0 : i32
      %dma_start3A_73 = arith.constant 0 : i32
      %dma_start3A_74 = tpu.memref_slice %arg17[%dma_start3A, %dma_start3A_73] : memref<64x128xf32, #tpu.memory_space<vmem>> -> memref<64x128xf32, #tpu.memory_space<vmem>>
      %dma_start3A_75 = arith.constant 0 : i32
      %dma_start3A_76 = tpu.memref_slice %arg11[%add3A_9, %dma_start3A_75] : memref<10240x128xf32, #tpu.memory_space<vmem_shared>> -> memref<64x128xf32, #tpu.memory_space<vmem_shared>>
      %dma_start3A_77 = arith.constant 0 : i32
      %dma_start3A_78 = tpu.memref_slice %arg11[%add3A_9, %dma_start3A_77] : memref<10240x128xf32, #tpu.memory_space<vmem_shared>> -> memref<64x128xf32, #tpu.memory_space<vmem_shared>>
      %dma_start3A_79 = arith.constant 0 : i32
      %dma_start3A_80 = arith.constant 0 : i32
      %dma_start3A_81 = tpu.memref_slice %arg17[%dma_start3A_79, %dma_start3A_80] : memref<64x128xf32, #tpu.memory_space<vmem>> -> memref<64x128xf32, #tpu.memory_space<vmem>>
      tpu.enqueue_dma source(%dma_start3A_81 : memref<64x128xf32, #tpu.memory_space<vmem>>) target(%dma_start3A_78 : memref<64x128xf32, #tpu.memory_space<vmem_shared>>) target_semaphore(%run_scoped3A : memref<!tpu.dma_semaphore, #tpu.memory_space<semaphore_mem>>)
      %dma_wait3A = arith.constant 0 : i32
      %dma_wait3A_82 = arith.constant 0 : i32
      %dma_wait3A_83 = tpu.memref_slice %arg17[%dma_wait3A, %dma_wait3A_82] : memref<64x128xf32, #tpu.memory_space<vmem>> -> memref<64x128xf32, #tpu.memory_space<vmem>>
      %dma_wait3A_84 = arith.constant 0 : i32
      %dma_wait3A_85 = tpu.memref_slice %arg11[%add3A_9, %dma_wait3A_84] : memref<10240x128xf32, #tpu.memory_space<vmem_shared>> -> memref<64x128xf32, #tpu.memory_space<vmem_shared>>
      %dma_wait3A_86 = arith.constant 0 : i32
      %dma_wait3A_87 = tpu.memref_slice %arg11[%add3A_9, %dma_wait3A_86] : memref<10240x128xf32, #tpu.memory_space<vmem_shared>> -> memref<64x128xf32, #tpu.memory_space<vmem_shared>>
      %dma_wait3A_88 = arith.constant 0 : i32
      %dma_wait3A_89 = arith.constant 0 : i32
      %dma_wait3A_90 = tpu.memref_slice %arg17[%dma_wait3A_88, %dma_wait3A_89] : memref<64x128xf32, #tpu.memory_space<vmem>> -> memref<64x128xf32, #tpu.memory_space<vmem>>
      tpu.wait_dma2 semaphore(%run_scoped3A : memref<!tpu.dma_semaphore, #tpu.memory_space<semaphore_mem>>) src(%dma_wait3A_90 : memref<64x128xf32, #tpu.memory_space<vmem>>) dst(%dma_wait3A_87 : memref<64x128xf32, #tpu.memory_space<vmem_shared>>)
      tpu.yield
    }) : () -> ()
    %add3A_10 = arith.constant 320 : i32
    %add3A_11 = arith.addi %mul3A_0, %add3A_10 : i32
    "tpu.region"() ({
      %run_scoped3A = tpu.sem_alloc : memref<!tpu.dma_semaphore, #tpu.memory_space<semaphore_mem>>
      %dma_start3A = arith.constant 0 : i32
      %dma_start3A_73 = arith.constant 0 : i32
      %dma_start3A_74 = tpu.memref_slice %arg17[%dma_start3A, %dma_start3A_73] : memref<64x128xf32, #tpu.memory_space<vmem>> -> memref<64x128xf32, #tpu.memory_space<vmem>>
      %dma_start3A_75 = arith.constant 0 : i32
      %dma_start3A_76 = tpu.memref_slice %arg11[%add3A_11, %dma_start3A_75] : memref<10240x128xf32, #tpu.memory_space<vmem_shared>> -> memref<64x128xf32, #tpu.memory_space<vmem_shared>>
      %dma_start3A_77 = arith.constant 0 : i32
      %dma_start3A_78 = tpu.memref_slice %arg11[%add3A_11, %dma_start3A_77] : memref<10240x128xf32, #tpu.memory_space<vmem_shared>> -> memref<64x128xf32, #tpu.memory_space<vmem_shared>>
      %dma_start3A_79 = arith.constant 0 : i32
      %dma_start3A_80 = arith.constant 0 : i32
      %dma_start3A_81 = tpu.memref_slice %arg17[%dma_start3A_79, %dma_start3A_80] : memref<64x128xf32, #tpu.memory_space<vmem>> -> memref<64x128xf32, #tpu.memory_space<vmem>>
      tpu.enqueue_dma source(%dma_start3A_81 : memref<64x128xf32, #tpu.memory_space<vmem>>) target(%dma_start3A_78 : memref<64x128xf32, #tpu.memory_space<vmem_shared>>) target_semaphore(%run_scoped3A : memref<!tpu.dma_semaphore, #tpu.memory_space<semaphore_mem>>)
      %dma_wait3A = arith.constant 0 : i32
      %dma_wait3A_82 = arith.constant 0 : i32
      %dma_wait3A_83 = tpu.memref_slice %arg17[%dma_wait3A, %dma_wait3A_82] : memref<64x128xf32, #tpu.memory_space<vmem>> -> memref<64x128xf32, #tpu.memory_space<vmem>>
      %dma_wait3A_84 = arith.constant 0 : i32
      %dma_wait3A_85 = tpu.memref_slice %arg11[%add3A_11, %dma_wait3A_84] : memref<10240x128xf32, #tpu.memory_space<vmem_shared>> -> memref<64x128xf32, #tpu.memory_space<vmem_shared>>
      %dma_wait3A_86 = arith.constant 0 : i32
      %dma_wait3A_87 = tpu.memref_slice %arg11[%add3A_11, %dma_wait3A_86] : memref<10240x128xf32, #tpu.memory_space<vmem_shared>> -> memref<64x128xf32, #tpu.memory_space<vmem_shared>>
      %dma_wait3A_88 = arith.constant 0 : i32
      %dma_wait3A_89 = arith.constant 0 : i32
      %dma_wait3A_90 = tpu.memref_slice %arg17[%dma_wait3A_88, %dma_wait3A_89] : memref<64x128xf32, #tpu.memory_space<vmem>> -> memref<64x128xf32, #tpu.memory_space<vmem>>
      tpu.wait_dma2 semaphore(%run_scoped3A : memref<!tpu.dma_semaphore, #tpu.memory_space<semaphore_mem>>) src(%dma_wait3A_90 : memref<64x128xf32, #tpu.memory_space<vmem>>) dst(%dma_wait3A_87 : memref<64x128xf32, #tpu.memory_space<vmem_shared>>)
      tpu.yield
    }) : () -> ()
    %add3A_12 = arith.constant 384 : i32
    %add3A_13 = arith.addi %mul3A_0, %add3A_12 : i32
    "tpu.region"() ({
      %run_scoped3A = tpu.sem_alloc : memref<!tpu.dma_semaphore, #tpu.memory_space<semaphore_mem>>
      %dma_start3A = arith.constant 0 : i32
      %dma_start3A_73 = arith.constant 0 : i32
      %dma_start3A_74 = tpu.memref_slice %arg17[%dma_start3A, %dma_start3A_73] : memref<64x128xf32, #tpu.memory_space<vmem>> -> memref<64x128xf32, #tpu.memory_space<vmem>>
      %dma_start3A_75 = arith.constant 0 : i32
      %dma_start3A_76 = tpu.memref_slice %arg11[%add3A_13, %dma_start3A_75] : memref<10240x128xf32, #tpu.memory_space<vmem_shared>> -> memref<64x128xf32, #tpu.memory_space<vmem_shared>>
      %dma_start3A_77 = arith.constant 0 : i32
      %dma_start3A_78 = tpu.memref_slice %arg11[%add3A_13, %dma_start3A_77] : memref<10240x128xf32, #tpu.memory_space<vmem_shared>> -> memref<64x128xf32, #tpu.memory_space<vmem_shared>>
      %dma_start3A_79 = arith.constant 0 : i32
      %dma_start3A_80 = arith.constant 0 : i32
      %dma_start3A_81 = tpu.memref_slice %arg17[%dma_start3A_79, %dma_start3A_80] : memref<64x128xf32, #tpu.memory_space<vmem>> -> memref<64x128xf32, #tpu.memory_space<vmem>>
      tpu.enqueue_dma source(%dma_start3A_81 : memref<64x128xf32, #tpu.memory_space<vmem>>) target(%dma_start3A_78 : memref<64x128xf32, #tpu.memory_space<vmem_shared>>) target_semaphore(%run_scoped3A : memref<!tpu.dma_semaphore, #tpu.memory_space<semaphore_mem>>)
      %dma_wait3A = arith.constant 0 : i32
      %dma_wait3A_82 = arith.constant 0 : i32
      %dma_wait3A_83 = tpu.memref_slice %arg17[%dma_wait3A, %dma_wait3A_82] : memref<64x128xf32, #tpu.memory_space<vmem>> -> memref<64x128xf32, #tpu.memory_space<vmem>>
      %dma_wait3A_84 = arith.constant 0 : i32
      %dma_wait3A_85 = tpu.memref_slice %arg11[%add3A_13, %dma_wait3A_84] : memref<10240x128xf32, #tpu.memory_space<vmem_shared>> -> memref<64x128xf32, #tpu.memory_space<vmem_shared>>
      %dma_wait3A_86 = arith.constant 0 : i32
      %dma_wait3A_87 = tpu.memref_slice %arg11[%add3A_13, %dma_wait3A_86] : memref<10240x128xf32, #tpu.memory_space<vmem_shared>> -> memref<64x128xf32, #tpu.memory_space<vmem_shared>>
      %dma_wait3A_88 = arith.constant 0 : i32
      %dma_wait3A_89 = arith.constant 0 : i32
      %dma_wait3A_90 = tpu.memref_slice %arg17[%dma_wait3A_88, %dma_wait3A_89] : memref<64x128xf32, #tpu.memory_space<vmem>> -> memref<64x128xf32, #tpu.memory_space<vmem>>
      tpu.wait_dma2 semaphore(%run_scoped3A : memref<!tpu.dma_semaphore, #tpu.memory_space<semaphore_mem>>) src(%dma_wait3A_90 : memref<64x128xf32, #tpu.memory_space<vmem>>) dst(%dma_wait3A_87 : memref<64x128xf32, #tpu.memory_space<vmem_shared>>)
      tpu.yield
    }) : () -> ()
    %add3A_14 = arith.constant 448 : i32
    %add3A_15 = arith.addi %mul3A_0, %add3A_14 : i32
    "tpu.region"() ({
      %run_scoped3A = tpu.sem_alloc : memref<!tpu.dma_semaphore, #tpu.memory_space<semaphore_mem>>
      %dma_start3A = arith.constant 0 : i32
      %dma_start3A_73 = arith.constant 0 : i32
      %dma_start3A_74 = tpu.memref_slice %arg17[%dma_start3A, %dma_start3A_73] : memref<64x128xf32, #tpu.memory_space<vmem>> -> memref<64x128xf32, #tpu.memory_space<vmem>>
      %dma_start3A_75 = arith.constant 0 : i32
      %dma_start3A_76 = tpu.memref_slice %arg11[%add3A_15, %dma_start3A_75] : memref<10240x128xf32, #tpu.memory_space<vmem_shared>> -> memref<64x128xf32, #tpu.memory_space<vmem_shared>>
      %dma_start3A_77 = arith.constant 0 : i32
      %dma_start3A_78 = tpu.memref_slice %arg11[%add3A_15, %dma_start3A_77] : memref<10240x128xf32, #tpu.memory_space<vmem_shared>> -> memref<64x128xf32, #tpu.memory_space<vmem_shared>>
      %dma_start3A_79 = arith.constant 0 : i32
      %dma_start3A_80 = arith.constant 0 : i32
      %dma_start3A_81 = tpu.memref_slice %arg17[%dma_start3A_79, %dma_start3A_80] : memref<64x128xf32, #tpu.memory_space<vmem>> -> memref<64x128xf32, #tpu.memory_space<vmem>>
      tpu.enqueue_dma source(%dma_start3A_81 : memref<64x128xf32, #tpu.memory_space<vmem>>) target(%dma_start3A_78 : memref<64x128xf32, #tpu.memory_space<vmem_shared>>) target_semaphore(%run_scoped3A : memref<!tpu.dma_semaphore, #tpu.memory_space<semaphore_mem>>)
      %dma_wait3A = arith.constant 0 : i32
      %dma_wait3A_82 = arith.constant 0 : i32
      %dma_wait3A_83 = tpu.memref_slice %arg17[%dma_wait3A, %dma_wait3A_82] : memref<64x128xf32, #tpu.memory_space<vmem>> -> memref<64x128xf32, #tpu.memory_space<vmem>>
      %dma_wait3A_84 = arith.constant 0 : i32
      %dma_wait3A_85 = tpu.memref_slice %arg11[%add3A_15, %dma_wait3A_84] : memref<10240x128xf32, #tpu.memory_space<vmem_shared>> -> memref<64x128xf32, #tpu.memory_space<vmem_shared>>
      %dma_wait3A_86 = arith.constant 0 : i32
      %dma_wait3A_87 = tpu.memref_slice %arg11[%add3A_15, %dma_wait3A_86] : memref<10240x128xf32, #tpu.memory_space<vmem_shared>> -> memref<64x128xf32, #tpu.memory_space<vmem_shared>>
      %dma_wait3A_88 = arith.constant 0 : i32
      %dma_wait3A_89 = arith.constant 0 : i32
      %dma_wait3A_90 = tpu.memref_slice %arg17[%dma_wait3A_88, %dma_wait3A_89] : memref<64x128xf32, #tpu.memory_space<vmem>> -> memref<64x128xf32, #tpu.memory_space<vmem>>
      tpu.wait_dma2 semaphore(%run_scoped3A : memref<!tpu.dma_semaphore, #tpu.memory_space<semaphore_mem>>) src(%dma_wait3A_90 : memref<64x128xf32, #tpu.memory_space<vmem>>) dst(%dma_wait3A_87 : memref<64x128xf32, #tpu.memory_space<vmem_shared>>)
      tpu.yield
    }) : () -> ()
    %add3A_16 = arith.constant 512 : i32
    %add3A_17 = arith.addi %mul3A_0, %add3A_16 : i32
    "tpu.region"() ({
      %run_scoped3A = tpu.sem_alloc : memref<!tpu.dma_semaphore, #tpu.memory_space<semaphore_mem>>
      %dma_start3A = arith.constant 0 : i32
      %dma_start3A_73 = arith.constant 0 : i32
      %dma_start3A_74 = tpu.memref_slice %arg17[%dma_start3A, %dma_start3A_73] : memref<64x128xf32, #tpu.memory_space<vmem>> -> memref<64x128xf32, #tpu.memory_space<vmem>>
      %dma_start3A_75 = arith.constant 0 : i32
      %dma_start3A_76 = tpu.memref_slice %arg11[%add3A_17, %dma_start3A_75] : memref<10240x128xf32, #tpu.memory_space<vmem_shared>> -> memref<64x128xf32, #tpu.memory_space<vmem_shared>>
      %dma_start3A_77 = arith.constant 0 : i32
      %dma_start3A_78 = tpu.memref_slice %arg11[%add3A_17, %dma_start3A_77] : memref<10240x128xf32, #tpu.memory_space<vmem_shared>> -> memref<64x128xf32, #tpu.memory_space<vmem_shared>>
      %dma_start3A_79 = arith.constant 0 : i32
      %dma_start3A_80 = arith.constant 0 : i32
      %dma_start3A_81 = tpu.memref_slice %arg17[%dma_start3A_79, %dma_start3A_80] : memref<64x128xf32, #tpu.memory_space<vmem>> -> memref<64x128xf32, #tpu.memory_space<vmem>>
      tpu.enqueue_dma source(%dma_start3A_81 : memref<64x128xf32, #tpu.memory_space<vmem>>) target(%dma_start3A_78 : memref<64x128xf32, #tpu.memory_space<vmem_shared>>) target_semaphore(%run_scoped3A : memref<!tpu.dma_semaphore, #tpu.memory_space<semaphore_mem>>)
      %dma_wait3A = arith.constant 0 : i32
      %dma_wait3A_82 = arith.constant 0 : i32
      %dma_wait3A_83 = tpu.memref_slice %arg17[%dma_wait3A, %dma_wait3A_82] : memref<64x128xf32, #tpu.memory_space<vmem>> -> memref<64x128xf32, #tpu.memory_space<vmem>>
      %dma_wait3A_84 = arith.constant 0 : i32
      %dma_wait3A_85 = tpu.memref_slice %arg11[%add3A_17, %dma_wait3A_84] : memref<10240x128xf32, #tpu.memory_space<vmem_shared>> -> memref<64x128xf32, #tpu.memory_space<vmem_shared>>
      %dma_wait3A_86 = arith.constant 0 : i32
      %dma_wait3A_87 = tpu.memref_slice %arg11[%add3A_17, %dma_wait3A_86] : memref<10240x128xf32, #tpu.memory_space<vmem_shared>> -> memref<64x128xf32, #tpu.memory_space<vmem_shared>>
      %dma_wait3A_88 = arith.constant 0 : i32
      %dma_wait3A_89 = arith.constant 0 : i32
      %dma_wait3A_90 = tpu.memref_slice %arg17[%dma_wait3A_88, %dma_wait3A_89] : memref<64x128xf32, #tpu.memory_space<vmem>> -> memref<64x128xf32, #tpu.memory_space<vmem>>
      tpu.wait_dma2 semaphore(%run_scoped3A : memref<!tpu.dma_semaphore, #tpu.memory_space<semaphore_mem>>) src(%dma_wait3A_90 : memref<64x128xf32, #tpu.memory_space<vmem>>) dst(%dma_wait3A_87 : memref<64x128xf32, #tpu.memory_space<vmem_shared>>)
      tpu.yield
    }) : () -> ()
    %add3A_18 = arith.constant 576 : i32
    %add3A_19 = arith.addi %mul3A_0, %add3A_18 : i32
    "tpu.region"() ({
      %run_scoped3A = tpu.sem_alloc : memref<!tpu.dma_semaphore, #tpu.memory_space<semaphore_mem>>
      %dma_start3A = arith.constant 0 : i32
      %dma_start3A_73 = arith.constant 0 : i32
      %dma_start3A_74 = tpu.memref_slice %arg17[%dma_start3A, %dma_start3A_73] : memref<64x128xf32, #tpu.memory_space<vmem>> -> memref<64x128xf32, #tpu.memory_space<vmem>>
      %dma_start3A_75 = arith.constant 0 : i32
      %dma_start3A_76 = tpu.memref_slice %arg11[%add3A_19, %dma_start3A_75] : memref<10240x128xf32, #tpu.memory_space<vmem_shared>> -> memref<64x128xf32, #tpu.memory_space<vmem_shared>>
      %dma_start3A_77 = arith.constant 0 : i32
      %dma_start3A_78 = tpu.memref_slice %arg11[%add3A_19, %dma_start3A_77] : memref<10240x128xf32, #tpu.memory_space<vmem_shared>> -> memref<64x128xf32, #tpu.memory_space<vmem_shared>>
      %dma_start3A_79 = arith.constant 0 : i32
      %dma_start3A_80 = arith.constant 0 : i32
      %dma_start3A_81 = tpu.memref_slice %arg17[%dma_start3A_79, %dma_start3A_80] : memref<64x128xf32, #tpu.memory_space<vmem>> -> memref<64x128xf32, #tpu.memory_space<vmem>>
      tpu.enqueue_dma source(%dma_start3A_81 : memref<64x128xf32, #tpu.memory_space<vmem>>) target(%dma_start3A_78 : memref<64x128xf32, #tpu.memory_space<vmem_shared>>) target_semaphore(%run_scoped3A : memref<!tpu.dma_semaphore, #tpu.memory_space<semaphore_mem>>)
      %dma_wait3A = arith.constant 0 : i32
      %dma_wait3A_82 = arith.constant 0 : i32
      %dma_wait3A_83 = tpu.memref_slice %arg17[%dma_wait3A, %dma_wait3A_82] : memref<64x128xf32, #tpu.memory_space<vmem>> -> memref<64x128xf32, #tpu.memory_space<vmem>>
      %dma_wait3A_84 = arith.constant 0 : i32
      %dma_wait3A_85 = tpu.memref_slice %arg11[%add3A_19, %dma_wait3A_84] : memref<10240x128xf32, #tpu.memory_space<vmem_shared>> -> memref<64x128xf32, #tpu.memory_space<vmem_shared>>
      %dma_wait3A_86 = arith.constant 0 : i32
      %dma_wait3A_87 = tpu.memref_slice %arg11[%add3A_19, %dma_wait3A_86] : memref<10240x128xf32, #tpu.memory_space<vmem_shared>> -> memref<64x128xf32, #tpu.memory_space<vmem_shared>>
      %dma_wait3A_88 = arith.constant 0 : i32
      %dma_wait3A_89 = arith.constant 0 : i32
      %dma_wait3A_90 = tpu.memref_slice %arg17[%dma_wait3A_88, %dma_wait3A_89] : memref<64x128xf32, #tpu.memory_space<vmem>> -> memref<64x128xf32, #tpu.memory_space<vmem>>
      tpu.wait_dma2 semaphore(%run_scoped3A : memref<!tpu.dma_semaphore, #tpu.memory_space<semaphore_mem>>) src(%dma_wait3A_90 : memref<64x128xf32, #tpu.memory_space<vmem>>) dst(%dma_wait3A_87 : memref<64x128xf32, #tpu.memory_space<vmem_shared>>)
      tpu.yield
    }) : () -> ()
    %lt3A = arith.constant 10 : i32
    %lt3A_20 = arith.cmpi slt, %arg1, %lt3A : i32
    %convert_element_type3A = arith.extui %lt3A_20 : i1 to i32
    %cond3A = arith.constant 0 : i32
    %cond3A_21 = arith.cmpi ne, %convert_element_type3A, %cond3A : i32
    scf.if %cond3A_21 {
      %mul3A_73 = arith.constant 8 : i32
      %mul3A_74 = arith.muli %arg1, %mul3A_73 : i32
      "tpu.region"() ({
        %run_scoped3A = tpu.sem_alloc : memref<!tpu.dma_semaphore, #tpu.memory_space<semaphore_mem>>
        %dma_start3A = arith.constant 0 : i32
        %dma_start3A_75 = arith.constant 0 : i32
        %dma_start3A_76 = tpu.memref_slice %arg17[%dma_start3A, %dma_start3A_75] : memref<64x128xf32, #tpu.memory_space<vmem>> -> memref<8x128xf32, #tpu.memory_space<vmem>>
        %dma_start3A_77 = arith.constant 0 : i32
        %dma_start3A_78 = tpu.memref_slice %arg12[%mul3A_74, %dma_start3A_77] : memref<80x128xf32, #tpu.memory_space<vmem_shared>> -> memref<8x128xf32, #tpu.memory_space<vmem_shared>>
        %dma_start3A_79 = arith.constant 0 : i32
        %dma_start3A_80 = tpu.memref_slice %arg12[%mul3A_74, %dma_start3A_79] : memref<80x128xf32, #tpu.memory_space<vmem_shared>> -> memref<8x128xf32, #tpu.memory_space<vmem_shared>>
        %dma_start3A_81 = arith.constant 0 : i32
        %dma_start3A_82 = arith.constant 0 : i32
        %dma_start3A_83 = tpu.memref_slice %arg17[%dma_start3A_81, %dma_start3A_82] : memref<64x128xf32, #tpu.memory_space<vmem>> -> memref<8x128xf32, #tpu.memory_space<vmem>>
        tpu.enqueue_dma source(%dma_start3A_83 : memref<8x128xf32, #tpu.memory_space<vmem>>) target(%dma_start3A_80 : memref<8x128xf32, #tpu.memory_space<vmem_shared>>) target_semaphore(%run_scoped3A : memref<!tpu.dma_semaphore, #tpu.memory_space<semaphore_mem>>)
        %dma_wait3A = arith.constant 0 : i32
        %dma_wait3A_84 = arith.constant 0 : i32
        %dma_wait3A_85 = tpu.memref_slice %arg17[%dma_wait3A, %dma_wait3A_84] : memref<64x128xf32, #tpu.memory_space<vmem>> -> memref<8x128xf32, #tpu.memory_space<vmem>>
        %dma_wait3A_86 = arith.constant 0 : i32
        %dma_wait3A_87 = tpu.memref_slice %arg12[%mul3A_74, %dma_wait3A_86] : memref<80x128xf32, #tpu.memory_space<vmem_shared>> -> memref<8x128xf32, #tpu.memory_space<vmem_shared>>
        %dma_wait3A_88 = arith.constant 0 : i32
        %dma_wait3A_89 = tpu.memref_slice %arg12[%mul3A_74, %dma_wait3A_88] : memref<80x128xf32, #tpu.memory_space<vmem_shared>> -> memref<8x128xf32, #tpu.memory_space<vmem_shared>>
        %dma_wait3A_90 = arith.constant 0 : i32
        %dma_wait3A_91 = arith.constant 0 : i32
        %dma_wait3A_92 = tpu.memref_slice %arg17[%dma_wait3A_90, %dma_wait3A_91] : memref<64x128xf32, #tpu.memory_space<vmem>> -> memref<8x128xf32, #tpu.memory_space<vmem>>
        tpu.wait_dma2 semaphore(%run_scoped3A : memref<!tpu.dma_semaphore, #tpu.memory_space<semaphore_mem>>) src(%dma_wait3A_92 : memref<8x128xf32, #tpu.memory_space<vmem>>) dst(%dma_wait3A_89 : memref<8x128xf32, #tpu.memory_space<vmem_shared>>)
        tpu.yield
      }) : () -> ()
    } else {
    }
    %barrier3A = arith.constant 0 : index
    tpu.barrier barrier_id(%barrier3A)
    %scan3A = arith.constant 0 : i32
    %scan3A_22 = arith.constant 0 : i32
    %scan3A_23 = arith.constant 20 : i32
    %scan3A_24 = arith.addi %scan3A_22, %scan3A_23 : i32
    %scan3A_25 = arith.constant 1 : i32
    scf.for %scan3A_73 = %scan3A_22 to %scan3A_24 step %scan3A_25  : i32 {
      %mul3A_74 = arith.constant 8 : i32
      %mul3A_75 = arith.muli %scan3A_73, %mul3A_74 : i32
      "tpu.region"() ({
        %run_scoped3A = tpu.sem_alloc : memref<!tpu.dma_semaphore, #tpu.memory_space<semaphore_mem>>
        %dma_start3A_528 = arith.constant 0 : i32
        %dma_start3A_529 = tpu.memref_slice %arg2[%arg0, %arg1, %mul3A_75, %dma_start3A_528] : memref<2x16x160x64xi32, #tpu.memory_space<hbm>> -> memref<1x1x8x64xi32, #tpu.memory_space<hbm>>
        %dma_start3A_530 = tpu.memref_squeeze %dma_start3A_529 : memref<1x1x8x64xi32, #tpu.memory_space<hbm>> -> memref<8x64xi32, #tpu.memory_space<hbm>>
        %dma_start3A_531 = arith.constant 0 : i32
        %dma_start3A_532 = tpu.memref_slice %arg2[%arg0, %arg1, %mul3A_75, %dma_start3A_531] : memref<2x16x160x64xi32, #tpu.memory_space<hbm>> -> memref<1x1x8x64xi32, #tpu.memory_space<hbm>>
        %dma_start3A_533 = tpu.memref_squeeze %dma_start3A_532 : memref<1x1x8x64xi32, #tpu.memory_space<hbm>> -> memref<8x64xi32, #tpu.memory_space<hbm>>
        tpu.enqueue_dma source(%dma_start3A_533 : memref<8x64xi32, #tpu.memory_space<hbm>>) target(%arg13 : memref<8x64xi32, #tpu.memory_space<vmem>>) target_semaphore(%run_scoped3A : memref<!tpu.dma_semaphore, #tpu.memory_space<semaphore_mem>>)
        %dma_wait3A_534 = arith.constant 0 : i32
        %dma_wait3A_535 = tpu.memref_slice %arg2[%arg0, %arg1, %mul3A_75, %dma_wait3A_534] : memref<2x16x160x64xi32, #tpu.memory_space<hbm>> -> memref<1x1x8x64xi32, #tpu.memory_space<hbm>>
        %dma_wait3A_536 = tpu.memref_squeeze %dma_wait3A_535 : memref<1x1x8x64xi32, #tpu.memory_space<hbm>> -> memref<8x64xi32, #tpu.memory_space<hbm>>
        %dma_wait3A_537 = arith.constant 0 : i32
        %dma_wait3A_538 = tpu.memref_slice %arg2[%arg0, %arg1, %mul3A_75, %dma_wait3A_537] : memref<2x16x160x64xi32, #tpu.memory_space<hbm>> -> memref<1x1x8x64xi32, #tpu.memory_space<hbm>>
        %dma_wait3A_539 = tpu.memref_squeeze %dma_wait3A_538 : memref<1x1x8x64xi32, #tpu.memory_space<hbm>> -> memref<8x64xi32, #tpu.memory_space<hbm>>
        tpu.wait_dma2 semaphore(%run_scoped3A : memref<!tpu.dma_semaphore, #tpu.memory_space<semaphore_mem>>) src(%dma_wait3A_539 : memref<8x64xi32, #tpu.memory_space<hbm>>) dst(%arg13 : memref<8x64xi32, #tpu.memory_space<vmem>>)
        tpu.yield
      }) : () -> ()
      %mul3A_76 = arith.constant 8 : i32
      %mul3A_77 = arith.muli %scan3A_73, %mul3A_76 : i32
      "tpu.region"() ({
        %run_scoped3A = tpu.sem_alloc : memref<!tpu.dma_semaphore, #tpu.memory_space<semaphore_mem>>
        %dma_start3A_528 = arith.constant 0 : i32
        %dma_start3A_529 = tpu.memref_slice %arg3[%arg0, %arg1, %mul3A_77, %dma_start3A_528] : memref<2x16x160x64xi32, #tpu.memory_space<hbm>> -> memref<1x1x8x64xi32, #tpu.memory_space<hbm>>
        %dma_start3A_530 = tpu.memref_squeeze %dma_start3A_529 : memref<1x1x8x64xi32, #tpu.memory_space<hbm>> -> memref<8x64xi32, #tpu.memory_space<hbm>>
        %dma_start3A_531 = arith.constant 0 : i32
        %dma_start3A_532 = tpu.memref_slice %arg3[%arg0, %arg1, %mul3A_77, %dma_start3A_531] : memref<2x16x160x64xi32, #tpu.memory_space<hbm>> -> memref<1x1x8x64xi32, #tpu.memory_space<hbm>>
        %dma_start3A_533 = tpu.memref_squeeze %dma_start3A_532 : memref<1x1x8x64xi32, #tpu.memory_space<hbm>> -> memref<8x64xi32, #tpu.memory_space<hbm>>
        tpu.enqueue_dma source(%dma_start3A_533 : memref<8x64xi32, #tpu.memory_space<hbm>>) target(%arg14 : memref<8x64xi32, #tpu.memory_space<vmem>>) target_semaphore(%run_scoped3A : memref<!tpu.dma_semaphore, #tpu.memory_space<semaphore_mem>>)
        %dma_wait3A_534 = arith.constant 0 : i32
        %dma_wait3A_535 = tpu.memref_slice %arg3[%arg0, %arg1, %mul3A_77, %dma_wait3A_534] : memref<2x16x160x64xi32, #tpu.memory_space<hbm>> -> memref<1x1x8x64xi32, #tpu.memory_space<hbm>>
        %dma_wait3A_536 = tpu.memref_squeeze %dma_wait3A_535 : memref<1x1x8x64xi32, #tpu.memory_space<hbm>> -> memref<8x64xi32, #tpu.memory_space<hbm>>
        %dma_wait3A_537 = arith.constant 0 : i32
        %dma_wait3A_538 = tpu.memref_slice %arg3[%arg0, %arg1, %mul3A_77, %dma_wait3A_537] : memref<2x16x160x64xi32, #tpu.memory_space<hbm>> -> memref<1x1x8x64xi32, #tpu.memory_space<hbm>>
        %dma_wait3A_539 = tpu.memref_squeeze %dma_wait3A_538 : memref<1x1x8x64xi32, #tpu.memory_space<hbm>> -> memref<8x64xi32, #tpu.memory_space<hbm>>
        tpu.wait_dma2 semaphore(%run_scoped3A : memref<!tpu.dma_semaphore, #tpu.memory_space<semaphore_mem>>) src(%dma_wait3A_539 : memref<8x64xi32, #tpu.memory_space<hbm>>) dst(%arg14 : memref<8x64xi32, #tpu.memory_space<vmem>>)
        tpu.yield
      }) : () -> ()
      %mul3A_78 = arith.constant 8 : i32
      %mul3A_79 = arith.muli %scan3A_73, %mul3A_78 : i32
      "tpu.region"() ({
        %run_scoped3A = tpu.sem_alloc : memref<!tpu.dma_semaphore, #tpu.memory_space<semaphore_mem>>
        %dma_start3A_528 = arith.constant 0 : i32
        %dma_start3A_529 = tpu.memref_slice %arg4[%arg0, %arg1, %mul3A_79, %dma_start3A_528] : memref<2x16x160x64xi32, #tpu.memory_space<hbm>> -> memref<1x1x8x64xi32, #tpu.memory_space<hbm>>
        %dma_start3A_530 = tpu.memref_squeeze %dma_start3A_529 : memref<1x1x8x64xi32, #tpu.memory_space<hbm>> -> memref<8x64xi32, #tpu.memory_space<hbm>>
        %dma_start3A_531 = arith.constant 0 : i32
        %dma_start3A_532 = tpu.memref_slice %arg4[%arg0, %arg1, %mul3A_79, %dma_start3A_531] : memref<2x16x160x64xi32, #tpu.memory_space<hbm>> -> memref<1x1x8x64xi32, #tpu.memory_space<hbm>>
        %dma_start3A_533 = tpu.memref_squeeze %dma_start3A_532 : memref<1x1x8x64xi32, #tpu.memory_space<hbm>> -> memref<8x64xi32, #tpu.memory_space<hbm>>
        tpu.enqueue_dma source(%dma_start3A_533 : memref<8x64xi32, #tpu.memory_space<hbm>>) target(%arg15 : memref<8x64xi32, #tpu.memory_space<vmem>>) target_semaphore(%run_scoped3A : memref<!tpu.dma_semaphore, #tpu.memory_space<semaphore_mem>>)
        %dma_wait3A_534 = arith.constant 0 : i32
        %dma_wait3A_535 = tpu.memref_slice %arg4[%arg0, %arg1, %mul3A_79, %dma_wait3A_534] : memref<2x16x160x64xi32, #tpu.memory_space<hbm>> -> memref<1x1x8x64xi32, #tpu.memory_space<hbm>>
        %dma_wait3A_536 = tpu.memref_squeeze %dma_wait3A_535 : memref<1x1x8x64xi32, #tpu.memory_space<hbm>> -> memref<8x64xi32, #tpu.memory_space<hbm>>
        %dma_wait3A_537 = arith.constant 0 : i32
        %dma_wait3A_538 = tpu.memref_slice %arg4[%arg0, %arg1, %mul3A_79, %dma_wait3A_537] : memref<2x16x160x64xi32, #tpu.memory_space<hbm>> -> memref<1x1x8x64xi32, #tpu.memory_space<hbm>>
        %dma_wait3A_539 = tpu.memref_squeeze %dma_wait3A_538 : memref<1x1x8x64xi32, #tpu.memory_space<hbm>> -> memref<8x64xi32, #tpu.memory_space<hbm>>
        tpu.wait_dma2 semaphore(%run_scoped3A : memref<!tpu.dma_semaphore, #tpu.memory_space<semaphore_mem>>) src(%dma_wait3A_539 : memref<8x64xi32, #tpu.memory_space<hbm>>) dst(%arg15 : memref<8x64xi32, #tpu.memory_space<vmem>>)
        tpu.yield
      }) : () -> ()
      %mul3A_80 = arith.constant 8 : i32
      %mul3A_81 = arith.muli %scan3A_73, %mul3A_80 : i32
      "tpu.region"() ({
        %run_scoped3A = tpu.sem_alloc : memref<!tpu.dma_semaphore, #tpu.memory_space<semaphore_mem>>
        %dma_start3A_528 = arith.constant 0 : i32
        %dma_start3A_529 = tpu.memref_slice %arg5[%arg0, %arg1, %mul3A_81, %dma_start3A_528] : memref<2x16x160x64xi32, #tpu.memory_space<hbm>> -> memref<1x1x8x64xi32, #tpu.memory_space<hbm>>
        %dma_start3A_530 = tpu.memref_squeeze %dma_start3A_529 : memref<1x1x8x64xi32, #tpu.memory_space<hbm>> -> memref<8x64xi32, #tpu.memory_space<hbm>>
        %dma_start3A_531 = arith.constant 0 : i32
        %dma_start3A_532 = tpu.memref_slice %arg5[%arg0, %arg1, %mul3A_81, %dma_start3A_531] : memref<2x16x160x64xi32, #tpu.memory_space<hbm>> -> memref<1x1x8x64xi32, #tpu.memory_space<hbm>>
        %dma_start3A_533 = tpu.memref_squeeze %dma_start3A_532 : memref<1x1x8x64xi32, #tpu.memory_space<hbm>> -> memref<8x64xi32, #tpu.memory_space<hbm>>
        tpu.enqueue_dma source(%dma_start3A_533 : memref<8x64xi32, #tpu.memory_space<hbm>>) target(%arg16 : memref<8x64xi32, #tpu.memory_space<vmem>>) target_semaphore(%run_scoped3A : memref<!tpu.dma_semaphore, #tpu.memory_space<semaphore_mem>>)
        %dma_wait3A_534 = arith.constant 0 : i32
        %dma_wait3A_535 = tpu.memref_slice %arg5[%arg0, %arg1, %mul3A_81, %dma_wait3A_534] : memref<2x16x160x64xi32, #tpu.memory_space<hbm>> -> memref<1x1x8x64xi32, #tpu.memory_space<hbm>>
        %dma_wait3A_536 = tpu.memref_squeeze %dma_wait3A_535 : memref<1x1x8x64xi32, #tpu.memory_space<hbm>> -> memref<8x64xi32, #tpu.memory_space<hbm>>
        %dma_wait3A_537 = arith.constant 0 : i32
        %dma_wait3A_538 = tpu.memref_slice %arg5[%arg0, %arg1, %mul3A_81, %dma_wait3A_537] : memref<2x16x160x64xi32, #tpu.memory_space<hbm>> -> memref<1x1x8x64xi32, #tpu.memory_space<hbm>>
        %dma_wait3A_539 = tpu.memref_squeeze %dma_wait3A_538 : memref<1x1x8x64xi32, #tpu.memory_space<hbm>> -> memref<8x64xi32, #tpu.memory_space<hbm>>
        tpu.wait_dma2 semaphore(%run_scoped3A : memref<!tpu.dma_semaphore, #tpu.memory_space<semaphore_mem>>) src(%dma_wait3A_539 : memref<8x64xi32, #tpu.memory_space<hbm>>) dst(%arg16 : memref<8x64xi32, #tpu.memory_space<vmem>>)
        tpu.yield
      }) : () -> ()
      %dma_start3A = arith.constant 0 : i32
      %dma_start3A_82 = arith.constant 0 : i32
      %dma_start3A_83 = tpu.memref_slice %arg13[%dma_start3A, %dma_start3A_82] : memref<8x64xi32, #tpu.memory_space<vmem>> -> memref<1x64xi32, #tpu.memory_space<vmem>>
      %dma_start3A_84 = tpu.memref_squeeze %dma_start3A_83 : memref<1x64xi32, #tpu.memory_space<vmem>> -> memref<64xi32, #tpu.memory_space<vmem>>
      %dma_start3A_85 = arith.constant 0 : i32
      %dma_start3A_86 = arith.constant 0 : i32
      %dma_start3A_87 = tpu.memref_slice %arg6[%dma_start3A_85, %dma_start3A_86] : memref<20000x128xf32, #tpu.memory_space<hbm>> -> memref<20000x128xf32, #tpu.memory_space<hbm>>
      tpu.enqueue_indirect_dma source(%dma_start3A_87 : memref<20000x128xf32, #tpu.memory_space<hbm>>) target(%arg17 : memref<64x128xf32, #tpu.memory_space<vmem>>) offsets(%dma_start3A_84 : memref<64xi32, #tpu.memory_space<vmem>>) semaphore(%arg21 : memref<!tpu.dma_semaphore, #tpu.memory_space<semaphore_mem>>)
      %dma_start3A_88 = arith.constant 0 : i32
      %dma_start3A_89 = arith.constant 0 : i32
      %dma_start3A_90 = tpu.memref_slice %arg16[%dma_start3A_88, %dma_start3A_89] : memref<8x64xi32, #tpu.memory_space<vmem>> -> memref<1x64xi32, #tpu.memory_space<vmem>>
      %dma_start3A_91 = tpu.memref_squeeze %dma_start3A_90 : memref<1x64xi32, #tpu.memory_space<vmem>> -> memref<64xi32, #tpu.memory_space<vmem>>
      %dma_start3A_92 = arith.constant 0 : i32
      %dma_start3A_93 = arith.constant 0 : i32
      %dma_start3A_94 = tpu.memref_slice %arg8[%dma_start3A_92, %dma_start3A_93] : memref<128x128xf32, #tpu.memory_space<hbm>> -> memref<128x128xf32, #tpu.memory_space<hbm>>
      tpu.enqueue_indirect_dma source(%dma_start3A_94 : memref<128x128xf32, #tpu.memory_space<hbm>>) target(%arg19 : memref<64x128xf32, #tpu.memory_space<vmem>>) offsets(%dma_start3A_91 : memref<64xi32, #tpu.memory_space<vmem>>) semaphore(%arg23 : memref<!tpu.dma_semaphore, #tpu.memory_space<semaphore_mem>>)
      %dma_wait3A = arith.constant 0 : i32
      %dma_wait3A_95 = arith.constant 0 : i32
      %dma_wait3A_96 = tpu.memref_slice %arg13[%dma_wait3A, %dma_wait3A_95] : memref<8x64xi32, #tpu.memory_space<vmem>> -> memref<1x64xi32, #tpu.memory_space<vmem>>
      %dma_wait3A_97 = tpu.memref_squeeze %dma_wait3A_96 : memref<1x64xi32, #tpu.memory_space<vmem>> -> memref<64xi32, #tpu.memory_space<vmem>>
      %dma_wait3A_98 = arith.constant 0 : i32
      %dma_wait3A_99 = arith.constant 0 : i32
      %dma_wait3A_100 = tpu.memref_slice %arg6[%dma_wait3A_98, %dma_wait3A_99] : memref<20000x128xf32, #tpu.memory_space<hbm>> -> memref<20000x128xf32, #tpu.memory_space<hbm>>
      tpu.wait_indirect_dma semaphore(%arg21 : memref<!tpu.dma_semaphore, #tpu.memory_space<semaphore_mem>>) src(%dma_wait3A_100 : memref<20000x128xf32, #tpu.memory_space<hbm>>) dst(%arg17 : memref<64x128xf32, #tpu.memory_space<vmem>>)
      %dma_start3A_101 = arith.constant 0 : i32
      %dma_start3A_102 = arith.constant 0 : i32
      %dma_start3A_103 = tpu.memref_slice %arg14[%dma_start3A_101, %dma_start3A_102] : memref<8x64xi32, #tpu.memory_space<vmem>> -> memref<1x64xi32, #tpu.memory_space<vmem>>
      %dma_start3A_104 = tpu.memref_squeeze %dma_start3A_103 : memref<1x64xi32, #tpu.memory_space<vmem>> -> memref<64xi32, #tpu.memory_space<vmem>>
      %dma_start3A_105 = arith.constant 0 : i32
      %dma_start3A_106 = arith.constant 0 : i32
      %dma_start3A_107 = tpu.memref_slice %arg11[%dma_start3A_105, %dma_start3A_106] : memref<10240x128xf32, #tpu.memory_space<vmem_shared>> -> memref<10240x128xf32, #tpu.memory_space<vmem_shared>>
      tpu.enqueue_indirect_dma source(%arg17 : memref<64x128xf32, #tpu.memory_space<vmem>>) target(%dma_start3A_107 : memref<10240x128xf32, #tpu.memory_space<vmem_shared>>) offsets(%dma_start3A_104 : memref<64xi32, #tpu.memory_space<vmem>>) semaphore(%arg25 : memref<!tpu.dma_semaphore, #tpu.memory_space<semaphore_mem>>) {add = true}
      %dma_wait3A_108 = arith.constant 0 : i32
      %dma_wait3A_109 = arith.constant 0 : i32
      %dma_wait3A_110 = tpu.memref_slice %arg16[%dma_wait3A_108, %dma_wait3A_109] : memref<8x64xi32, #tpu.memory_space<vmem>> -> memref<1x64xi32, #tpu.memory_space<vmem>>
      %dma_wait3A_111 = tpu.memref_squeeze %dma_wait3A_110 : memref<1x64xi32, #tpu.memory_space<vmem>> -> memref<64xi32, #tpu.memory_space<vmem>>
      %dma_wait3A_112 = arith.constant 0 : i32
      %dma_wait3A_113 = arith.constant 0 : i32
      %dma_wait3A_114 = tpu.memref_slice %arg8[%dma_wait3A_112, %dma_wait3A_113] : memref<128x128xf32, #tpu.memory_space<hbm>> -> memref<128x128xf32, #tpu.memory_space<hbm>>
      tpu.wait_indirect_dma semaphore(%arg23 : memref<!tpu.dma_semaphore, #tpu.memory_space<semaphore_mem>>) src(%dma_wait3A_114 : memref<128x128xf32, #tpu.memory_space<hbm>>) dst(%arg19 : memref<64x128xf32, #tpu.memory_space<vmem>>)
      %dma_start3A_115 = arith.constant 0 : i32
      %dma_start3A_116 = arith.constant 0 : i32
      %dma_start3A_117 = tpu.memref_slice %arg15[%dma_start3A_115, %dma_start3A_116] : memref<8x64xi32, #tpu.memory_space<vmem>> -> memref<1x64xi32, #tpu.memory_space<vmem>>
      %dma_start3A_118 = tpu.memref_squeeze %dma_start3A_117 : memref<1x64xi32, #tpu.memory_space<vmem>> -> memref<64xi32, #tpu.memory_space<vmem>>
      %dma_start3A_119 = arith.constant 0 : i32
      %dma_start3A_120 = arith.constant 0 : i32
      %dma_start3A_121 = tpu.memref_slice %arg12[%dma_start3A_119, %dma_start3A_120] : memref<80x128xf32, #tpu.memory_space<vmem_shared>> -> memref<80x128xf32, #tpu.memory_space<vmem_shared>>
      tpu.enqueue_indirect_dma source(%arg19 : memref<64x128xf32, #tpu.memory_space<vmem>>) target(%dma_start3A_121 : memref<80x128xf32, #tpu.memory_space<vmem_shared>>) offsets(%dma_start3A_118 : memref<64xi32, #tpu.memory_space<vmem>>) semaphore(%arg27 : memref<!tpu.dma_semaphore, #tpu.memory_space<semaphore_mem>>) {add = true}
      %dma_start3A_122 = arith.constant 1 : i32
      %dma_start3A_123 = arith.constant 0 : i32
      %dma_start3A_124 = tpu.memref_slice %arg13[%dma_start3A_122, %dma_start3A_123] : memref<8x64xi32, #tpu.memory_space<vmem>> -> memref<1x64xi32, #tpu.memory_space<vmem>>
      %dma_start3A_125 = tpu.memref_squeeze %dma_start3A_124 : memref<1x64xi32, #tpu.memory_space<vmem>> -> memref<64xi32, #tpu.memory_space<vmem>>
      %dma_start3A_126 = arith.constant 0 : i32
      %dma_start3A_127 = arith.constant 0 : i32
      %dma_start3A_128 = tpu.memref_slice %arg6[%dma_start3A_126, %dma_start3A_127] : memref<20000x128xf32, #tpu.memory_space<hbm>> -> memref<20000x128xf32, #tpu.memory_space<hbm>>
      tpu.enqueue_indirect_dma source(%dma_start3A_128 : memref<20000x128xf32, #tpu.memory_space<hbm>>) target(%arg18 : memref<64x128xf32, #tpu.memory_space<vmem>>) offsets(%dma_start3A_125 : memref<64xi32, #tpu.memory_space<vmem>>) semaphore(%arg22 : memref<!tpu.dma_semaphore, #tpu.memory_space<semaphore_mem>>)
      %dma_start3A_129 = arith.constant 1 : i32
      %dma_start3A_130 = arith.constant 0 : i32
      %dma_start3A_131 = tpu.memref_slice %arg16[%dma_start3A_129, %dma_start3A_130] : memref<8x64xi32, #tpu.memory_space<vmem>> -> memref<1x64xi32, #tpu.memory_space<vmem>>
      %dma_start3A_132 = tpu.memref_squeeze %dma_start3A_131 : memref<1x64xi32, #tpu.memory_space<vmem>> -> memref<64xi32, #tpu.memory_space<vmem>>
      %dma_start3A_133 = arith.constant 0 : i32
      %dma_start3A_134 = arith.constant 0 : i32
      %dma_start3A_135 = tpu.memref_slice %arg8[%dma_start3A_133, %dma_start3A_134] : memref<128x128xf32, #tpu.memory_space<hbm>> -> memref<128x128xf32, #tpu.memory_space<hbm>>
      tpu.enqueue_indirect_dma source(%dma_start3A_135 : memref<128x128xf32, #tpu.memory_space<hbm>>) target(%arg20 : memref<64x128xf32, #tpu.memory_space<vmem>>) offsets(%dma_start3A_132 : memref<64xi32, #tpu.memory_space<vmem>>) semaphore(%arg24 : memref<!tpu.dma_semaphore, #tpu.memory_space<semaphore_mem>>)
      %dma_wait3A_136 = arith.constant 1 : i32
      %dma_wait3A_137 = arith.constant 0 : i32
      %dma_wait3A_138 = tpu.memref_slice %arg13[%dma_wait3A_136, %dma_wait3A_137] : memref<8x64xi32, #tpu.memory_space<vmem>> -> memref<1x64xi32, #tpu.memory_space<vmem>>
      %dma_wait3A_139 = tpu.memref_squeeze %dma_wait3A_138 : memref<1x64xi32, #tpu.memory_space<vmem>> -> memref<64xi32, #tpu.memory_space<vmem>>
      %dma_wait3A_140 = arith.constant 0 : i32
      %dma_wait3A_141 = arith.constant 0 : i32
      %dma_wait3A_142 = tpu.memref_slice %arg6[%dma_wait3A_140, %dma_wait3A_141] : memref<20000x128xf32, #tpu.memory_space<hbm>> -> memref<20000x128xf32, #tpu.memory_space<hbm>>
      tpu.wait_indirect_dma semaphore(%arg22 : memref<!tpu.dma_semaphore, #tpu.memory_space<semaphore_mem>>) src(%dma_wait3A_142 : memref<20000x128xf32, #tpu.memory_space<hbm>>) dst(%arg18 : memref<64x128xf32, #tpu.memory_space<vmem>>)
      %dma_start3A_143 = arith.constant 1 : i32
      %dma_start3A_144 = arith.constant 0 : i32
      %dma_start3A_145 = tpu.memref_slice %arg14[%dma_start3A_143, %dma_start3A_144] : memref<8x64xi32, #tpu.memory_space<vmem>> -> memref<1x64xi32, #tpu.memory_space<vmem>>
      %dma_start3A_146 = tpu.memref_squeeze %dma_start3A_145 : memref<1x64xi32, #tpu.memory_space<vmem>> -> memref<64xi32, #tpu.memory_space<vmem>>
      %dma_start3A_147 = arith.constant 0 : i32
      %dma_start3A_148 = arith.constant 0 : i32
      %dma_start3A_149 = tpu.memref_slice %arg11[%dma_start3A_147, %dma_start3A_148] : memref<10240x128xf32, #tpu.memory_space<vmem_shared>> -> memref<10240x128xf32, #tpu.memory_space<vmem_shared>>
      tpu.enqueue_indirect_dma source(%arg18 : memref<64x128xf32, #tpu.memory_space<vmem>>) target(%dma_start3A_149 : memref<10240x128xf32, #tpu.memory_space<vmem_shared>>) offsets(%dma_start3A_146 : memref<64xi32, #tpu.memory_space<vmem>>) semaphore(%arg26 : memref<!tpu.dma_semaphore, #tpu.memory_space<semaphore_mem>>) {add = true}
      %dma_wait3A_150 = arith.constant 1 : i32
      %dma_wait3A_151 = arith.constant 0 : i32
      %dma_wait3A_152 = tpu.memref_slice %arg16[%dma_wait3A_150, %dma_wait3A_151] : memref<8x64xi32, #tpu.memory_space<vmem>> -> memref<1x64xi32, #tpu.memory_space<vmem>>
      %dma_wait3A_153 = tpu.memref_squeeze %dma_wait3A_152 : memref<1x64xi32, #tpu.memory_space<vmem>> -> memref<64xi32, #tpu.memory_space<vmem>>
      %dma_wait3A_154 = arith.constant 0 : i32
      %dma_wait3A_155 = arith.constant 0 : i32
      %dma_wait3A_156 = tpu.memref_slice %arg8[%dma_wait3A_154, %dma_wait3A_155] : memref<128x128xf32, #tpu.memory_space<hbm>> -> memref<128x128xf32, #tpu.memory_space<hbm>>
      tpu.wait_indirect_dma semaphore(%arg24 : memref<!tpu.dma_semaphore, #tpu.memory_space<semaphore_mem>>) src(%dma_wait3A_156 : memref<128x128xf32, #tpu.memory_space<hbm>>) dst(%arg20 : memref<64x128xf32, #tpu.memory_space<vmem>>)
      %dma_start3A_157 = arith.constant 1 : i32
      %dma_start3A_158 = arith.constant 0 : i32
      %dma_start3A_159 = tpu.memref_slice %arg15[%dma_start3A_157, %dma_start3A_158] : memref<8x64xi32, #tpu.memory_space<vmem>> -> memref<1x64xi32, #tpu.memory_space<vmem>>
      %dma_start3A_160 = tpu.memref_squeeze %dma_start3A_159 : memref<1x64xi32, #tpu.memory_space<vmem>> -> memref<64xi32, #tpu.memory_space<vmem>>
      %dma_start3A_161 = arith.constant 0 : i32
      %dma_start3A_162 = arith.constant 0 : i32
      %dma_start3A_163 = tpu.memref_slice %arg12[%dma_start3A_161, %dma_start3A_162] : memref<80x128xf32, #tpu.memory_space<vmem_shared>> -> memref<80x128xf32, #tpu.memory_space<vmem_shared>>
      tpu.enqueue_indirect_dma source(%arg20 : memref<64x128xf32, #tpu.memory_space<vmem>>) target(%dma_start3A_163 : memref<80x128xf32, #tpu.memory_space<vmem_shared>>) offsets(%dma_start3A_160 : memref<64xi32, #tpu.memory_space<vmem>>) semaphore(%arg28 : memref<!tpu.dma_semaphore, #tpu.memory_space<semaphore_mem>>) {add = true}
      %dma_wait3A_164 = arith.constant 0 : i32
      %dma_wait3A_165 = arith.constant 0 : i32
      %dma_wait3A_166 = tpu.memref_slice %arg14[%dma_wait3A_164, %dma_wait3A_165] : memref<8x64xi32, #tpu.memory_space<vmem>> -> memref<1x64xi32, #tpu.memory_space<vmem>>
      %dma_wait3A_167 = tpu.memref_squeeze %dma_wait3A_166 : memref<1x64xi32, #tpu.memory_space<vmem>> -> memref<64xi32, #tpu.memory_space<vmem>>
      %dma_wait3A_168 = arith.constant 0 : i32
      %dma_wait3A_169 = arith.constant 0 : i32
      %dma_wait3A_170 = tpu.memref_slice %arg11[%dma_wait3A_168, %dma_wait3A_169] : memref<10240x128xf32, #tpu.memory_space<vmem_shared>> -> memref<10240x128xf32, #tpu.memory_space<vmem_shared>>
      tpu.wait_indirect_dma semaphore(%arg25 : memref<!tpu.dma_semaphore, #tpu.memory_space<semaphore_mem>>) src(%arg17 : memref<64x128xf32, #tpu.memory_space<vmem>>) dst(%dma_wait3A_170 : memref<10240x128xf32, #tpu.memory_space<vmem_shared>>)
      %dma_start3A_171 = arith.constant 2 : i32
      %dma_start3A_172 = arith.constant 0 : i32
      %dma_start3A_173 = tpu.memref_slice %arg13[%dma_start3A_171, %dma_start3A_172] : memref<8x64xi32, #tpu.memory_space<vmem>> -> memref<1x64xi32, #tpu.memory_space<vmem>>
      %dma_start3A_174 = tpu.memref_squeeze %dma_start3A_173 : memref<1x64xi32, #tpu.memory_space<vmem>> -> memref<64xi32, #tpu.memory_space<vmem>>
      %dma_start3A_175 = arith.constant 0 : i32
      %dma_start3A_176 = arith.constant 0 : i32
      %dma_start3A_177 = tpu.memref_slice %arg6[%dma_start3A_175, %dma_start3A_176] : memref<20000x128xf32, #tpu.memory_space<hbm>> -> memref<20000x128xf32, #tpu.memory_space<hbm>>
      tpu.enqueue_indirect_dma source(%dma_start3A_177 : memref<20000x128xf32, #tpu.memory_space<hbm>>) target(%arg17 : memref<64x128xf32, #tpu.memory_space<vmem>>) offsets(%dma_start3A_174 : memref<64xi32, #tpu.memory_space<vmem>>) semaphore(%arg21 : memref<!tpu.dma_semaphore, #tpu.memory_space<semaphore_mem>>)
      %dma_wait3A_178 = arith.constant 0 : i32
      %dma_wait3A_179 = arith.constant 0 : i32
      %dma_wait3A_180 = tpu.memref_slice %arg15[%dma_wait3A_178, %dma_wait3A_179] : memref<8x64xi32, #tpu.memory_space<vmem>> -> memref<1x64xi32, #tpu.memory_space<vmem>>
      %dma_wait3A_181 = tpu.memref_squeeze %dma_wait3A_180 : memref<1x64xi32, #tpu.memory_space<vmem>> -> memref<64xi32, #tpu.memory_space<vmem>>
      %dma_wait3A_182 = arith.constant 0 : i32
      %dma_wait3A_183 = arith.constant 0 : i32
      %dma_wait3A_184 = tpu.memref_slice %arg12[%dma_wait3A_182, %dma_wait3A_183] : memref<80x128xf32, #tpu.memory_space<vmem_shared>> -> memref<80x128xf32, #tpu.memory_space<vmem_shared>>
      tpu.wait_indirect_dma semaphore(%arg27 : memref<!tpu.dma_semaphore, #tpu.memory_space<semaphore_mem>>) src(%arg19 : memref<64x128xf32, #tpu.memory_space<vmem>>) dst(%dma_wait3A_184 : memref<80x128xf32, #tpu.memory_space<vmem_shared>>)
      %dma_start3A_185 = arith.constant 2 : i32
      %dma_start3A_186 = arith.constant 0 : i32
      %dma_start3A_187 = tpu.memref_slice %arg16[%dma_start3A_185, %dma_start3A_186] : memref<8x64xi32, #tpu.memory_space<vmem>> -> memref<1x64xi32, #tpu.memory_space<vmem>>
      %dma_start3A_188 = tpu.memref_squeeze %dma_start3A_187 : memref<1x64xi32, #tpu.memory_space<vmem>> -> memref<64xi32, #tpu.memory_space<vmem>>
      %dma_start3A_189 = arith.constant 0 : i32
      %dma_start3A_190 = arith.constant 0 : i32
      %dma_start3A_191 = tpu.memref_slice %arg8[%dma_start3A_189, %dma_start3A_190] : memref<128x128xf32, #tpu.memory_space<hbm>> -> memref<128x128xf32, #tpu.memory_space<hbm>>
      tpu.enqueue_indirect_dma source(%dma_start3A_191 : memref<128x128xf32, #tpu.memory_space<hbm>>) target(%arg19 : memref<64x128xf32, #tpu.memory_space<vmem>>) offsets(%dma_start3A_188 : memref<64xi32, #tpu.memory_space<vmem>>) semaphore(%arg23 : memref<!tpu.dma_semaphore, #tpu.memory_space<semaphore_mem>>)
      %dma_wait3A_192 = arith.constant 2 : i32
      %dma_wait3A_193 = arith.constant 0 : i32
      %dma_wait3A_194 = tpu.memref_slice %arg13[%dma_wait3A_192, %dma_wait3A_193] : memref<8x64xi32, #tpu.memory_space<vmem>> -> memref<1x64xi32, #tpu.memory_space<vmem>>
      %dma_wait3A_195 = tpu.memref_squeeze %dma_wait3A_194 : memref<1x64xi32, #tpu.memory_space<vmem>> -> memref<64xi32, #tpu.memory_space<vmem>>
      %dma_wait3A_196 = arith.constant 0 : i32
      %dma_wait3A_197 = arith.constant 0 : i32
      %dma_wait3A_198 = tpu.memref_slice %arg6[%dma_wait3A_196, %dma_wait3A_197] : memref<20000x128xf32, #tpu.memory_space<hbm>> -> memref<20000x128xf32, #tpu.memory_space<hbm>>
      tpu.wait_indirect_dma semaphore(%arg21 : memref<!tpu.dma_semaphore, #tpu.memory_space<semaphore_mem>>) src(%dma_wait3A_198 : memref<20000x128xf32, #tpu.memory_space<hbm>>) dst(%arg17 : memref<64x128xf32, #tpu.memory_space<vmem>>)
      %dma_start3A_199 = arith.constant 2 : i32
      %dma_start3A_200 = arith.constant 0 : i32
      %dma_start3A_201 = tpu.memref_slice %arg14[%dma_start3A_199, %dma_start3A_200] : memref<8x64xi32, #tpu.memory_space<vmem>> -> memref<1x64xi32, #tpu.memory_space<vmem>>
      %dma_start3A_202 = tpu.memref_squeeze %dma_start3A_201 : memref<1x64xi32, #tpu.memory_space<vmem>> -> memref<64xi32, #tpu.memory_space<vmem>>
      %dma_start3A_203 = arith.constant 0 : i32
      %dma_start3A_204 = arith.constant 0 : i32
      %dma_start3A_205 = tpu.memref_slice %arg11[%dma_start3A_203, %dma_start3A_204] : memref<10240x128xf32, #tpu.memory_space<vmem_shared>> -> memref<10240x128xf32, #tpu.memory_space<vmem_shared>>
      tpu.enqueue_indirect_dma source(%arg17 : memref<64x128xf32, #tpu.memory_space<vmem>>) target(%dma_start3A_205 : memref<10240x128xf32, #tpu.memory_space<vmem_shared>>) offsets(%dma_start3A_202 : memref<64xi32, #tpu.memory_space<vmem>>) semaphore(%arg25 : memref<!tpu.dma_semaphore, #tpu.memory_space<semaphore_mem>>) {add = true}
      %dma_wait3A_206 = arith.constant 2 : i32
      %dma_wait3A_207 = arith.constant 0 : i32
      %dma_wait3A_208 = tpu.memref_slice %arg16[%dma_wait3A_206, %dma_wait3A_207] : memref<8x64xi32, #tpu.memory_space<vmem>> -> memref<1x64xi32, #tpu.memory_space<vmem>>
      %dma_wait3A_209 = tpu.memref_squeeze %dma_wait3A_208 : memref<1x64xi32, #tpu.memory_space<vmem>> -> memref<64xi32, #tpu.memory_space<vmem>>
      %dma_wait3A_210 = arith.constant 0 : i32
      %dma_wait3A_211 = arith.constant 0 : i32
      %dma_wait3A_212 = tpu.memref_slice %arg8[%dma_wait3A_210, %dma_wait3A_211] : memref<128x128xf32, #tpu.memory_space<hbm>> -> memref<128x128xf32, #tpu.memory_space<hbm>>
      tpu.wait_indirect_dma semaphore(%arg23 : memref<!tpu.dma_semaphore, #tpu.memory_space<semaphore_mem>>) src(%dma_wait3A_212 : memref<128x128xf32, #tpu.memory_space<hbm>>) dst(%arg19 : memref<64x128xf32, #tpu.memory_space<vmem>>)
      %dma_start3A_213 = arith.constant 2 : i32
      %dma_start3A_214 = arith.constant 0 : i32
      %dma_start3A_215 = tpu.memref_slice %arg15[%dma_start3A_213, %dma_start3A_214] : memref<8x64xi32, #tpu.memory_space<vmem>> -> memref<1x64xi32, #tpu.memory_space<vmem>>
      %dma_start3A_216 = tpu.memref_squeeze %dma_start3A_215 : memref<1x64xi32, #tpu.memory_space<vmem>> -> memref<64xi32, #tpu.memory_space<vmem>>
      %dma_start3A_217 = arith.constant 0 : i32
      %dma_start3A_218 = arith.constant 0 : i32
      %dma_start3A_219 = tpu.memref_slice %arg12[%dma_start3A_217, %dma_start3A_218] : memref<80x128xf32, #tpu.memory_space<vmem_shared>> -> memref<80x128xf32, #tpu.memory_space<vmem_shared>>
      tpu.enqueue_indirect_dma source(%arg19 : memref<64x128xf32, #tpu.memory_space<vmem>>) target(%dma_start3A_219 : memref<80x128xf32, #tpu.memory_space<vmem_shared>>) offsets(%dma_start3A_216 : memref<64xi32, #tpu.memory_space<vmem>>) semaphore(%arg27 : memref<!tpu.dma_semaphore, #tpu.memory_space<semaphore_mem>>) {add = true}
      %dma_wait3A_220 = arith.constant 1 : i32
      %dma_wait3A_221 = arith.constant 0 : i32
      %dma_wait3A_222 = tpu.memref_slice %arg14[%dma_wait3A_220, %dma_wait3A_221] : memref<8x64xi32, #tpu.memory_space<vmem>> -> memref<1x64xi32, #tpu.memory_space<vmem>>
      %dma_wait3A_223 = tpu.memref_squeeze %dma_wait3A_222 : memref<1x64xi32, #tpu.memory_space<vmem>> -> memref<64xi32, #tpu.memory_space<vmem>>
      %dma_wait3A_224 = arith.constant 0 : i32
      %dma_wait3A_225 = arith.constant 0 : i32
      %dma_wait3A_226 = tpu.memref_slice %arg11[%dma_wait3A_224, %dma_wait3A_225] : memref<10240x128xf32, #tpu.memory_space<vmem_shared>> -> memref<10240x128xf32, #tpu.memory_space<vmem_shared>>
      tpu.wait_indirect_dma semaphore(%arg26 : memref<!tpu.dma_semaphore, #tpu.memory_space<semaphore_mem>>) src(%arg18 : memref<64x128xf32, #tpu.memory_space<vmem>>) dst(%dma_wait3A_226 : memref<10240x128xf32, #tpu.memory_space<vmem_shared>>)
      %dma_start3A_227 = arith.constant 3 : i32
      %dma_start3A_228 = arith.constant 0 : i32
      %dma_start3A_229 = tpu.memref_slice %arg13[%dma_start3A_227, %dma_start3A_228] : memref<8x64xi32, #tpu.memory_space<vmem>> -> memref<1x64xi32, #tpu.memory_space<vmem>>
      %dma_start3A_230 = tpu.memref_squeeze %dma_start3A_229 : memref<1x64xi32, #tpu.memory_space<vmem>> -> memref<64xi32, #tpu.memory_space<vmem>>
      %dma_start3A_231 = arith.constant 0 : i32
      %dma_start3A_232 = arith.constant 0 : i32
      %dma_start3A_233 = tpu.memref_slice %arg6[%dma_start3A_231, %dma_start3A_232] : memref<20000x128xf32, #tpu.memory_space<hbm>> -> memref<20000x128xf32, #tpu.memory_space<hbm>>
      tpu.enqueue_indirect_dma source(%dma_start3A_233 : memref<20000x128xf32, #tpu.memory_space<hbm>>) target(%arg18 : memref<64x128xf32, #tpu.memory_space<vmem>>) offsets(%dma_start3A_230 : memref<64xi32, #tpu.memory_space<vmem>>) semaphore(%arg22 : memref<!tpu.dma_semaphore, #tpu.memory_space<semaphore_mem>>)
      %dma_wait3A_234 = arith.constant 1 : i32
      %dma_wait3A_235 = arith.constant 0 : i32
      %dma_wait3A_236 = tpu.memref_slice %arg15[%dma_wait3A_234, %dma_wait3A_235] : memref<8x64xi32, #tpu.memory_space<vmem>> -> memref<1x64xi32, #tpu.memory_space<vmem>>
      %dma_wait3A_237 = tpu.memref_squeeze %dma_wait3A_236 : memref<1x64xi32, #tpu.memory_space<vmem>> -> memref<64xi32, #tpu.memory_space<vmem>>
      %dma_wait3A_238 = arith.constant 0 : i32
      %dma_wait3A_239 = arith.constant 0 : i32
      %dma_wait3A_240 = tpu.memref_slice %arg12[%dma_wait3A_238, %dma_wait3A_239] : memref<80x128xf32, #tpu.memory_space<vmem_shared>> -> memref<80x128xf32, #tpu.memory_space<vmem_shared>>
      tpu.wait_indirect_dma semaphore(%arg28 : memref<!tpu.dma_semaphore, #tpu.memory_space<semaphore_mem>>) src(%arg20 : memref<64x128xf32, #tpu.memory_space<vmem>>) dst(%dma_wait3A_240 : memref<80x128xf32, #tpu.memory_space<vmem_shared>>)
      %dma_start3A_241 = arith.constant 3 : i32
      %dma_start3A_242 = arith.constant 0 : i32
      %dma_start3A_243 = tpu.memref_slice %arg16[%dma_start3A_241, %dma_start3A_242] : memref<8x64xi32, #tpu.memory_space<vmem>> -> memref<1x64xi32, #tpu.memory_space<vmem>>
      %dma_start3A_244 = tpu.memref_squeeze %dma_start3A_243 : memref<1x64xi32, #tpu.memory_space<vmem>> -> memref<64xi32, #tpu.memory_space<vmem>>
      %dma_start3A_245 = arith.constant 0 : i32
      %dma_start3A_246 = arith.constant 0 : i32
      %dma_start3A_247 = tpu.memref_slice %arg8[%dma_start3A_245, %dma_start3A_246] : memref<128x128xf32, #tpu.memory_space<hbm>> -> memref<128x128xf32, #tpu.memory_space<hbm>>
      tpu.enqueue_indirect_dma source(%dma_start3A_247 : memref<128x128xf32, #tpu.memory_space<hbm>>) target(%arg20 : memref<64x128xf32, #tpu.memory_space<vmem>>) offsets(%dma_start3A_244 : memref<64xi32, #tpu.memory_space<vmem>>) semaphore(%arg24 : memref<!tpu.dma_semaphore, #tpu.memory_space<semaphore_mem>>)
      %dma_wait3A_248 = arith.constant 3 : i32
      %dma_wait3A_249 = arith.constant 0 : i32
      %dma_wait3A_250 = tpu.memref_slice %arg13[%dma_wait3A_248, %dma_wait3A_249] : memref<8x64xi32, #tpu.memory_space<vmem>> -> memref<1x64xi32, #tpu.memory_space<vmem>>
      %dma_wait3A_251 = tpu.memref_squeeze %dma_wait3A_250 : memref<1x64xi32, #tpu.memory_space<vmem>> -> memref<64xi32, #tpu.memory_space<vmem>>
      %dma_wait3A_252 = arith.constant 0 : i32
      %dma_wait3A_253 = arith.constant 0 : i32
      %dma_wait3A_254 = tpu.memref_slice %arg6[%dma_wait3A_252, %dma_wait3A_253] : memref<20000x128xf32, #tpu.memory_space<hbm>> -> memref<20000x128xf32, #tpu.memory_space<hbm>>
      tpu.wait_indirect_dma semaphore(%arg22 : memref<!tpu.dma_semaphore, #tpu.memory_space<semaphore_mem>>) src(%dma_wait3A_254 : memref<20000x128xf32, #tpu.memory_space<hbm>>) dst(%arg18 : memref<64x128xf32, #tpu.memory_space<vmem>>)
      %dma_start3A_255 = arith.constant 3 : i32
      %dma_start3A_256 = arith.constant 0 : i32
      %dma_start3A_257 = tpu.memref_slice %arg14[%dma_start3A_255, %dma_start3A_256] : memref<8x64xi32, #tpu.memory_space<vmem>> -> memref<1x64xi32, #tpu.memory_space<vmem>>
      %dma_start3A_258 = tpu.memref_squeeze %dma_start3A_257 : memref<1x64xi32, #tpu.memory_space<vmem>> -> memref<64xi32, #tpu.memory_space<vmem>>
      %dma_start3A_259 = arith.constant 0 : i32
      %dma_start3A_260 = arith.constant 0 : i32
      %dma_start3A_261 = tpu.memref_slice %arg11[%dma_start3A_259, %dma_start3A_260] : memref<10240x128xf32, #tpu.memory_space<vmem_shared>> -> memref<10240x128xf32, #tpu.memory_space<vmem_shared>>
      tpu.enqueue_indirect_dma source(%arg18 : memref<64x128xf32, #tpu.memory_space<vmem>>) target(%dma_start3A_261 : memref<10240x128xf32, #tpu.memory_space<vmem_shared>>) offsets(%dma_start3A_258 : memref<64xi32, #tpu.memory_space<vmem>>) semaphore(%arg26 : memref<!tpu.dma_semaphore, #tpu.memory_space<semaphore_mem>>) {add = true}
      %dma_wait3A_262 = arith.constant 3 : i32
      %dma_wait3A_263 = arith.constant 0 : i32
      %dma_wait3A_264 = tpu.memref_slice %arg16[%dma_wait3A_262, %dma_wait3A_263] : memref<8x64xi32, #tpu.memory_space<vmem>> -> memref<1x64xi32, #tpu.memory_space<vmem>>
      %dma_wait3A_265 = tpu.memref_squeeze %dma_wait3A_264 : memref<1x64xi32, #tpu.memory_space<vmem>> -> memref<64xi32, #tpu.memory_space<vmem>>
      %dma_wait3A_266 = arith.constant 0 : i32
      %dma_wait3A_267 = arith.constant 0 : i32
      %dma_wait3A_268 = tpu.memref_slice %arg8[%dma_wait3A_266, %dma_wait3A_267] : memref<128x128xf32, #tpu.memory_space<hbm>> -> memref<128x128xf32, #tpu.memory_space<hbm>>
      tpu.wait_indirect_dma semaphore(%arg24 : memref<!tpu.dma_semaphore, #tpu.memory_space<semaphore_mem>>) src(%dma_wait3A_268 : memref<128x128xf32, #tpu.memory_space<hbm>>) dst(%arg20 : memref<64x128xf32, #tpu.memory_space<vmem>>)
      %dma_start3A_269 = arith.constant 3 : i32
      %dma_start3A_270 = arith.constant 0 : i32
      %dma_start3A_271 = tpu.memref_slice %arg15[%dma_start3A_269, %dma_start3A_270] : memref<8x64xi32, #tpu.memory_space<vmem>> -> memref<1x64xi32, #tpu.memory_space<vmem>>
      %dma_start3A_272 = tpu.memref_squeeze %dma_start3A_271 : memref<1x64xi32, #tpu.memory_space<vmem>> -> memref<64xi32, #tpu.memory_space<vmem>>
      %dma_start3A_273 = arith.constant 0 : i32
      %dma_start3A_274 = arith.constant 0 : i32
      %dma_start3A_275 = tpu.memref_slice %arg12[%dma_start3A_273, %dma_start3A_274] : memref<80x128xf32, #tpu.memory_space<vmem_shared>> -> memref<80x128xf32, #tpu.memory_space<vmem_shared>>
      tpu.enqueue_indirect_dma source(%arg20 : memref<64x128xf32, #tpu.memory_space<vmem>>) target(%dma_start3A_275 : memref<80x128xf32, #tpu.memory_space<vmem_shared>>) offsets(%dma_start3A_272 : memref<64xi32, #tpu.memory_space<vmem>>) semaphore(%arg28 : memref<!tpu.dma_semaphore, #tpu.memory_space<semaphore_mem>>) {add = true}
      %dma_wait3A_276 = arith.constant 2 : i32
      %dma_wait3A_277 = arith.constant 0 : i32
      %dma_wait3A_278 = tpu.memref_slice %arg14[%dma_wait3A_276, %dma_wait3A_277] : memref<8x64xi32, #tpu.memory_space<vmem>> -> memref<1x64xi32, #tpu.memory_space<vmem>>
      %dma_wait3A_279 = tpu.memref_squeeze %dma_wait3A_278 : memref<1x64xi32, #tpu.memory_space<vmem>> -> memref<64xi32, #tpu.memory_space<vmem>>
      %dma_wait3A_280 = arith.constant 0 : i32
      %dma_wait3A_281 = arith.constant 0 : i32
      %dma_wait3A_282 = tpu.memref_slice %arg11[%dma_wait3A_280, %dma_wait3A_281] : memref<10240x128xf32, #tpu.memory_space<vmem_shared>> -> memref<10240x128xf32, #tpu.memory_space<vmem_shared>>
      tpu.wait_indirect_dma semaphore(%arg25 : memref<!tpu.dma_semaphore, #tpu.memory_space<semaphore_mem>>) src(%arg17 : memref<64x128xf32, #tpu.memory_space<vmem>>) dst(%dma_wait3A_282 : memref<10240x128xf32, #tpu.memory_space<vmem_shared>>)
      %dma_start3A_283 = arith.constant 4 : i32
      %dma_start3A_284 = arith.constant 0 : i32
      %dma_start3A_285 = tpu.memref_slice %arg13[%dma_start3A_283, %dma_start3A_284] : memref<8x64xi32, #tpu.memory_space<vmem>> -> memref<1x64xi32, #tpu.memory_space<vmem>>
      %dma_start3A_286 = tpu.memref_squeeze %dma_start3A_285 : memref<1x64xi32, #tpu.memory_space<vmem>> -> memref<64xi32, #tpu.memory_space<vmem>>
      %dma_start3A_287 = arith.constant 0 : i32
      %dma_start3A_288 = arith.constant 0 : i32
      %dma_start3A_289 = tpu.memref_slice %arg6[%dma_start3A_287, %dma_start3A_288] : memref<20000x128xf32, #tpu.memory_space<hbm>> -> memref<20000x128xf32, #tpu.memory_space<hbm>>
      tpu.enqueue_indirect_dma source(%dma_start3A_289 : memref<20000x128xf32, #tpu.memory_space<hbm>>) target(%arg17 : memref<64x128xf32, #tpu.memory_space<vmem>>) offsets(%dma_start3A_286 : memref<64xi32, #tpu.memory_space<vmem>>) semaphore(%arg21 : memref<!tpu.dma_semaphore, #tpu.memory_space<semaphore_mem>>)
      %dma_wait3A_290 = arith.constant 2 : i32
      %dma_wait3A_291 = arith.constant 0 : i32
      %dma_wait3A_292 = tpu.memref_slice %arg15[%dma_wait3A_290, %dma_wait3A_291] : memref<8x64xi32, #tpu.memory_space<vmem>> -> memref<1x64xi32, #tpu.memory_space<vmem>>
      %dma_wait3A_293 = tpu.memref_squeeze %dma_wait3A_292 : memref<1x64xi32, #tpu.memory_space<vmem>> -> memref<64xi32, #tpu.memory_space<vmem>>
      %dma_wait3A_294 = arith.constant 0 : i32
      %dma_wait3A_295 = arith.constant 0 : i32
      %dma_wait3A_296 = tpu.memref_slice %arg12[%dma_wait3A_294, %dma_wait3A_295] : memref<80x128xf32, #tpu.memory_space<vmem_shared>> -> memref<80x128xf32, #tpu.memory_space<vmem_shared>>
      tpu.wait_indirect_dma semaphore(%arg27 : memref<!tpu.dma_semaphore, #tpu.memory_space<semaphore_mem>>) src(%arg19 : memref<64x128xf32, #tpu.memory_space<vmem>>) dst(%dma_wait3A_296 : memref<80x128xf32, #tpu.memory_space<vmem_shared>>)
      %dma_start3A_297 = arith.constant 4 : i32
      %dma_start3A_298 = arith.constant 0 : i32
      %dma_start3A_299 = tpu.memref_slice %arg16[%dma_start3A_297, %dma_start3A_298] : memref<8x64xi32, #tpu.memory_space<vmem>> -> memref<1x64xi32, #tpu.memory_space<vmem>>
      %dma_start3A_300 = tpu.memref_squeeze %dma_start3A_299 : memref<1x64xi32, #tpu.memory_space<vmem>> -> memref<64xi32, #tpu.memory_space<vmem>>
      %dma_start3A_301 = arith.constant 0 : i32
      %dma_start3A_302 = arith.constant 0 : i32
      %dma_start3A_303 = tpu.memref_slice %arg8[%dma_start3A_301, %dma_start3A_302] : memref<128x128xf32, #tpu.memory_space<hbm>> -> memref<128x128xf32, #tpu.memory_space<hbm>>
      tpu.enqueue_indirect_dma source(%dma_start3A_303 : memref<128x128xf32, #tpu.memory_space<hbm>>) target(%arg19 : memref<64x128xf32, #tpu.memory_space<vmem>>) offsets(%dma_start3A_300 : memref<64xi32, #tpu.memory_space<vmem>>) semaphore(%arg23 : memref<!tpu.dma_semaphore, #tpu.memory_space<semaphore_mem>>)
      %dma_wait3A_304 = arith.constant 4 : i32
      %dma_wait3A_305 = arith.constant 0 : i32
      %dma_wait3A_306 = tpu.memref_slice %arg13[%dma_wait3A_304, %dma_wait3A_305] : memref<8x64xi32, #tpu.memory_space<vmem>> -> memref<1x64xi32, #tpu.memory_space<vmem>>
      %dma_wait3A_307 = tpu.memref_squeeze %dma_wait3A_306 : memref<1x64xi32, #tpu.memory_space<vmem>> -> memref<64xi32, #tpu.memory_space<vmem>>
      %dma_wait3A_308 = arith.constant 0 : i32
      %dma_wait3A_309 = arith.constant 0 : i32
      %dma_wait3A_310 = tpu.memref_slice %arg6[%dma_wait3A_308, %dma_wait3A_309] : memref<20000x128xf32, #tpu.memory_space<hbm>> -> memref<20000x128xf32, #tpu.memory_space<hbm>>
      tpu.wait_indirect_dma semaphore(%arg21 : memref<!tpu.dma_semaphore, #tpu.memory_space<semaphore_mem>>) src(%dma_wait3A_310 : memref<20000x128xf32, #tpu.memory_space<hbm>>) dst(%arg17 : memref<64x128xf32, #tpu.memory_space<vmem>>)
      %dma_start3A_311 = arith.constant 4 : i32
      %dma_start3A_312 = arith.constant 0 : i32
      %dma_start3A_313 = tpu.memref_slice %arg14[%dma_start3A_311, %dma_start3A_312] : memref<8x64xi32, #tpu.memory_space<vmem>> -> memref<1x64xi32, #tpu.memory_space<vmem>>
      %dma_start3A_314 = tpu.memref_squeeze %dma_start3A_313 : memref<1x64xi32, #tpu.memory_space<vmem>> -> memref<64xi32, #tpu.memory_space<vmem>>
      %dma_start3A_315 = arith.constant 0 : i32
      %dma_start3A_316 = arith.constant 0 : i32
      %dma_start3A_317 = tpu.memref_slice %arg11[%dma_start3A_315, %dma_start3A_316] : memref<10240x128xf32, #tpu.memory_space<vmem_shared>> -> memref<10240x128xf32, #tpu.memory_space<vmem_shared>>
      tpu.enqueue_indirect_dma source(%arg17 : memref<64x128xf32, #tpu.memory_space<vmem>>) target(%dma_start3A_317 : memref<10240x128xf32, #tpu.memory_space<vmem_shared>>) offsets(%dma_start3A_314 : memref<64xi32, #tpu.memory_space<vmem>>) semaphore(%arg25 : memref<!tpu.dma_semaphore, #tpu.memory_space<semaphore_mem>>) {add = true}
      %dma_wait3A_318 = arith.constant 4 : i32
      %dma_wait3A_319 = arith.constant 0 : i32
      %dma_wait3A_320 = tpu.memref_slice %arg16[%dma_wait3A_318, %dma_wait3A_319] : memref<8x64xi32, #tpu.memory_space<vmem>> -> memref<1x64xi32, #tpu.memory_space<vmem>>
      %dma_wait3A_321 = tpu.memref_squeeze %dma_wait3A_320 : memref<1x64xi32, #tpu.memory_space<vmem>> -> memref<64xi32, #tpu.memory_space<vmem>>
      %dma_wait3A_322 = arith.constant 0 : i32
      %dma_wait3A_323 = arith.constant 0 : i32
      %dma_wait3A_324 = tpu.memref_slice %arg8[%dma_wait3A_322, %dma_wait3A_323] : memref<128x128xf32, #tpu.memory_space<hbm>> -> memref<128x128xf32, #tpu.memory_space<hbm>>
      tpu.wait_indirect_dma semaphore(%arg23 : memref<!tpu.dma_semaphore, #tpu.memory_space<semaphore_mem>>) src(%dma_wait3A_324 : memref<128x128xf32, #tpu.memory_space<hbm>>) dst(%arg19 : memref<64x128xf32, #tpu.memory_space<vmem>>)
      %dma_start3A_325 = arith.constant 4 : i32
      %dma_start3A_326 = arith.constant 0 : i32
      %dma_start3A_327 = tpu.memref_slice %arg15[%dma_start3A_325, %dma_start3A_326] : memref<8x64xi32, #tpu.memory_space<vmem>> -> memref<1x64xi32, #tpu.memory_space<vmem>>
      %dma_start3A_328 = tpu.memref_squeeze %dma_start3A_327 : memref<1x64xi32, #tpu.memory_space<vmem>> -> memref<64xi32, #tpu.memory_space<vmem>>
      %dma_start3A_329 = arith.constant 0 : i32
      %dma_start3A_330 = arith.constant 0 : i32
      %dma_start3A_331 = tpu.memref_slice %arg12[%dma_start3A_329, %dma_start3A_330] : memref<80x128xf32, #tpu.memory_space<vmem_shared>> -> memref<80x128xf32, #tpu.memory_space<vmem_shared>>
      tpu.enqueue_indirect_dma source(%arg19 : memref<64x128xf32, #tpu.memory_space<vmem>>) target(%dma_start3A_331 : memref<80x128xf32, #tpu.memory_space<vmem_shared>>) offsets(%dma_start3A_328 : memref<64xi32, #tpu.memory_space<vmem>>) semaphore(%arg27 : memref<!tpu.dma_semaphore, #tpu.memory_space<semaphore_mem>>) {add = true}
      %dma_wait3A_332 = arith.constant 3 : i32
      %dma_wait3A_333 = arith.constant 0 : i32
      %dma_wait3A_334 = tpu.memref_slice %arg14[%dma_wait3A_332, %dma_wait3A_333] : memref<8x64xi32, #tpu.memory_space<vmem>> -> memref<1x64xi32, #tpu.memory_space<vmem>>
      %dma_wait3A_335 = tpu.memref_squeeze %dma_wait3A_334 : memref<1x64xi32, #tpu.memory_space<vmem>> -> memref<64xi32, #tpu.memory_space<vmem>>
      %dma_wait3A_336 = arith.constant 0 : i32
      %dma_wait3A_337 = arith.constant 0 : i32
      %dma_wait3A_338 = tpu.memref_slice %arg11[%dma_wait3A_336, %dma_wait3A_337] : memref<10240x128xf32, #tpu.memory_space<vmem_shared>> -> memref<10240x128xf32, #tpu.memory_space<vmem_shared>>
      tpu.wait_indirect_dma semaphore(%arg26 : memref<!tpu.dma_semaphore, #tpu.memory_space<semaphore_mem>>) src(%arg18 : memref<64x128xf32, #tpu.memory_space<vmem>>) dst(%dma_wait3A_338 : memref<10240x128xf32, #tpu.memory_space<vmem_shared>>)
      %dma_start3A_339 = arith.constant 5 : i32
      %dma_start3A_340 = arith.constant 0 : i32
      %dma_start3A_341 = tpu.memref_slice %arg13[%dma_start3A_339, %dma_start3A_340] : memref<8x64xi32, #tpu.memory_space<vmem>> -> memref<1x64xi32, #tpu.memory_space<vmem>>
      %dma_start3A_342 = tpu.memref_squeeze %dma_start3A_341 : memref<1x64xi32, #tpu.memory_space<vmem>> -> memref<64xi32, #tpu.memory_space<vmem>>
      %dma_start3A_343 = arith.constant 0 : i32
      %dma_start3A_344 = arith.constant 0 : i32
      %dma_start3A_345 = tpu.memref_slice %arg6[%dma_start3A_343, %dma_start3A_344] : memref<20000x128xf32, #tpu.memory_space<hbm>> -> memref<20000x128xf32, #tpu.memory_space<hbm>>
      tpu.enqueue_indirect_dma source(%dma_start3A_345 : memref<20000x128xf32, #tpu.memory_space<hbm>>) target(%arg18 : memref<64x128xf32, #tpu.memory_space<vmem>>) offsets(%dma_start3A_342 : memref<64xi32, #tpu.memory_space<vmem>>) semaphore(%arg22 : memref<!tpu.dma_semaphore, #tpu.memory_space<semaphore_mem>>)
      %dma_wait3A_346 = arith.constant 3 : i32
      %dma_wait3A_347 = arith.constant 0 : i32
      %dma_wait3A_348 = tpu.memref_slice %arg15[%dma_wait3A_346, %dma_wait3A_347] : memref<8x64xi32, #tpu.memory_space<vmem>> -> memref<1x64xi32, #tpu.memory_space<vmem>>
      %dma_wait3A_349 = tpu.memref_squeeze %dma_wait3A_348 : memref<1x64xi32, #tpu.memory_space<vmem>> -> memref<64xi32, #tpu.memory_space<vmem>>
      %dma_wait3A_350 = arith.constant 0 : i32
      %dma_wait3A_351 = arith.constant 0 : i32
      %dma_wait3A_352 = tpu.memref_slice %arg12[%dma_wait3A_350, %dma_wait3A_351] : memref<80x128xf32, #tpu.memory_space<vmem_shared>> -> memref<80x128xf32, #tpu.memory_space<vmem_shared>>
      tpu.wait_indirect_dma semaphore(%arg28 : memref<!tpu.dma_semaphore, #tpu.memory_space<semaphore_mem>>) src(%arg20 : memref<64x128xf32, #tpu.memory_space<vmem>>) dst(%dma_wait3A_352 : memref<80x128xf32, #tpu.memory_space<vmem_shared>>)
      %dma_start3A_353 = arith.constant 5 : i32
      %dma_start3A_354 = arith.constant 0 : i32
      %dma_start3A_355 = tpu.memref_slice %arg16[%dma_start3A_353, %dma_start3A_354] : memref<8x64xi32, #tpu.memory_space<vmem>> -> memref<1x64xi32, #tpu.memory_space<vmem>>
      %dma_start3A_356 = tpu.memref_squeeze %dma_start3A_355 : memref<1x64xi32, #tpu.memory_space<vmem>> -> memref<64xi32, #tpu.memory_space<vmem>>
      %dma_start3A_357 = arith.constant 0 : i32
      %dma_start3A_358 = arith.constant 0 : i32
      %dma_start3A_359 = tpu.memref_slice %arg8[%dma_start3A_357, %dma_start3A_358] : memref<128x128xf32, #tpu.memory_space<hbm>> -> memref<128x128xf32, #tpu.memory_space<hbm>>
      tpu.enqueue_indirect_dma source(%dma_start3A_359 : memref<128x128xf32, #tpu.memory_space<hbm>>) target(%arg20 : memref<64x128xf32, #tpu.memory_space<vmem>>) offsets(%dma_start3A_356 : memref<64xi32, #tpu.memory_space<vmem>>) semaphore(%arg24 : memref<!tpu.dma_semaphore, #tpu.memory_space<semaphore_mem>>)
      %dma_wait3A_360 = arith.constant 5 : i32
      %dma_wait3A_361 = arith.constant 0 : i32
      %dma_wait3A_362 = tpu.memref_slice %arg13[%dma_wait3A_360, %dma_wait3A_361] : memref<8x64xi32, #tpu.memory_space<vmem>> -> memref<1x64xi32, #tpu.memory_space<vmem>>
      %dma_wait3A_363 = tpu.memref_squeeze %dma_wait3A_362 : memref<1x64xi32, #tpu.memory_space<vmem>> -> memref<64xi32, #tpu.memory_space<vmem>>
      %dma_wait3A_364 = arith.constant 0 : i32
      %dma_wait3A_365 = arith.constant 0 : i32
      %dma_wait3A_366 = tpu.memref_slice %arg6[%dma_wait3A_364, %dma_wait3A_365] : memref<20000x128xf32, #tpu.memory_space<hbm>> -> memref<20000x128xf32, #tpu.memory_space<hbm>>
      tpu.wait_indirect_dma semaphore(%arg22 : memref<!tpu.dma_semaphore, #tpu.memory_space<semaphore_mem>>) src(%dma_wait3A_366 : memref<20000x128xf32, #tpu.memory_space<hbm>>) dst(%arg18 : memref<64x128xf32, #tpu.memory_space<vmem>>)
      %dma_start3A_367 = arith.constant 5 : i32
      %dma_start3A_368 = arith.constant 0 : i32
      %dma_start3A_369 = tpu.memref_slice %arg14[%dma_start3A_367, %dma_start3A_368] : memref<8x64xi32, #tpu.memory_space<vmem>> -> memref<1x64xi32, #tpu.memory_space<vmem>>
      %dma_start3A_370 = tpu.memref_squeeze %dma_start3A_369 : memref<1x64xi32, #tpu.memory_space<vmem>> -> memref<64xi32, #tpu.memory_space<vmem>>
      %dma_start3A_371 = arith.constant 0 : i32
      %dma_start3A_372 = arith.constant 0 : i32
      %dma_start3A_373 = tpu.memref_slice %arg11[%dma_start3A_371, %dma_start3A_372] : memref<10240x128xf32, #tpu.memory_space<vmem_shared>> -> memref<10240x128xf32, #tpu.memory_space<vmem_shared>>
      tpu.enqueue_indirect_dma source(%arg18 : memref<64x128xf32, #tpu.memory_space<vmem>>) target(%dma_start3A_373 : memref<10240x128xf32, #tpu.memory_space<vmem_shared>>) offsets(%dma_start3A_370 : memref<64xi32, #tpu.memory_space<vmem>>) semaphore(%arg26 : memref<!tpu.dma_semaphore, #tpu.memory_space<semaphore_mem>>) {add = true}
      %dma_wait3A_374 = arith.constant 5 : i32
      %dma_wait3A_375 = arith.constant 0 : i32
      %dma_wait3A_376 = tpu.memref_slice %arg16[%dma_wait3A_374, %dma_wait3A_375] : memref<8x64xi32, #tpu.memory_space<vmem>> -> memref<1x64xi32, #tpu.memory_space<vmem>>
      %dma_wait3A_377 = tpu.memref_squeeze %dma_wait3A_376 : memref<1x64xi32, #tpu.memory_space<vmem>> -> memref<64xi32, #tpu.memory_space<vmem>>
      %dma_wait3A_378 = arith.constant 0 : i32
      %dma_wait3A_379 = arith.constant 0 : i32
      %dma_wait3A_380 = tpu.memref_slice %arg8[%dma_wait3A_378, %dma_wait3A_379] : memref<128x128xf32, #tpu.memory_space<hbm>> -> memref<128x128xf32, #tpu.memory_space<hbm>>
      tpu.wait_indirect_dma semaphore(%arg24 : memref<!tpu.dma_semaphore, #tpu.memory_space<semaphore_mem>>) src(%dma_wait3A_380 : memref<128x128xf32, #tpu.memory_space<hbm>>) dst(%arg20 : memref<64x128xf32, #tpu.memory_space<vmem>>)
      %dma_start3A_381 = arith.constant 5 : i32
      %dma_start3A_382 = arith.constant 0 : i32
      %dma_start3A_383 = tpu.memref_slice %arg15[%dma_start3A_381, %dma_start3A_382] : memref<8x64xi32, #tpu.memory_space<vmem>> -> memref<1x64xi32, #tpu.memory_space<vmem>>
      %dma_start3A_384 = tpu.memref_squeeze %dma_start3A_383 : memref<1x64xi32, #tpu.memory_space<vmem>> -> memref<64xi32, #tpu.memory_space<vmem>>
      %dma_start3A_385 = arith.constant 0 : i32
      %dma_start3A_386 = arith.constant 0 : i32
      %dma_start3A_387 = tpu.memref_slice %arg12[%dma_start3A_385, %dma_start3A_386] : memref<80x128xf32, #tpu.memory_space<vmem_shared>> -> memref<80x128xf32, #tpu.memory_space<vmem_shared>>
      tpu.enqueue_indirect_dma source(%arg20 : memref<64x128xf32, #tpu.memory_space<vmem>>) target(%dma_start3A_387 : memref<80x128xf32, #tpu.memory_space<vmem_shared>>) offsets(%dma_start3A_384 : memref<64xi32, #tpu.memory_space<vmem>>) semaphore(%arg28 : memref<!tpu.dma_semaphore, #tpu.memory_space<semaphore_mem>>) {add = true}
      %dma_wait3A_388 = arith.constant 4 : i32
      %dma_wait3A_389 = arith.constant 0 : i32
      %dma_wait3A_390 = tpu.memref_slice %arg14[%dma_wait3A_388, %dma_wait3A_389] : memref<8x64xi32, #tpu.memory_space<vmem>> -> memref<1x64xi32, #tpu.memory_space<vmem>>
      %dma_wait3A_391 = tpu.memref_squeeze %dma_wait3A_390 : memref<1x64xi32, #tpu.memory_space<vmem>> -> memref<64xi32, #tpu.memory_space<vmem>>
      %dma_wait3A_392 = arith.constant 0 : i32
      %dma_wait3A_393 = arith.constant 0 : i32
      %dma_wait3A_394 = tpu.memref_slice %arg11[%dma_wait3A_392, %dma_wait3A_393] : memref<10240x128xf32, #tpu.memory_space<vmem_shared>> -> memref<10240x128xf32, #tpu.memory_space<vmem_shared>>
      tpu.wait_indirect_dma semaphore(%arg25 : memref<!tpu.dma_semaphore, #tpu.memory_space<semaphore_mem>>) src(%arg17 : memref<64x128xf32, #tpu.memory_space<vmem>>) dst(%dma_wait3A_394 : memref<10240x128xf32, #tpu.memory_space<vmem_shared>>)
      %dma_start3A_395 = arith.constant 6 : i32
      %dma_start3A_396 = arith.constant 0 : i32
      %dma_start3A_397 = tpu.memref_slice %arg13[%dma_start3A_395, %dma_start3A_396] : memref<8x64xi32, #tpu.memory_space<vmem>> -> memref<1x64xi32, #tpu.memory_space<vmem>>
      %dma_start3A_398 = tpu.memref_squeeze %dma_start3A_397 : memref<1x64xi32, #tpu.memory_space<vmem>> -> memref<64xi32, #tpu.memory_space<vmem>>
      %dma_start3A_399 = arith.constant 0 : i32
      %dma_start3A_400 = arith.constant 0 : i32
      %dma_start3A_401 = tpu.memref_slice %arg6[%dma_start3A_399, %dma_start3A_400] : memref<20000x128xf32, #tpu.memory_space<hbm>> -> memref<20000x128xf32, #tpu.memory_space<hbm>>
      tpu.enqueue_indirect_dma source(%dma_start3A_401 : memref<20000x128xf32, #tpu.memory_space<hbm>>) target(%arg17 : memref<64x128xf32, #tpu.memory_space<vmem>>) offsets(%dma_start3A_398 : memref<64xi32, #tpu.memory_space<vmem>>) semaphore(%arg21 : memref<!tpu.dma_semaphore, #tpu.memory_space<semaphore_mem>>)
      %dma_wait3A_402 = arith.constant 4 : i32
      %dma_wait3A_403 = arith.constant 0 : i32
      %dma_wait3A_404 = tpu.memref_slice %arg15[%dma_wait3A_402, %dma_wait3A_403] : memref<8x64xi32, #tpu.memory_space<vmem>> -> memref<1x64xi32, #tpu.memory_space<vmem>>
      %dma_wait3A_405 = tpu.memref_squeeze %dma_wait3A_404 : memref<1x64xi32, #tpu.memory_space<vmem>> -> memref<64xi32, #tpu.memory_space<vmem>>
      %dma_wait3A_406 = arith.constant 0 : i32
      %dma_wait3A_407 = arith.constant 0 : i32
      %dma_wait3A_408 = tpu.memref_slice %arg12[%dma_wait3A_406, %dma_wait3A_407] : memref<80x128xf32, #tpu.memory_space<vmem_shared>> -> memref<80x128xf32, #tpu.memory_space<vmem_shared>>
      tpu.wait_indirect_dma semaphore(%arg27 : memref<!tpu.dma_semaphore, #tpu.memory_space<semaphore_mem>>) src(%arg19 : memref<64x128xf32, #tpu.memory_space<vmem>>) dst(%dma_wait3A_408 : memref<80x128xf32, #tpu.memory_space<vmem_shared>>)
      %dma_start3A_409 = arith.constant 6 : i32
      %dma_start3A_410 = arith.constant 0 : i32
      %dma_start3A_411 = tpu.memref_slice %arg16[%dma_start3A_409, %dma_start3A_410] : memref<8x64xi32, #tpu.memory_space<vmem>> -> memref<1x64xi32, #tpu.memory_space<vmem>>
      %dma_start3A_412 = tpu.memref_squeeze %dma_start3A_411 : memref<1x64xi32, #tpu.memory_space<vmem>> -> memref<64xi32, #tpu.memory_space<vmem>>
      %dma_start3A_413 = arith.constant 0 : i32
      %dma_start3A_414 = arith.constant 0 : i32
      %dma_start3A_415 = tpu.memref_slice %arg8[%dma_start3A_413, %dma_start3A_414] : memref<128x128xf32, #tpu.memory_space<hbm>> -> memref<128x128xf32, #tpu.memory_space<hbm>>
      tpu.enqueue_indirect_dma source(%dma_start3A_415 : memref<128x128xf32, #tpu.memory_space<hbm>>) target(%arg19 : memref<64x128xf32, #tpu.memory_space<vmem>>) offsets(%dma_start3A_412 : memref<64xi32, #tpu.memory_space<vmem>>) semaphore(%arg23 : memref<!tpu.dma_semaphore, #tpu.memory_space<semaphore_mem>>)
      %dma_wait3A_416 = arith.constant 6 : i32
      %dma_wait3A_417 = arith.constant 0 : i32
      %dma_wait3A_418 = tpu.memref_slice %arg13[%dma_wait3A_416, %dma_wait3A_417] : memref<8x64xi32, #tpu.memory_space<vmem>> -> memref<1x64xi32, #tpu.memory_space<vmem>>
      %dma_wait3A_419 = tpu.memref_squeeze %dma_wait3A_418 : memref<1x64xi32, #tpu.memory_space<vmem>> -> memref<64xi32, #tpu.memory_space<vmem>>
      %dma_wait3A_420 = arith.constant 0 : i32
      %dma_wait3A_421 = arith.constant 0 : i32
      %dma_wait3A_422 = tpu.memref_slice %arg6[%dma_wait3A_420, %dma_wait3A_421] : memref<20000x128xf32, #tpu.memory_space<hbm>> -> memref<20000x128xf32, #tpu.memory_space<hbm>>
      tpu.wait_indirect_dma semaphore(%arg21 : memref<!tpu.dma_semaphore, #tpu.memory_space<semaphore_mem>>) src(%dma_wait3A_422 : memref<20000x128xf32, #tpu.memory_space<hbm>>) dst(%arg17 : memref<64x128xf32, #tpu.memory_space<vmem>>)
      %dma_start3A_423 = arith.constant 6 : i32
      %dma_start3A_424 = arith.constant 0 : i32
      %dma_start3A_425 = tpu.memref_slice %arg14[%dma_start3A_423, %dma_start3A_424] : memref<8x64xi32, #tpu.memory_space<vmem>> -> memref<1x64xi32, #tpu.memory_space<vmem>>
      %dma_start3A_426 = tpu.memref_squeeze %dma_start3A_425 : memref<1x64xi32, #tpu.memory_space<vmem>> -> memref<64xi32, #tpu.memory_space<vmem>>
      %dma_start3A_427 = arith.constant 0 : i32
      %dma_start3A_428 = arith.constant 0 : i32
      %dma_start3A_429 = tpu.memref_slice %arg11[%dma_start3A_427, %dma_start3A_428] : memref<10240x128xf32, #tpu.memory_space<vmem_shared>> -> memref<10240x128xf32, #tpu.memory_space<vmem_shared>>
      tpu.enqueue_indirect_dma source(%arg17 : memref<64x128xf32, #tpu.memory_space<vmem>>) target(%dma_start3A_429 : memref<10240x128xf32, #tpu.memory_space<vmem_shared>>) offsets(%dma_start3A_426 : memref<64xi32, #tpu.memory_space<vmem>>) semaphore(%arg25 : memref<!tpu.dma_semaphore, #tpu.memory_space<semaphore_mem>>) {add = true}
      %dma_wait3A_430 = arith.constant 6 : i32
      %dma_wait3A_431 = arith.constant 0 : i32
      %dma_wait3A_432 = tpu.memref_slice %arg16[%dma_wait3A_430, %dma_wait3A_431] : memref<8x64xi32, #tpu.memory_space<vmem>> -> memref<1x64xi32, #tpu.memory_space<vmem>>
      %dma_wait3A_433 = tpu.memref_squeeze %dma_wait3A_432 : memref<1x64xi32, #tpu.memory_space<vmem>> -> memref<64xi32, #tpu.memory_space<vmem>>
      %dma_wait3A_434 = arith.constant 0 : i32
      %dma_wait3A_435 = arith.constant 0 : i32
      %dma_wait3A_436 = tpu.memref_slice %arg8[%dma_wait3A_434, %dma_wait3A_435] : memref<128x128xf32, #tpu.memory_space<hbm>> -> memref<128x128xf32, #tpu.memory_space<hbm>>
      tpu.wait_indirect_dma semaphore(%arg23 : memref<!tpu.dma_semaphore, #tpu.memory_space<semaphore_mem>>) src(%dma_wait3A_436 : memref<128x128xf32, #tpu.memory_space<hbm>>) dst(%arg19 : memref<64x128xf32, #tpu.memory_space<vmem>>)
      %dma_start3A_437 = arith.constant 6 : i32
      %dma_start3A_438 = arith.constant 0 : i32
      %dma_start3A_439 = tpu.memref_slice %arg15[%dma_start3A_437, %dma_start3A_438] : memref<8x64xi32, #tpu.memory_space<vmem>> -> memref<1x64xi32, #tpu.memory_space<vmem>>
      %dma_start3A_440 = tpu.memref_squeeze %dma_start3A_439 : memref<1x64xi32, #tpu.memory_space<vmem>> -> memref<64xi32, #tpu.memory_space<vmem>>
      %dma_start3A_441 = arith.constant 0 : i32
      %dma_start3A_442 = arith.constant 0 : i32
      %dma_start3A_443 = tpu.memref_slice %arg12[%dma_start3A_441, %dma_start3A_442] : memref<80x128xf32, #tpu.memory_space<vmem_shared>> -> memref<80x128xf32, #tpu.memory_space<vmem_shared>>
      tpu.enqueue_indirect_dma source(%arg19 : memref<64x128xf32, #tpu.memory_space<vmem>>) target(%dma_start3A_443 : memref<80x128xf32, #tpu.memory_space<vmem_shared>>) offsets(%dma_start3A_440 : memref<64xi32, #tpu.memory_space<vmem>>) semaphore(%arg27 : memref<!tpu.dma_semaphore, #tpu.memory_space<semaphore_mem>>) {add = true}
      %dma_wait3A_444 = arith.constant 5 : i32
      %dma_wait3A_445 = arith.constant 0 : i32
      %dma_wait3A_446 = tpu.memref_slice %arg14[%dma_wait3A_444, %dma_wait3A_445] : memref<8x64xi32, #tpu.memory_space<vmem>> -> memref<1x64xi32, #tpu.memory_space<vmem>>
      %dma_wait3A_447 = tpu.memref_squeeze %dma_wait3A_446 : memref<1x64xi32, #tpu.memory_space<vmem>> -> memref<64xi32, #tpu.memory_space<vmem>>
      %dma_wait3A_448 = arith.constant 0 : i32
      %dma_wait3A_449 = arith.constant 0 : i32
      %dma_wait3A_450 = tpu.memref_slice %arg11[%dma_wait3A_448, %dma_wait3A_449] : memref<10240x128xf32, #tpu.memory_space<vmem_shared>> -> memref<10240x128xf32, #tpu.memory_space<vmem_shared>>
      tpu.wait_indirect_dma semaphore(%arg26 : memref<!tpu.dma_semaphore, #tpu.memory_space<semaphore_mem>>) src(%arg18 : memref<64x128xf32, #tpu.memory_space<vmem>>) dst(%dma_wait3A_450 : memref<10240x128xf32, #tpu.memory_space<vmem_shared>>)
      %dma_start3A_451 = arith.constant 7 : i32
      %dma_start3A_452 = arith.constant 0 : i32
      %dma_start3A_453 = tpu.memref_slice %arg13[%dma_start3A_451, %dma_start3A_452] : memref<8x64xi32, #tpu.memory_space<vmem>> -> memref<1x64xi32, #tpu.memory_space<vmem>>
      %dma_start3A_454 = tpu.memref_squeeze %dma_start3A_453 : memref<1x64xi32, #tpu.memory_space<vmem>> -> memref<64xi32, #tpu.memory_space<vmem>>
      %dma_start3A_455 = arith.constant 0 : i32
      %dma_start3A_456 = arith.constant 0 : i32
      %dma_start3A_457 = tpu.memref_slice %arg6[%dma_start3A_455, %dma_start3A_456] : memref<20000x128xf32, #tpu.memory_space<hbm>> -> memref<20000x128xf32, #tpu.memory_space<hbm>>
      tpu.enqueue_indirect_dma source(%dma_start3A_457 : memref<20000x128xf32, #tpu.memory_space<hbm>>) target(%arg18 : memref<64x128xf32, #tpu.memory_space<vmem>>) offsets(%dma_start3A_454 : memref<64xi32, #tpu.memory_space<vmem>>) semaphore(%arg22 : memref<!tpu.dma_semaphore, #tpu.memory_space<semaphore_mem>>)
      %dma_wait3A_458 = arith.constant 5 : i32
      %dma_wait3A_459 = arith.constant 0 : i32
      %dma_wait3A_460 = tpu.memref_slice %arg15[%dma_wait3A_458, %dma_wait3A_459] : memref<8x64xi32, #tpu.memory_space<vmem>> -> memref<1x64xi32, #tpu.memory_space<vmem>>
      %dma_wait3A_461 = tpu.memref_squeeze %dma_wait3A_460 : memref<1x64xi32, #tpu.memory_space<vmem>> -> memref<64xi32, #tpu.memory_space<vmem>>
      %dma_wait3A_462 = arith.constant 0 : i32
      %dma_wait3A_463 = arith.constant 0 : i32
      %dma_wait3A_464 = tpu.memref_slice %arg12[%dma_wait3A_462, %dma_wait3A_463] : memref<80x128xf32, #tpu.memory_space<vmem_shared>> -> memref<80x128xf32, #tpu.memory_space<vmem_shared>>
      tpu.wait_indirect_dma semaphore(%arg28 : memref<!tpu.dma_semaphore, #tpu.memory_space<semaphore_mem>>) src(%arg20 : memref<64x128xf32, #tpu.memory_space<vmem>>) dst(%dma_wait3A_464 : memref<80x128xf32, #tpu.memory_space<vmem_shared>>)
      %dma_start3A_465 = arith.constant 7 : i32
      %dma_start3A_466 = arith.constant 0 : i32
      %dma_start3A_467 = tpu.memref_slice %arg16[%dma_start3A_465, %dma_start3A_466] : memref<8x64xi32, #tpu.memory_space<vmem>> -> memref<1x64xi32, #tpu.memory_space<vmem>>
      %dma_start3A_468 = tpu.memref_squeeze %dma_start3A_467 : memref<1x64xi32, #tpu.memory_space<vmem>> -> memref<64xi32, #tpu.memory_space<vmem>>
      %dma_start3A_469 = arith.constant 0 : i32
      %dma_start3A_470 = arith.constant 0 : i32
      %dma_start3A_471 = tpu.memref_slice %arg8[%dma_start3A_469, %dma_start3A_470] : memref<128x128xf32, #tpu.memory_space<hbm>> -> memref<128x128xf32, #tpu.memory_space<hbm>>
      tpu.enqueue_indirect_dma source(%dma_start3A_471 : memref<128x128xf32, #tpu.memory_space<hbm>>) target(%arg20 : memref<64x128xf32, #tpu.memory_space<vmem>>) offsets(%dma_start3A_468 : memref<64xi32, #tpu.memory_space<vmem>>) semaphore(%arg24 : memref<!tpu.dma_semaphore, #tpu.memory_space<semaphore_mem>>)
      %dma_wait3A_472 = arith.constant 7 : i32
      %dma_wait3A_473 = arith.constant 0 : i32
      %dma_wait3A_474 = tpu.memref_slice %arg13[%dma_wait3A_472, %dma_wait3A_473] : memref<8x64xi32, #tpu.memory_space<vmem>> -> memref<1x64xi32, #tpu.memory_space<vmem>>
      %dma_wait3A_475 = tpu.memref_squeeze %dma_wait3A_474 : memref<1x64xi32, #tpu.memory_space<vmem>> -> memref<64xi32, #tpu.memory_space<vmem>>
      %dma_wait3A_476 = arith.constant 0 : i32
      %dma_wait3A_477 = arith.constant 0 : i32
      %dma_wait3A_478 = tpu.memref_slice %arg6[%dma_wait3A_476, %dma_wait3A_477] : memref<20000x128xf32, #tpu.memory_space<hbm>> -> memref<20000x128xf32, #tpu.memory_space<hbm>>
      tpu.wait_indirect_dma semaphore(%arg22 : memref<!tpu.dma_semaphore, #tpu.memory_space<semaphore_mem>>) src(%dma_wait3A_478 : memref<20000x128xf32, #tpu.memory_space<hbm>>) dst(%arg18 : memref<64x128xf32, #tpu.memory_space<vmem>>)
      %dma_start3A_479 = arith.constant 7 : i32
      %dma_start3A_480 = arith.constant 0 : i32
      %dma_start3A_481 = tpu.memref_slice %arg14[%dma_start3A_479, %dma_start3A_480] : memref<8x64xi32, #tpu.memory_space<vmem>> -> memref<1x64xi32, #tpu.memory_space<vmem>>
      %dma_start3A_482 = tpu.memref_squeeze %dma_start3A_481 : memref<1x64xi32, #tpu.memory_space<vmem>> -> memref<64xi32, #tpu.memory_space<vmem>>
      %dma_start3A_483 = arith.constant 0 : i32
      %dma_start3A_484 = arith.constant 0 : i32
      %dma_start3A_485 = tpu.memref_slice %arg11[%dma_start3A_483, %dma_start3A_484] : memref<10240x128xf32, #tpu.memory_space<vmem_shared>> -> memref<10240x128xf32, #tpu.memory_space<vmem_shared>>
      tpu.enqueue_indirect_dma source(%arg18 : memref<64x128xf32, #tpu.memory_space<vmem>>) target(%dma_start3A_485 : memref<10240x128xf32, #tpu.memory_space<vmem_shared>>) offsets(%dma_start3A_482 : memref<64xi32, #tpu.memory_space<vmem>>) semaphore(%arg26 : memref<!tpu.dma_semaphore, #tpu.memory_space<semaphore_mem>>) {add = true}
      %dma_wait3A_486 = arith.constant 7 : i32
      %dma_wait3A_487 = arith.constant 0 : i32
      %dma_wait3A_488 = tpu.memref_slice %arg16[%dma_wait3A_486, %dma_wait3A_487] : memref<8x64xi32, #tpu.memory_space<vmem>> -> memref<1x64xi32, #tpu.memory_space<vmem>>
      %dma_wait3A_489 = tpu.memref_squeeze %dma_wait3A_488 : memref<1x64xi32, #tpu.memory_space<vmem>> -> memref<64xi32, #tpu.memory_space<vmem>>
      %dma_wait3A_490 = arith.constant 0 : i32
      %dma_wait3A_491 = arith.constant 0 : i32
      %dma_wait3A_492 = tpu.memref_slice %arg8[%dma_wait3A_490, %dma_wait3A_491] : memref<128x128xf32, #tpu.memory_space<hbm>> -> memref<128x128xf32, #tpu.memory_space<hbm>>
      tpu.wait_indirect_dma semaphore(%arg24 : memref<!tpu.dma_semaphore, #tpu.memory_space<semaphore_mem>>) src(%dma_wait3A_492 : memref<128x128xf32, #tpu.memory_space<hbm>>) dst(%arg20 : memref<64x128xf32, #tpu.memory_space<vmem>>)
      %dma_start3A_493 = arith.constant 7 : i32
      %dma_start3A_494 = arith.constant 0 : i32
      %dma_start3A_495 = tpu.memref_slice %arg15[%dma_start3A_493, %dma_start3A_494] : memref<8x64xi32, #tpu.memory_space<vmem>> -> memref<1x64xi32, #tpu.memory_space<vmem>>
      %dma_start3A_496 = tpu.memref_squeeze %dma_start3A_495 : memref<1x64xi32, #tpu.memory_space<vmem>> -> memref<64xi32, #tpu.memory_space<vmem>>
      %dma_start3A_497 = arith.constant 0 : i32
      %dma_start3A_498 = arith.constant 0 : i32
      %dma_start3A_499 = tpu.memref_slice %arg12[%dma_start3A_497, %dma_start3A_498] : memref<80x128xf32, #tpu.memory_space<vmem_shared>> -> memref<80x128xf32, #tpu.memory_space<vmem_shared>>
      tpu.enqueue_indirect_dma source(%arg20 : memref<64x128xf32, #tpu.memory_space<vmem>>) target(%dma_start3A_499 : memref<80x128xf32, #tpu.memory_space<vmem_shared>>) offsets(%dma_start3A_496 : memref<64xi32, #tpu.memory_space<vmem>>) semaphore(%arg28 : memref<!tpu.dma_semaphore, #tpu.memory_space<semaphore_mem>>) {add = true}
      %dma_wait3A_500 = arith.constant 6 : i32
      %dma_wait3A_501 = arith.constant 0 : i32
      %dma_wait3A_502 = tpu.memref_slice %arg14[%dma_wait3A_500, %dma_wait3A_501] : memref<8x64xi32, #tpu.memory_space<vmem>> -> memref<1x64xi32, #tpu.memory_space<vmem>>
      %dma_wait3A_503 = tpu.memref_squeeze %dma_wait3A_502 : memref<1x64xi32, #tpu.memory_space<vmem>> -> memref<64xi32, #tpu.memory_space<vmem>>
      %dma_wait3A_504 = arith.constant 0 : i32
      %dma_wait3A_505 = arith.constant 0 : i32
      %dma_wait3A_506 = tpu.memref_slice %arg11[%dma_wait3A_504, %dma_wait3A_505] : memref<10240x128xf32, #tpu.memory_space<vmem_shared>> -> memref<10240x128xf32, #tpu.memory_space<vmem_shared>>
      tpu.wait_indirect_dma semaphore(%arg25 : memref<!tpu.dma_semaphore, #tpu.memory_space<semaphore_mem>>) src(%arg17 : memref<64x128xf32, #tpu.memory_space<vmem>>) dst(%dma_wait3A_506 : memref<10240x128xf32, #tpu.memory_space<vmem_shared>>)
      %dma_wait3A_507 = arith.constant 6 : i32
      %dma_wait3A_508 = arith.constant 0 : i32
      %dma_wait3A_509 = tpu.memref_slice %arg15[%dma_wait3A_507, %dma_wait3A_508] : memref<8x64xi32, #tpu.memory_space<vmem>> -> memref<1x64xi32, #tpu.memory_space<vmem>>
      %dma_wait3A_510 = tpu.memref_squeeze %dma_wait3A_509 : memref<1x64xi32, #tpu.memory_space<vmem>> -> memref<64xi32, #tpu.memory_space<vmem>>
      %dma_wait3A_511 = arith.constant 0 : i32
      %dma_wait3A_512 = arith.constant 0 : i32
      %dma_wait3A_513 = tpu.memref_slice %arg12[%dma_wait3A_511, %dma_wait3A_512] : memref<80x128xf32, #tpu.memory_space<vmem_shared>> -> memref<80x128xf32, #tpu.memory_space<vmem_shared>>
      tpu.wait_indirect_dma semaphore(%arg27 : memref<!tpu.dma_semaphore, #tpu.memory_space<semaphore_mem>>) src(%arg19 : memref<64x128xf32, #tpu.memory_space<vmem>>) dst(%dma_wait3A_513 : memref<80x128xf32, #tpu.memory_space<vmem_shared>>)
      %dma_wait3A_514 = arith.constant 7 : i32
      %dma_wait3A_515 = arith.constant 0 : i32
      %dma_wait3A_516 = tpu.memref_slice %arg14[%dma_wait3A_514, %dma_wait3A_515] : memref<8x64xi32, #tpu.memory_space<vmem>> -> memref<1x64xi32, #tpu.memory_space<vmem>>
      %dma_wait3A_517 = tpu.memref_squeeze %dma_wait3A_516 : memref<1x64xi32, #tpu.memory_space<vmem>> -> memref<64xi32, #tpu.memory_space<vmem>>
      %dma_wait3A_518 = arith.constant 0 : i32
      %dma_wait3A_519 = arith.constant 0 : i32
      %dma_wait3A_520 = tpu.memref_slice %arg11[%dma_wait3A_518, %dma_wait3A_519] : memref<10240x128xf32, #tpu.memory_space<vmem_shared>> -> memref<10240x128xf32, #tpu.memory_space<vmem_shared>>
      tpu.wait_indirect_dma semaphore(%arg26 : memref<!tpu.dma_semaphore, #tpu.memory_space<semaphore_mem>>) src(%arg18 : memref<64x128xf32, #tpu.memory_space<vmem>>) dst(%dma_wait3A_520 : memref<10240x128xf32, #tpu.memory_space<vmem_shared>>)
      %dma_wait3A_521 = arith.constant 7 : i32
      %dma_wait3A_522 = arith.constant 0 : i32
      %dma_wait3A_523 = tpu.memref_slice %arg15[%dma_wait3A_521, %dma_wait3A_522] : memref<8x64xi32, #tpu.memory_space<vmem>> -> memref<1x64xi32, #tpu.memory_space<vmem>>
      %dma_wait3A_524 = tpu.memref_squeeze %dma_wait3A_523 : memref<1x64xi32, #tpu.memory_space<vmem>> -> memref<64xi32, #tpu.memory_space<vmem>>
      %dma_wait3A_525 = arith.constant 0 : i32
      %dma_wait3A_526 = arith.constant 0 : i32
      %dma_wait3A_527 = tpu.memref_slice %arg12[%dma_wait3A_525, %dma_wait3A_526] : memref<80x128xf32, #tpu.memory_space<vmem_shared>> -> memref<80x128xf32, #tpu.memory_space<vmem_shared>>
      tpu.wait_indirect_dma semaphore(%arg28 : memref<!tpu.dma_semaphore, #tpu.memory_space<semaphore_mem>>) src(%arg20 : memref<64x128xf32, #tpu.memory_space<vmem>>) dst(%dma_wait3A_527 : memref<80x128xf32, #tpu.memory_space<vmem_shared>>)
    }
    %scan3A_26 = arith.constant 20 : i32
    %barrier3A_27 = arith.constant 0 : index
    tpu.barrier barrier_id(%barrier3A_27)
    %add3A_28 = arith.constant 0 : i32
    %add3A_29 = arith.addi %mul3A_0, %add3A_28 : i32
    "tpu.region"() ({
      %run_scoped3A = tpu.sem_alloc : memref<!tpu.dma_semaphore, #tpu.memory_space<semaphore_mem>>
      %dma_start3A = arith.constant 0 : i32
      %dma_start3A_73 = arith.constant 0 : i32
      %dma_start3A_74 = tpu.memref_slice %arg17[%dma_start3A, %dma_start3A_73] : memref<64x128xf32, #tpu.memory_space<vmem>> -> memref<64x128xf32, #tpu.memory_space<vmem>>
      %dma_start3A_75 = arith.constant 0 : i32
      %dma_start3A_76 = tpu.memref_slice %arg11[%add3A_29, %dma_start3A_75] : memref<10240x128xf32, #tpu.memory_space<vmem_shared>> -> memref<64x128xf32, #tpu.memory_space<vmem_shared>>
      %dma_start3A_77 = arith.constant 0 : i32
      %dma_start3A_78 = arith.constant 0 : i32
      %dma_start3A_79 = tpu.memref_slice %arg17[%dma_start3A_77, %dma_start3A_78] : memref<64x128xf32, #tpu.memory_space<vmem>> -> memref<64x128xf32, #tpu.memory_space<vmem>>
      %dma_start3A_80 = arith.constant 0 : i32
      %dma_start3A_81 = tpu.memref_slice %arg11[%add3A_29, %dma_start3A_80] : memref<10240x128xf32, #tpu.memory_space<vmem_shared>> -> memref<64x128xf32, #tpu.memory_space<vmem_shared>>
      tpu.enqueue_dma source(%dma_start3A_81 : memref<64x128xf32, #tpu.memory_space<vmem_shared>>) target(%dma_start3A_79 : memref<64x128xf32, #tpu.memory_space<vmem>>) target_semaphore(%run_scoped3A : memref<!tpu.dma_semaphore, #tpu.memory_space<semaphore_mem>>)
      %dma_wait3A = arith.constant 0 : i32
      %dma_wait3A_82 = arith.constant 0 : i32
      %dma_wait3A_83 = tpu.memref_slice %arg17[%dma_wait3A, %dma_wait3A_82] : memref<64x128xf32, #tpu.memory_space<vmem>> -> memref<64x128xf32, #tpu.memory_space<vmem>>
      %dma_wait3A_84 = arith.constant 0 : i32
      %dma_wait3A_85 = tpu.memref_slice %arg11[%add3A_29, %dma_wait3A_84] : memref<10240x128xf32, #tpu.memory_space<vmem_shared>> -> memref<64x128xf32, #tpu.memory_space<vmem_shared>>
      %dma_wait3A_86 = arith.constant 0 : i32
      %dma_wait3A_87 = arith.constant 0 : i32
      %dma_wait3A_88 = tpu.memref_slice %arg17[%dma_wait3A_86, %dma_wait3A_87] : memref<64x128xf32, #tpu.memory_space<vmem>> -> memref<64x128xf32, #tpu.memory_space<vmem>>
      %dma_wait3A_89 = arith.constant 0 : i32
      %dma_wait3A_90 = tpu.memref_slice %arg11[%add3A_29, %dma_wait3A_89] : memref<10240x128xf32, #tpu.memory_space<vmem_shared>> -> memref<64x128xf32, #tpu.memory_space<vmem_shared>>
      tpu.wait_dma2 semaphore(%run_scoped3A : memref<!tpu.dma_semaphore, #tpu.memory_space<semaphore_mem>>) src(%dma_wait3A_90 : memref<64x128xf32, #tpu.memory_space<vmem_shared>>) dst(%dma_wait3A_88 : memref<64x128xf32, #tpu.memory_space<vmem>>)
      tpu.yield
    }) : () -> ()
    %add3A_30 = arith.constant 0 : i32
    %add3A_31 = arith.addi %mul3A_0, %add3A_30 : i32
    "tpu.region"() ({
      %run_scoped3A = tpu.sem_alloc : memref<!tpu.dma_semaphore, #tpu.memory_space<semaphore_mem>>
      %dma_start3A = arith.constant 0 : i32
      %dma_start3A_73 = arith.constant 0 : i32
      %dma_start3A_74 = tpu.memref_slice %arg17[%dma_start3A, %dma_start3A_73] : memref<64x128xf32, #tpu.memory_space<vmem>> -> memref<64x128xf32, #tpu.memory_space<vmem>>
      %dma_start3A_75 = arith.constant 0 : i32
      %dma_start3A_76 = tpu.memref_slice %arg9[%arg0, %add3A_31, %dma_start3A_75] : memref<2x10240x128xf32, #tpu.memory_space<hbm>> -> memref<1x64x128xf32, #tpu.memory_space<hbm>>
      %dma_start3A_77 = tpu.memref_squeeze %dma_start3A_76 : memref<1x64x128xf32, #tpu.memory_space<hbm>> -> memref<64x128xf32, #tpu.memory_space<hbm>>
      %dma_start3A_78 = arith.constant 0 : i32
      %dma_start3A_79 = tpu.memref_slice %arg9[%arg0, %add3A_31, %dma_start3A_78] : memref<2x10240x128xf32, #tpu.memory_space<hbm>> -> memref<1x64x128xf32, #tpu.memory_space<hbm>>
      %dma_start3A_80 = tpu.memref_squeeze %dma_start3A_79 : memref<1x64x128xf32, #tpu.memory_space<hbm>> -> memref<64x128xf32, #tpu.memory_space<hbm>>
      %dma_start3A_81 = arith.constant 0 : i32
      %dma_start3A_82 = arith.constant 0 : i32
      %dma_start3A_83 = tpu.memref_slice %arg17[%dma_start3A_81, %dma_start3A_82] : memref<64x128xf32, #tpu.memory_space<vmem>> -> memref<64x128xf32, #tpu.memory_space<vmem>>
      tpu.enqueue_dma source(%dma_start3A_83 : memref<64x128xf32, #tpu.memory_space<vmem>>) target(%dma_start3A_80 : memref<64x128xf32, #tpu.memory_space<hbm>>) target_semaphore(%run_scoped3A : memref<!tpu.dma_semaphore, #tpu.memory_space<semaphore_mem>>)
      %dma_wait3A = arith.constant 0 : i32
      %dma_wait3A_84 = arith.constant 0 : i32
      %dma_wait3A_85 = tpu.memref_slice %arg17[%dma_wait3A, %dma_wait3A_84] : memref<64x128xf32, #tpu.memory_space<vmem>> -> memref<64x128xf32, #tpu.memory_space<vmem>>
      %dma_wait3A_86 = arith.constant 0 : i32
      %dma_wait3A_87 = tpu.memref_slice %arg9[%arg0, %add3A_31, %dma_wait3A_86] : memref<2x10240x128xf32, #tpu.memory_space<hbm>> -> memref<1x64x128xf32, #tpu.memory_space<hbm>>
      %dma_wait3A_88 = tpu.memref_squeeze %dma_wait3A_87 : memref<1x64x128xf32, #tpu.memory_space<hbm>> -> memref<64x128xf32, #tpu.memory_space<hbm>>
      %dma_wait3A_89 = arith.constant 0 : i32
      %dma_wait3A_90 = tpu.memref_slice %arg9[%arg0, %add3A_31, %dma_wait3A_89] : memref<2x10240x128xf32, #tpu.memory_space<hbm>> -> memref<1x64x128xf32, #tpu.memory_space<hbm>>
      %dma_wait3A_91 = tpu.memref_squeeze %dma_wait3A_90 : memref<1x64x128xf32, #tpu.memory_space<hbm>> -> memref<64x128xf32, #tpu.memory_space<hbm>>
      %dma_wait3A_92 = arith.constant 0 : i32
      %dma_wait3A_93 = arith.constant 0 : i32
      %dma_wait3A_94 = tpu.memref_slice %arg17[%dma_wait3A_92, %dma_wait3A_93] : memref<64x128xf32, #tpu.memory_space<vmem>> -> memref<64x128xf32, #tpu.memory_space<vmem>>
      tpu.wait_dma2 semaphore(%run_scoped3A : memref<!tpu.dma_semaphore, #tpu.memory_space<semaphore_mem>>) src(%dma_wait3A_94 : memref<64x128xf32, #tpu.memory_space<vmem>>) dst(%dma_wait3A_91 : memref<64x128xf32, #tpu.memory_space<hbm>>)
      tpu.yield
    }) : () -> ()
    %add3A_32 = arith.constant 64 : i32
    %add3A_33 = arith.addi %mul3A_0, %add3A_32 : i32
    "tpu.region"() ({
      %run_scoped3A = tpu.sem_alloc : memref<!tpu.dma_semaphore, #tpu.memory_space<semaphore_mem>>
      %dma_start3A = arith.constant 0 : i32
      %dma_start3A_73 = arith.constant 0 : i32
      %dma_start3A_74 = tpu.memref_slice %arg17[%dma_start3A, %dma_start3A_73] : memref<64x128xf32, #tpu.memory_space<vmem>> -> memref<64x128xf32, #tpu.memory_space<vmem>>
      %dma_start3A_75 = arith.constant 0 : i32
      %dma_start3A_76 = tpu.memref_slice %arg11[%add3A_33, %dma_start3A_75] : memref<10240x128xf32, #tpu.memory_space<vmem_shared>> -> memref<64x128xf32, #tpu.memory_space<vmem_shared>>
      %dma_start3A_77 = arith.constant 0 : i32
      %dma_start3A_78 = arith.constant 0 : i32
      %dma_start3A_79 = tpu.memref_slice %arg17[%dma_start3A_77, %dma_start3A_78] : memref<64x128xf32, #tpu.memory_space<vmem>> -> memref<64x128xf32, #tpu.memory_space<vmem>>
      %dma_start3A_80 = arith.constant 0 : i32
      %dma_start3A_81 = tpu.memref_slice %arg11[%add3A_33, %dma_start3A_80] : memref<10240x128xf32, #tpu.memory_space<vmem_shared>> -> memref<64x128xf32, #tpu.memory_space<vmem_shared>>
      tpu.enqueue_dma source(%dma_start3A_81 : memref<64x128xf32, #tpu.memory_space<vmem_shared>>) target(%dma_start3A_79 : memref<64x128xf32, #tpu.memory_space<vmem>>) target_semaphore(%run_scoped3A : memref<!tpu.dma_semaphore, #tpu.memory_space<semaphore_mem>>)
      %dma_wait3A = arith.constant 0 : i32
      %dma_wait3A_82 = arith.constant 0 : i32
      %dma_wait3A_83 = tpu.memref_slice %arg17[%dma_wait3A, %dma_wait3A_82] : memref<64x128xf32, #tpu.memory_space<vmem>> -> memref<64x128xf32, #tpu.memory_space<vmem>>
      %dma_wait3A_84 = arith.constant 0 : i32
      %dma_wait3A_85 = tpu.memref_slice %arg11[%add3A_33, %dma_wait3A_84] : memref<10240x128xf32, #tpu.memory_space<vmem_shared>> -> memref<64x128xf32, #tpu.memory_space<vmem_shared>>
      %dma_wait3A_86 = arith.constant 0 : i32
      %dma_wait3A_87 = arith.constant 0 : i32
      %dma_wait3A_88 = tpu.memref_slice %arg17[%dma_wait3A_86, %dma_wait3A_87] : memref<64x128xf32, #tpu.memory_space<vmem>> -> memref<64x128xf32, #tpu.memory_space<vmem>>
      %dma_wait3A_89 = arith.constant 0 : i32
      %dma_wait3A_90 = tpu.memref_slice %arg11[%add3A_33, %dma_wait3A_89] : memref<10240x128xf32, #tpu.memory_space<vmem_shared>> -> memref<64x128xf32, #tpu.memory_space<vmem_shared>>
      tpu.wait_dma2 semaphore(%run_scoped3A : memref<!tpu.dma_semaphore, #tpu.memory_space<semaphore_mem>>) src(%dma_wait3A_90 : memref<64x128xf32, #tpu.memory_space<vmem_shared>>) dst(%dma_wait3A_88 : memref<64x128xf32, #tpu.memory_space<vmem>>)
      tpu.yield
    }) : () -> ()
    %add3A_34 = arith.constant 64 : i32
    %add3A_35 = arith.addi %mul3A_0, %add3A_34 : i32
    "tpu.region"() ({
      %run_scoped3A = tpu.sem_alloc : memref<!tpu.dma_semaphore, #tpu.memory_space<semaphore_mem>>
      %dma_start3A = arith.constant 0 : i32
      %dma_start3A_73 = arith.constant 0 : i32
      %dma_start3A_74 = tpu.memref_slice %arg17[%dma_start3A, %dma_start3A_73] : memref<64x128xf32, #tpu.memory_space<vmem>> -> memref<64x128xf32, #tpu.memory_space<vmem>>
      %dma_start3A_75 = arith.constant 0 : i32
      %dma_start3A_76 = tpu.memref_slice %arg9[%arg0, %add3A_35, %dma_start3A_75] : memref<2x10240x128xf32, #tpu.memory_space<hbm>> -> memref<1x64x128xf32, #tpu.memory_space<hbm>>
      %dma_start3A_77 = tpu.memref_squeeze %dma_start3A_76 : memref<1x64x128xf32, #tpu.memory_space<hbm>> -> memref<64x128xf32, #tpu.memory_space<hbm>>
      %dma_start3A_78 = arith.constant 0 : i32
      %dma_start3A_79 = tpu.memref_slice %arg9[%arg0, %add3A_35, %dma_start3A_78] : memref<2x10240x128xf32, #tpu.memory_space<hbm>> -> memref<1x64x128xf32, #tpu.memory_space<hbm>>
      %dma_start3A_80 = tpu.memref_squeeze %dma_start3A_79 : memref<1x64x128xf32, #tpu.memory_space<hbm>> -> memref<64x128xf32, #tpu.memory_space<hbm>>
      %dma_start3A_81 = arith.constant 0 : i32
      %dma_start3A_82 = arith.constant 0 : i32
      %dma_start3A_83 = tpu.memref_slice %arg17[%dma_start3A_81, %dma_start3A_82] : memref<64x128xf32, #tpu.memory_space<vmem>> -> memref<64x128xf32, #tpu.memory_space<vmem>>
      tpu.enqueue_dma source(%dma_start3A_83 : memref<64x128xf32, #tpu.memory_space<vmem>>) target(%dma_start3A_80 : memref<64x128xf32, #tpu.memory_space<hbm>>) target_semaphore(%run_scoped3A : memref<!tpu.dma_semaphore, #tpu.memory_space<semaphore_mem>>)
      %dma_wait3A = arith.constant 0 : i32
      %dma_wait3A_84 = arith.constant 0 : i32
      %dma_wait3A_85 = tpu.memref_slice %arg17[%dma_wait3A, %dma_wait3A_84] : memref<64x128xf32, #tpu.memory_space<vmem>> -> memref<64x128xf32, #tpu.memory_space<vmem>>
      %dma_wait3A_86 = arith.constant 0 : i32
      %dma_wait3A_87 = tpu.memref_slice %arg9[%arg0, %add3A_35, %dma_wait3A_86] : memref<2x10240x128xf32, #tpu.memory_space<hbm>> -> memref<1x64x128xf32, #tpu.memory_space<hbm>>
      %dma_wait3A_88 = tpu.memref_squeeze %dma_wait3A_87 : memref<1x64x128xf32, #tpu.memory_space<hbm>> -> memref<64x128xf32, #tpu.memory_space<hbm>>
      %dma_wait3A_89 = arith.constant 0 : i32
      %dma_wait3A_90 = tpu.memref_slice %arg9[%arg0, %add3A_35, %dma_wait3A_89] : memref<2x10240x128xf32, #tpu.memory_space<hbm>> -> memref<1x64x128xf32, #tpu.memory_space<hbm>>
      %dma_wait3A_91 = tpu.memref_squeeze %dma_wait3A_90 : memref<1x64x128xf32, #tpu.memory_space<hbm>> -> memref<64x128xf32, #tpu.memory_space<hbm>>
      %dma_wait3A_92 = arith.constant 0 : i32
      %dma_wait3A_93 = arith.constant 0 : i32
      %dma_wait3A_94 = tpu.memref_slice %arg17[%dma_wait3A_92, %dma_wait3A_93] : memref<64x128xf32, #tpu.memory_space<vmem>> -> memref<64x128xf32, #tpu.memory_space<vmem>>
      tpu.wait_dma2 semaphore(%run_scoped3A : memref<!tpu.dma_semaphore, #tpu.memory_space<semaphore_mem>>) src(%dma_wait3A_94 : memref<64x128xf32, #tpu.memory_space<vmem>>) dst(%dma_wait3A_91 : memref<64x128xf32, #tpu.memory_space<hbm>>)
      tpu.yield
    }) : () -> ()
    %add3A_36 = arith.constant 128 : i32
    %add3A_37 = arith.addi %mul3A_0, %add3A_36 : i32
    "tpu.region"() ({
      %run_scoped3A = tpu.sem_alloc : memref<!tpu.dma_semaphore, #tpu.memory_space<semaphore_mem>>
      %dma_start3A = arith.constant 0 : i32
      %dma_start3A_73 = arith.constant 0 : i32
      %dma_start3A_74 = tpu.memref_slice %arg17[%dma_start3A, %dma_start3A_73] : memref<64x128xf32, #tpu.memory_space<vmem>> -> memref<64x128xf32, #tpu.memory_space<vmem>>
      %dma_start3A_75 = arith.constant 0 : i32
      %dma_start3A_76 = tpu.memref_slice %arg11[%add3A_37, %dma_start3A_75] : memref<10240x128xf32, #tpu.memory_space<vmem_shared>> -> memref<64x128xf32, #tpu.memory_space<vmem_shared>>
      %dma_start3A_77 = arith.constant 0 : i32
      %dma_start3A_78 = arith.constant 0 : i32
      %dma_start3A_79 = tpu.memref_slice %arg17[%dma_start3A_77, %dma_start3A_78] : memref<64x128xf32, #tpu.memory_space<vmem>> -> memref<64x128xf32, #tpu.memory_space<vmem>>
      %dma_start3A_80 = arith.constant 0 : i32
      %dma_start3A_81 = tpu.memref_slice %arg11[%add3A_37, %dma_start3A_80] : memref<10240x128xf32, #tpu.memory_space<vmem_shared>> -> memref<64x128xf32, #tpu.memory_space<vmem_shared>>
      tpu.enqueue_dma source(%dma_start3A_81 : memref<64x128xf32, #tpu.memory_space<vmem_shared>>) target(%dma_start3A_79 : memref<64x128xf32, #tpu.memory_space<vmem>>) target_semaphore(%run_scoped3A : memref<!tpu.dma_semaphore, #tpu.memory_space<semaphore_mem>>)
      %dma_wait3A = arith.constant 0 : i32
      %dma_wait3A_82 = arith.constant 0 : i32
      %dma_wait3A_83 = tpu.memref_slice %arg17[%dma_wait3A, %dma_wait3A_82] : memref<64x128xf32, #tpu.memory_space<vmem>> -> memref<64x128xf32, #tpu.memory_space<vmem>>
      %dma_wait3A_84 = arith.constant 0 : i32
      %dma_wait3A_85 = tpu.memref_slice %arg11[%add3A_37, %dma_wait3A_84] : memref<10240x128xf32, #tpu.memory_space<vmem_shared>> -> memref<64x128xf32, #tpu.memory_space<vmem_shared>>
      %dma_wait3A_86 = arith.constant 0 : i32
      %dma_wait3A_87 = arith.constant 0 : i32
      %dma_wait3A_88 = tpu.memref_slice %arg17[%dma_wait3A_86, %dma_wait3A_87] : memref<64x128xf32, #tpu.memory_space<vmem>> -> memref<64x128xf32, #tpu.memory_space<vmem>>
      %dma_wait3A_89 = arith.constant 0 : i32
      %dma_wait3A_90 = tpu.memref_slice %arg11[%add3A_37, %dma_wait3A_89] : memref<10240x128xf32, #tpu.memory_space<vmem_shared>> -> memref<64x128xf32, #tpu.memory_space<vmem_shared>>
      tpu.wait_dma2 semaphore(%run_scoped3A : memref<!tpu.dma_semaphore, #tpu.memory_space<semaphore_mem>>) src(%dma_wait3A_90 : memref<64x128xf32, #tpu.memory_space<vmem_shared>>) dst(%dma_wait3A_88 : memref<64x128xf32, #tpu.memory_space<vmem>>)
      tpu.yield
    }) : () -> ()
    %add3A_38 = arith.constant 128 : i32
    %add3A_39 = arith.addi %mul3A_0, %add3A_38 : i32
    "tpu.region"() ({
      %run_scoped3A = tpu.sem_alloc : memref<!tpu.dma_semaphore, #tpu.memory_space<semaphore_mem>>
      %dma_start3A = arith.constant 0 : i32
      %dma_start3A_73 = arith.constant 0 : i32
      %dma_start3A_74 = tpu.memref_slice %arg17[%dma_start3A, %dma_start3A_73] : memref<64x128xf32, #tpu.memory_space<vmem>> -> memref<64x128xf32, #tpu.memory_space<vmem>>
      %dma_start3A_75 = arith.constant 0 : i32
      %dma_start3A_76 = tpu.memref_slice %arg9[%arg0, %add3A_39, %dma_start3A_75] : memref<2x10240x128xf32, #tpu.memory_space<hbm>> -> memref<1x64x128xf32, #tpu.memory_space<hbm>>
      %dma_start3A_77 = tpu.memref_squeeze %dma_start3A_76 : memref<1x64x128xf32, #tpu.memory_space<hbm>> -> memref<64x128xf32, #tpu.memory_space<hbm>>
      %dma_start3A_78 = arith.constant 0 : i32
      %dma_start3A_79 = tpu.memref_slice %arg9[%arg0, %add3A_39, %dma_start3A_78] : memref<2x10240x128xf32, #tpu.memory_space<hbm>> -> memref<1x64x128xf32, #tpu.memory_space<hbm>>
      %dma_start3A_80 = tpu.memref_squeeze %dma_start3A_79 : memref<1x64x128xf32, #tpu.memory_space<hbm>> -> memref<64x128xf32, #tpu.memory_space<hbm>>
      %dma_start3A_81 = arith.constant 0 : i32
      %dma_start3A_82 = arith.constant 0 : i32
      %dma_start3A_83 = tpu.memref_slice %arg17[%dma_start3A_81, %dma_start3A_82] : memref<64x128xf32, #tpu.memory_space<vmem>> -> memref<64x128xf32, #tpu.memory_space<vmem>>
      tpu.enqueue_dma source(%dma_start3A_83 : memref<64x128xf32, #tpu.memory_space<vmem>>) target(%dma_start3A_80 : memref<64x128xf32, #tpu.memory_space<hbm>>) target_semaphore(%run_scoped3A : memref<!tpu.dma_semaphore, #tpu.memory_space<semaphore_mem>>)
      %dma_wait3A = arith.constant 0 : i32
      %dma_wait3A_84 = arith.constant 0 : i32
      %dma_wait3A_85 = tpu.memref_slice %arg17[%dma_wait3A, %dma_wait3A_84] : memref<64x128xf32, #tpu.memory_space<vmem>> -> memref<64x128xf32, #tpu.memory_space<vmem>>
      %dma_wait3A_86 = arith.constant 0 : i32
      %dma_wait3A_87 = tpu.memref_slice %arg9[%arg0, %add3A_39, %dma_wait3A_86] : memref<2x10240x128xf32, #tpu.memory_space<hbm>> -> memref<1x64x128xf32, #tpu.memory_space<hbm>>
      %dma_wait3A_88 = tpu.memref_squeeze %dma_wait3A_87 : memref<1x64x128xf32, #tpu.memory_space<hbm>> -> memref<64x128xf32, #tpu.memory_space<hbm>>
      %dma_wait3A_89 = arith.constant 0 : i32
      %dma_wait3A_90 = tpu.memref_slice %arg9[%arg0, %add3A_39, %dma_wait3A_89] : memref<2x10240x128xf32, #tpu.memory_space<hbm>> -> memref<1x64x128xf32, #tpu.memory_space<hbm>>
      %dma_wait3A_91 = tpu.memref_squeeze %dma_wait3A_90 : memref<1x64x128xf32, #tpu.memory_space<hbm>> -> memref<64x128xf32, #tpu.memory_space<hbm>>
      %dma_wait3A_92 = arith.constant 0 : i32
      %dma_wait3A_93 = arith.constant 0 : i32
      %dma_wait3A_94 = tpu.memref_slice %arg17[%dma_wait3A_92, %dma_wait3A_93] : memref<64x128xf32, #tpu.memory_space<vmem>> -> memref<64x128xf32, #tpu.memory_space<vmem>>
      tpu.wait_dma2 semaphore(%run_scoped3A : memref<!tpu.dma_semaphore, #tpu.memory_space<semaphore_mem>>) src(%dma_wait3A_94 : memref<64x128xf32, #tpu.memory_space<vmem>>) dst(%dma_wait3A_91 : memref<64x128xf32, #tpu.memory_space<hbm>>)
      tpu.yield
    }) : () -> ()
    %add3A_40 = arith.constant 192 : i32
    %add3A_41 = arith.addi %mul3A_0, %add3A_40 : i32
    "tpu.region"() ({
      %run_scoped3A = tpu.sem_alloc : memref<!tpu.dma_semaphore, #tpu.memory_space<semaphore_mem>>
      %dma_start3A = arith.constant 0 : i32
      %dma_start3A_73 = arith.constant 0 : i32
      %dma_start3A_74 = tpu.memref_slice %arg17[%dma_start3A, %dma_start3A_73] : memref<64x128xf32, #tpu.memory_space<vmem>> -> memref<64x128xf32, #tpu.memory_space<vmem>>
      %dma_start3A_75 = arith.constant 0 : i32
      %dma_start3A_76 = tpu.memref_slice %arg11[%add3A_41, %dma_start3A_75] : memref<10240x128xf32, #tpu.memory_space<vmem_shared>> -> memref<64x128xf32, #tpu.memory_space<vmem_shared>>
      %dma_start3A_77 = arith.constant 0 : i32
      %dma_start3A_78 = arith.constant 0 : i32
      %dma_start3A_79 = tpu.memref_slice %arg17[%dma_start3A_77, %dma_start3A_78] : memref<64x128xf32, #tpu.memory_space<vmem>> -> memref<64x128xf32, #tpu.memory_space<vmem>>
      %dma_start3A_80 = arith.constant 0 : i32
      %dma_start3A_81 = tpu.memref_slice %arg11[%add3A_41, %dma_start3A_80] : memref<10240x128xf32, #tpu.memory_space<vmem_shared>> -> memref<64x128xf32, #tpu.memory_space<vmem_shared>>
      tpu.enqueue_dma source(%dma_start3A_81 : memref<64x128xf32, #tpu.memory_space<vmem_shared>>) target(%dma_start3A_79 : memref<64x128xf32, #tpu.memory_space<vmem>>) target_semaphore(%run_scoped3A : memref<!tpu.dma_semaphore, #tpu.memory_space<semaphore_mem>>)
      %dma_wait3A = arith.constant 0 : i32
      %dma_wait3A_82 = arith.constant 0 : i32
      %dma_wait3A_83 = tpu.memref_slice %arg17[%dma_wait3A, %dma_wait3A_82] : memref<64x128xf32, #tpu.memory_space<vmem>> -> memref<64x128xf32, #tpu.memory_space<vmem>>
      %dma_wait3A_84 = arith.constant 0 : i32
      %dma_wait3A_85 = tpu.memref_slice %arg11[%add3A_41, %dma_wait3A_84] : memref<10240x128xf32, #tpu.memory_space<vmem_shared>> -> memref<64x128xf32, #tpu.memory_space<vmem_shared>>
      %dma_wait3A_86 = arith.constant 0 : i32
      %dma_wait3A_87 = arith.constant 0 : i32
      %dma_wait3A_88 = tpu.memref_slice %arg17[%dma_wait3A_86, %dma_wait3A_87] : memref<64x128xf32, #tpu.memory_space<vmem>> -> memref<64x128xf32, #tpu.memory_space<vmem>>
      %dma_wait3A_89 = arith.constant 0 : i32
      %dma_wait3A_90 = tpu.memref_slice %arg11[%add3A_41, %dma_wait3A_89] : memref<10240x128xf32, #tpu.memory_space<vmem_shared>> -> memref<64x128xf32, #tpu.memory_space<vmem_shared>>
      tpu.wait_dma2 semaphore(%run_scoped3A : memref<!tpu.dma_semaphore, #tpu.memory_space<semaphore_mem>>) src(%dma_wait3A_90 : memref<64x128xf32, #tpu.memory_space<vmem_shared>>) dst(%dma_wait3A_88 : memref<64x128xf32, #tpu.memory_space<vmem>>)
      tpu.yield
    }) : () -> ()
    %add3A_42 = arith.constant 192 : i32
    %add3A_43 = arith.addi %mul3A_0, %add3A_42 : i32
    "tpu.region"() ({
      %run_scoped3A = tpu.sem_alloc : memref<!tpu.dma_semaphore, #tpu.memory_space<semaphore_mem>>
      %dma_start3A = arith.constant 0 : i32
      %dma_start3A_73 = arith.constant 0 : i32
      %dma_start3A_74 = tpu.memref_slice %arg17[%dma_start3A, %dma_start3A_73] : memref<64x128xf32, #tpu.memory_space<vmem>> -> memref<64x128xf32, #tpu.memory_space<vmem>>
      %dma_start3A_75 = arith.constant 0 : i32
      %dma_start3A_76 = tpu.memref_slice %arg9[%arg0, %add3A_43, %dma_start3A_75] : memref<2x10240x128xf32, #tpu.memory_space<hbm>> -> memref<1x64x128xf32, #tpu.memory_space<hbm>>
      %dma_start3A_77 = tpu.memref_squeeze %dma_start3A_76 : memref<1x64x128xf32, #tpu.memory_space<hbm>> -> memref<64x128xf32, #tpu.memory_space<hbm>>
      %dma_start3A_78 = arith.constant 0 : i32
      %dma_start3A_79 = tpu.memref_slice %arg9[%arg0, %add3A_43, %dma_start3A_78] : memref<2x10240x128xf32, #tpu.memory_space<hbm>> -> memref<1x64x128xf32, #tpu.memory_space<hbm>>
      %dma_start3A_80 = tpu.memref_squeeze %dma_start3A_79 : memref<1x64x128xf32, #tpu.memory_space<hbm>> -> memref<64x128xf32, #tpu.memory_space<hbm>>
      %dma_start3A_81 = arith.constant 0 : i32
      %dma_start3A_82 = arith.constant 0 : i32
      %dma_start3A_83 = tpu.memref_slice %arg17[%dma_start3A_81, %dma_start3A_82] : memref<64x128xf32, #tpu.memory_space<vmem>> -> memref<64x128xf32, #tpu.memory_space<vmem>>
      tpu.enqueue_dma source(%dma_start3A_83 : memref<64x128xf32, #tpu.memory_space<vmem>>) target(%dma_start3A_80 : memref<64x128xf32, #tpu.memory_space<hbm>>) target_semaphore(%run_scoped3A : memref<!tpu.dma_semaphore, #tpu.memory_space<semaphore_mem>>)
      %dma_wait3A = arith.constant 0 : i32
      %dma_wait3A_84 = arith.constant 0 : i32
      %dma_wait3A_85 = tpu.memref_slice %arg17[%dma_wait3A, %dma_wait3A_84] : memref<64x128xf32, #tpu.memory_space<vmem>> -> memref<64x128xf32, #tpu.memory_space<vmem>>
      %dma_wait3A_86 = arith.constant 0 : i32
      %dma_wait3A_87 = tpu.memref_slice %arg9[%arg0, %add3A_43, %dma_wait3A_86] : memref<2x10240x128xf32, #tpu.memory_space<hbm>> -> memref<1x64x128xf32, #tpu.memory_space<hbm>>
      %dma_wait3A_88 = tpu.memref_squeeze %dma_wait3A_87 : memref<1x64x128xf32, #tpu.memory_space<hbm>> -> memref<64x128xf32, #tpu.memory_space<hbm>>
      %dma_wait3A_89 = arith.constant 0 : i32
      %dma_wait3A_90 = tpu.memref_slice %arg9[%arg0, %add3A_43, %dma_wait3A_89] : memref<2x10240x128xf32, #tpu.memory_space<hbm>> -> memref<1x64x128xf32, #tpu.memory_space<hbm>>
      %dma_wait3A_91 = tpu.memref_squeeze %dma_wait3A_90 : memref<1x64x128xf32, #tpu.memory_space<hbm>> -> memref<64x128xf32, #tpu.memory_space<hbm>>
      %dma_wait3A_92 = arith.constant 0 : i32
      %dma_wait3A_93 = arith.constant 0 : i32
      %dma_wait3A_94 = tpu.memref_slice %arg17[%dma_wait3A_92, %dma_wait3A_93] : memref<64x128xf32, #tpu.memory_space<vmem>> -> memref<64x128xf32, #tpu.memory_space<vmem>>
      tpu.wait_dma2 semaphore(%run_scoped3A : memref<!tpu.dma_semaphore, #tpu.memory_space<semaphore_mem>>) src(%dma_wait3A_94 : memref<64x128xf32, #tpu.memory_space<vmem>>) dst(%dma_wait3A_91 : memref<64x128xf32, #tpu.memory_space<hbm>>)
      tpu.yield
    }) : () -> ()
    %add3A_44 = arith.constant 256 : i32
    %add3A_45 = arith.addi %mul3A_0, %add3A_44 : i32
    "tpu.region"() ({
      %run_scoped3A = tpu.sem_alloc : memref<!tpu.dma_semaphore, #tpu.memory_space<semaphore_mem>>
      %dma_start3A = arith.constant 0 : i32
      %dma_start3A_73 = arith.constant 0 : i32
      %dma_start3A_74 = tpu.memref_slice %arg17[%dma_start3A, %dma_start3A_73] : memref<64x128xf32, #tpu.memory_space<vmem>> -> memref<64x128xf32, #tpu.memory_space<vmem>>
      %dma_start3A_75 = arith.constant 0 : i32
      %dma_start3A_76 = tpu.memref_slice %arg11[%add3A_45, %dma_start3A_75] : memref<10240x128xf32, #tpu.memory_space<vmem_shared>> -> memref<64x128xf32, #tpu.memory_space<vmem_shared>>
      %dma_start3A_77 = arith.constant 0 : i32
      %dma_start3A_78 = arith.constant 0 : i32
      %dma_start3A_79 = tpu.memref_slice %arg17[%dma_start3A_77, %dma_start3A_78] : memref<64x128xf32, #tpu.memory_space<vmem>> -> memref<64x128xf32, #tpu.memory_space<vmem>>
      %dma_start3A_80 = arith.constant 0 : i32
      %dma_start3A_81 = tpu.memref_slice %arg11[%add3A_45, %dma_start3A_80] : memref<10240x128xf32, #tpu.memory_space<vmem_shared>> -> memref<64x128xf32, #tpu.memory_space<vmem_shared>>
      tpu.enqueue_dma source(%dma_start3A_81 : memref<64x128xf32, #tpu.memory_space<vmem_shared>>) target(%dma_start3A_79 : memref<64x128xf32, #tpu.memory_space<vmem>>) target_semaphore(%run_scoped3A : memref<!tpu.dma_semaphore, #tpu.memory_space<semaphore_mem>>)
      %dma_wait3A = arith.constant 0 : i32
      %dma_wait3A_82 = arith.constant 0 : i32
      %dma_wait3A_83 = tpu.memref_slice %arg17[%dma_wait3A, %dma_wait3A_82] : memref<64x128xf32, #tpu.memory_space<vmem>> -> memref<64x128xf32, #tpu.memory_space<vmem>>
      %dma_wait3A_84 = arith.constant 0 : i32
      %dma_wait3A_85 = tpu.memref_slice %arg11[%add3A_45, %dma_wait3A_84] : memref<10240x128xf32, #tpu.memory_space<vmem_shared>> -> memref<64x128xf32, #tpu.memory_space<vmem_shared>>
      %dma_wait3A_86 = arith.constant 0 : i32
      %dma_wait3A_87 = arith.constant 0 : i32
      %dma_wait3A_88 = tpu.memref_slice %arg17[%dma_wait3A_86, %dma_wait3A_87] : memref<64x128xf32, #tpu.memory_space<vmem>> -> memref<64x128xf32, #tpu.memory_space<vmem>>
      %dma_wait3A_89 = arith.constant 0 : i32
      %dma_wait3A_90 = tpu.memref_slice %arg11[%add3A_45, %dma_wait3A_89] : memref<10240x128xf32, #tpu.memory_space<vmem_shared>> -> memref<64x128xf32, #tpu.memory_space<vmem_shared>>
      tpu.wait_dma2 semaphore(%run_scoped3A : memref<!tpu.dma_semaphore, #tpu.memory_space<semaphore_mem>>) src(%dma_wait3A_90 : memref<64x128xf32, #tpu.memory_space<vmem_shared>>) dst(%dma_wait3A_88 : memref<64x128xf32, #tpu.memory_space<vmem>>)
      tpu.yield
    }) : () -> ()
    %add3A_46 = arith.constant 256 : i32
    %add3A_47 = arith.addi %mul3A_0, %add3A_46 : i32
    "tpu.region"() ({
      %run_scoped3A = tpu.sem_alloc : memref<!tpu.dma_semaphore, #tpu.memory_space<semaphore_mem>>
      %dma_start3A = arith.constant 0 : i32
      %dma_start3A_73 = arith.constant 0 : i32
      %dma_start3A_74 = tpu.memref_slice %arg17[%dma_start3A, %dma_start3A_73] : memref<64x128xf32, #tpu.memory_space<vmem>> -> memref<64x128xf32, #tpu.memory_space<vmem>>
      %dma_start3A_75 = arith.constant 0 : i32
      %dma_start3A_76 = tpu.memref_slice %arg9[%arg0, %add3A_47, %dma_start3A_75] : memref<2x10240x128xf32, #tpu.memory_space<hbm>> -> memref<1x64x128xf32, #tpu.memory_space<hbm>>
      %dma_start3A_77 = tpu.memref_squeeze %dma_start3A_76 : memref<1x64x128xf32, #tpu.memory_space<hbm>> -> memref<64x128xf32, #tpu.memory_space<hbm>>
      %dma_start3A_78 = arith.constant 0 : i32
      %dma_start3A_79 = tpu.memref_slice %arg9[%arg0, %add3A_47, %dma_start3A_78] : memref<2x10240x128xf32, #tpu.memory_space<hbm>> -> memref<1x64x128xf32, #tpu.memory_space<hbm>>
      %dma_start3A_80 = tpu.memref_squeeze %dma_start3A_79 : memref<1x64x128xf32, #tpu.memory_space<hbm>> -> memref<64x128xf32, #tpu.memory_space<hbm>>
      %dma_start3A_81 = arith.constant 0 : i32
      %dma_start3A_82 = arith.constant 0 : i32
      %dma_start3A_83 = tpu.memref_slice %arg17[%dma_start3A_81, %dma_start3A_82] : memref<64x128xf32, #tpu.memory_space<vmem>> -> memref<64x128xf32, #tpu.memory_space<vmem>>
      tpu.enqueue_dma source(%dma_start3A_83 : memref<64x128xf32, #tpu.memory_space<vmem>>) target(%dma_start3A_80 : memref<64x128xf32, #tpu.memory_space<hbm>>) target_semaphore(%run_scoped3A : memref<!tpu.dma_semaphore, #tpu.memory_space<semaphore_mem>>)
      %dma_wait3A = arith.constant 0 : i32
      %dma_wait3A_84 = arith.constant 0 : i32
      %dma_wait3A_85 = tpu.memref_slice %arg17[%dma_wait3A, %dma_wait3A_84] : memref<64x128xf32, #tpu.memory_space<vmem>> -> memref<64x128xf32, #tpu.memory_space<vmem>>
      %dma_wait3A_86 = arith.constant 0 : i32
      %dma_wait3A_87 = tpu.memref_slice %arg9[%arg0, %add3A_47, %dma_wait3A_86] : memref<2x10240x128xf32, #tpu.memory_space<hbm>> -> memref<1x64x128xf32, #tpu.memory_space<hbm>>
      %dma_wait3A_88 = tpu.memref_squeeze %dma_wait3A_87 : memref<1x64x128xf32, #tpu.memory_space<hbm>> -> memref<64x128xf32, #tpu.memory_space<hbm>>
      %dma_wait3A_89 = arith.constant 0 : i32
      %dma_wait3A_90 = tpu.memref_slice %arg9[%arg0, %add3A_47, %dma_wait3A_89] : memref<2x10240x128xf32, #tpu.memory_space<hbm>> -> memref<1x64x128xf32, #tpu.memory_space<hbm>>
      %dma_wait3A_91 = tpu.memref_squeeze %dma_wait3A_90 : memref<1x64x128xf32, #tpu.memory_space<hbm>> -> memref<64x128xf32, #tpu.memory_space<hbm>>
      %dma_wait3A_92 = arith.constant 0 : i32
      %dma_wait3A_93 = arith.constant 0 : i32
      %dma_wait3A_94 = tpu.memref_slice %arg17[%dma_wait3A_92, %dma_wait3A_93] : memref<64x128xf32, #tpu.memory_space<vmem>> -> memref<64x128xf32, #tpu.memory_space<vmem>>
      tpu.wait_dma2 semaphore(%run_scoped3A : memref<!tpu.dma_semaphore, #tpu.memory_space<semaphore_mem>>) src(%dma_wait3A_94 : memref<64x128xf32, #tpu.memory_space<vmem>>) dst(%dma_wait3A_91 : memref<64x128xf32, #tpu.memory_space<hbm>>)
      tpu.yield
    }) : () -> ()
    %add3A_48 = arith.constant 320 : i32
    %add3A_49 = arith.addi %mul3A_0, %add3A_48 : i32
    "tpu.region"() ({
      %run_scoped3A = tpu.sem_alloc : memref<!tpu.dma_semaphore, #tpu.memory_space<semaphore_mem>>
      %dma_start3A = arith.constant 0 : i32
      %dma_start3A_73 = arith.constant 0 : i32
      %dma_start3A_74 = tpu.memref_slice %arg17[%dma_start3A, %dma_start3A_73] : memref<64x128xf32, #tpu.memory_space<vmem>> -> memref<64x128xf32, #tpu.memory_space<vmem>>
      %dma_start3A_75 = arith.constant 0 : i32
      %dma_start3A_76 = tpu.memref_slice %arg11[%add3A_49, %dma_start3A_75] : memref<10240x128xf32, #tpu.memory_space<vmem_shared>> -> memref<64x128xf32, #tpu.memory_space<vmem_shared>>
      %dma_start3A_77 = arith.constant 0 : i32
      %dma_start3A_78 = arith.constant 0 : i32
      %dma_start3A_79 = tpu.memref_slice %arg17[%dma_start3A_77, %dma_start3A_78] : memref<64x128xf32, #tpu.memory_space<vmem>> -> memref<64x128xf32, #tpu.memory_space<vmem>>
      %dma_start3A_80 = arith.constant 0 : i32
      %dma_start3A_81 = tpu.memref_slice %arg11[%add3A_49, %dma_start3A_80] : memref<10240x128xf32, #tpu.memory_space<vmem_shared>> -> memref<64x128xf32, #tpu.memory_space<vmem_shared>>
      tpu.enqueue_dma source(%dma_start3A_81 : memref<64x128xf32, #tpu.memory_space<vmem_shared>>) target(%dma_start3A_79 : memref<64x128xf32, #tpu.memory_space<vmem>>) target_semaphore(%run_scoped3A : memref<!tpu.dma_semaphore, #tpu.memory_space<semaphore_mem>>)
      %dma_wait3A = arith.constant 0 : i32
      %dma_wait3A_82 = arith.constant 0 : i32
      %dma_wait3A_83 = tpu.memref_slice %arg17[%dma_wait3A, %dma_wait3A_82] : memref<64x128xf32, #tpu.memory_space<vmem>> -> memref<64x128xf32, #tpu.memory_space<vmem>>
      %dma_wait3A_84 = arith.constant 0 : i32
      %dma_wait3A_85 = tpu.memref_slice %arg11[%add3A_49, %dma_wait3A_84] : memref<10240x128xf32, #tpu.memory_space<vmem_shared>> -> memref<64x128xf32, #tpu.memory_space<vmem_shared>>
      %dma_wait3A_86 = arith.constant 0 : i32
      %dma_wait3A_87 = arith.constant 0 : i32
      %dma_wait3A_88 = tpu.memref_slice %arg17[%dma_wait3A_86, %dma_wait3A_87] : memref<64x128xf32, #tpu.memory_space<vmem>> -> memref<64x128xf32, #tpu.memory_space<vmem>>
      %dma_wait3A_89 = arith.constant 0 : i32
      %dma_wait3A_90 = tpu.memref_slice %arg11[%add3A_49, %dma_wait3A_89] : memref<10240x128xf32, #tpu.memory_space<vmem_shared>> -> memref<64x128xf32, #tpu.memory_space<vmem_shared>>
      tpu.wait_dma2 semaphore(%run_scoped3A : memref<!tpu.dma_semaphore, #tpu.memory_space<semaphore_mem>>) src(%dma_wait3A_90 : memref<64x128xf32, #tpu.memory_space<vmem_shared>>) dst(%dma_wait3A_88 : memref<64x128xf32, #tpu.memory_space<vmem>>)
      tpu.yield
    }) : () -> ()
    %add3A_50 = arith.constant 320 : i32
    %add3A_51 = arith.addi %mul3A_0, %add3A_50 : i32
    "tpu.region"() ({
      %run_scoped3A = tpu.sem_alloc : memref<!tpu.dma_semaphore, #tpu.memory_space<semaphore_mem>>
      %dma_start3A = arith.constant 0 : i32
      %dma_start3A_73 = arith.constant 0 : i32
      %dma_start3A_74 = tpu.memref_slice %arg17[%dma_start3A, %dma_start3A_73] : memref<64x128xf32, #tpu.memory_space<vmem>> -> memref<64x128xf32, #tpu.memory_space<vmem>>
      %dma_start3A_75 = arith.constant 0 : i32
      %dma_start3A_76 = tpu.memref_slice %arg9[%arg0, %add3A_51, %dma_start3A_75] : memref<2x10240x128xf32, #tpu.memory_space<hbm>> -> memref<1x64x128xf32, #tpu.memory_space<hbm>>
      %dma_start3A_77 = tpu.memref_squeeze %dma_start3A_76 : memref<1x64x128xf32, #tpu.memory_space<hbm>> -> memref<64x128xf32, #tpu.memory_space<hbm>>
      %dma_start3A_78 = arith.constant 0 : i32
      %dma_start3A_79 = tpu.memref_slice %arg9[%arg0, %add3A_51, %dma_start3A_78] : memref<2x10240x128xf32, #tpu.memory_space<hbm>> -> memref<1x64x128xf32, #tpu.memory_space<hbm>>
      %dma_start3A_80 = tpu.memref_squeeze %dma_start3A_79 : memref<1x64x128xf32, #tpu.memory_space<hbm>> -> memref<64x128xf32, #tpu.memory_space<hbm>>
      %dma_start3A_81 = arith.constant 0 : i32
      %dma_start3A_82 = arith.constant 0 : i32
      %dma_start3A_83 = tpu.memref_slice %arg17[%dma_start3A_81, %dma_start3A_82] : memref<64x128xf32, #tpu.memory_space<vmem>> -> memref<64x128xf32, #tpu.memory_space<vmem>>
      tpu.enqueue_dma source(%dma_start3A_83 : memref<64x128xf32, #tpu.memory_space<vmem>>) target(%dma_start3A_80 : memref<64x128xf32, #tpu.memory_space<hbm>>) target_semaphore(%run_scoped3A : memref<!tpu.dma_semaphore, #tpu.memory_space<semaphore_mem>>)
      %dma_wait3A = arith.constant 0 : i32
      %dma_wait3A_84 = arith.constant 0 : i32
      %dma_wait3A_85 = tpu.memref_slice %arg17[%dma_wait3A, %dma_wait3A_84] : memref<64x128xf32, #tpu.memory_space<vmem>> -> memref<64x128xf32, #tpu.memory_space<vmem>>
      %dma_wait3A_86 = arith.constant 0 : i32
      %dma_wait3A_87 = tpu.memref_slice %arg9[%arg0, %add3A_51, %dma_wait3A_86] : memref<2x10240x128xf32, #tpu.memory_space<hbm>> -> memref<1x64x128xf32, #tpu.memory_space<hbm>>
      %dma_wait3A_88 = tpu.memref_squeeze %dma_wait3A_87 : memref<1x64x128xf32, #tpu.memory_space<hbm>> -> memref<64x128xf32, #tpu.memory_space<hbm>>
      %dma_wait3A_89 = arith.constant 0 : i32
      %dma_wait3A_90 = tpu.memref_slice %arg9[%arg0, %add3A_51, %dma_wait3A_89] : memref<2x10240x128xf32, #tpu.memory_space<hbm>> -> memref<1x64x128xf32, #tpu.memory_space<hbm>>
      %dma_wait3A_91 = tpu.memref_squeeze %dma_wait3A_90 : memref<1x64x128xf32, #tpu.memory_space<hbm>> -> memref<64x128xf32, #tpu.memory_space<hbm>>
      %dma_wait3A_92 = arith.constant 0 : i32
      %dma_wait3A_93 = arith.constant 0 : i32
      %dma_wait3A_94 = tpu.memref_slice %arg17[%dma_wait3A_92, %dma_wait3A_93] : memref<64x128xf32, #tpu.memory_space<vmem>> -> memref<64x128xf32, #tpu.memory_space<vmem>>
      tpu.wait_dma2 semaphore(%run_scoped3A : memref<!tpu.dma_semaphore, #tpu.memory_space<semaphore_mem>>) src(%dma_wait3A_94 : memref<64x128xf32, #tpu.memory_space<vmem>>) dst(%dma_wait3A_91 : memref<64x128xf32, #tpu.memory_space<hbm>>)
      tpu.yield
    }) : () -> ()
    %add3A_52 = arith.constant 384 : i32
    %add3A_53 = arith.addi %mul3A_0, %add3A_52 : i32
    "tpu.region"() ({
      %run_scoped3A = tpu.sem_alloc : memref<!tpu.dma_semaphore, #tpu.memory_space<semaphore_mem>>
      %dma_start3A = arith.constant 0 : i32
      %dma_start3A_73 = arith.constant 0 : i32
      %dma_start3A_74 = tpu.memref_slice %arg17[%dma_start3A, %dma_start3A_73] : memref<64x128xf32, #tpu.memory_space<vmem>> -> memref<64x128xf32, #tpu.memory_space<vmem>>
      %dma_start3A_75 = arith.constant 0 : i32
      %dma_start3A_76 = tpu.memref_slice %arg11[%add3A_53, %dma_start3A_75] : memref<10240x128xf32, #tpu.memory_space<vmem_shared>> -> memref<64x128xf32, #tpu.memory_space<vmem_shared>>
      %dma_start3A_77 = arith.constant 0 : i32
      %dma_start3A_78 = arith.constant 0 : i32
      %dma_start3A_79 = tpu.memref_slice %arg17[%dma_start3A_77, %dma_start3A_78] : memref<64x128xf32, #tpu.memory_space<vmem>> -> memref<64x128xf32, #tpu.memory_space<vmem>>
      %dma_start3A_80 = arith.constant 0 : i32
      %dma_start3A_81 = tpu.memref_slice %arg11[%add3A_53, %dma_start3A_80] : memref<10240x128xf32, #tpu.memory_space<vmem_shared>> -> memref<64x128xf32, #tpu.memory_space<vmem_shared>>
      tpu.enqueue_dma source(%dma_start3A_81 : memref<64x128xf32, #tpu.memory_space<vmem_shared>>) target(%dma_start3A_79 : memref<64x128xf32, #tpu.memory_space<vmem>>) target_semaphore(%run_scoped3A : memref<!tpu.dma_semaphore, #tpu.memory_space<semaphore_mem>>)
      %dma_wait3A = arith.constant 0 : i32
      %dma_wait3A_82 = arith.constant 0 : i32
      %dma_wait3A_83 = tpu.memref_slice %arg17[%dma_wait3A, %dma_wait3A_82] : memref<64x128xf32, #tpu.memory_space<vmem>> -> memref<64x128xf32, #tpu.memory_space<vmem>>
      %dma_wait3A_84 = arith.constant 0 : i32
      %dma_wait3A_85 = tpu.memref_slice %arg11[%add3A_53, %dma_wait3A_84] : memref<10240x128xf32, #tpu.memory_space<vmem_shared>> -> memref<64x128xf32, #tpu.memory_space<vmem_shared>>
      %dma_wait3A_86 = arith.constant 0 : i32
      %dma_wait3A_87 = arith.constant 0 : i32
      %dma_wait3A_88 = tpu.memref_slice %arg17[%dma_wait3A_86, %dma_wait3A_87] : memref<64x128xf32, #tpu.memory_space<vmem>> -> memref<64x128xf32, #tpu.memory_space<vmem>>
      %dma_wait3A_89 = arith.constant 0 : i32
      %dma_wait3A_90 = tpu.memref_slice %arg11[%add3A_53, %dma_wait3A_89] : memref<10240x128xf32, #tpu.memory_space<vmem_shared>> -> memref<64x128xf32, #tpu.memory_space<vmem_shared>>
      tpu.wait_dma2 semaphore(%run_scoped3A : memref<!tpu.dma_semaphore, #tpu.memory_space<semaphore_mem>>) src(%dma_wait3A_90 : memref<64x128xf32, #tpu.memory_space<vmem_shared>>) dst(%dma_wait3A_88 : memref<64x128xf32, #tpu.memory_space<vmem>>)
      tpu.yield
    }) : () -> ()
    %add3A_54 = arith.constant 384 : i32
    %add3A_55 = arith.addi %mul3A_0, %add3A_54 : i32
    "tpu.region"() ({
      %run_scoped3A = tpu.sem_alloc : memref<!tpu.dma_semaphore, #tpu.memory_space<semaphore_mem>>
      %dma_start3A = arith.constant 0 : i32
      %dma_start3A_73 = arith.constant 0 : i32
      %dma_start3A_74 = tpu.memref_slice %arg17[%dma_start3A, %dma_start3A_73] : memref<64x128xf32, #tpu.memory_space<vmem>> -> memref<64x128xf32, #tpu.memory_space<vmem>>
      %dma_start3A_75 = arith.constant 0 : i32
      %dma_start3A_76 = tpu.memref_slice %arg9[%arg0, %add3A_55, %dma_start3A_75] : memref<2x10240x128xf32, #tpu.memory_space<hbm>> -> memref<1x64x128xf32, #tpu.memory_space<hbm>>
      %dma_start3A_77 = tpu.memref_squeeze %dma_start3A_76 : memref<1x64x128xf32, #tpu.memory_space<hbm>> -> memref<64x128xf32, #tpu.memory_space<hbm>>
      %dma_start3A_78 = arith.constant 0 : i32
      %dma_start3A_79 = tpu.memref_slice %arg9[%arg0, %add3A_55, %dma_start3A_78] : memref<2x10240x128xf32, #tpu.memory_space<hbm>> -> memref<1x64x128xf32, #tpu.memory_space<hbm>>
      %dma_start3A_80 = tpu.memref_squeeze %dma_start3A_79 : memref<1x64x128xf32, #tpu.memory_space<hbm>> -> memref<64x128xf32, #tpu.memory_space<hbm>>
      %dma_start3A_81 = arith.constant 0 : i32
      %dma_start3A_82 = arith.constant 0 : i32
      %dma_start3A_83 = tpu.memref_slice %arg17[%dma_start3A_81, %dma_start3A_82] : memref<64x128xf32, #tpu.memory_space<vmem>> -> memref<64x128xf32, #tpu.memory_space<vmem>>
      tpu.enqueue_dma source(%dma_start3A_83 : memref<64x128xf32, #tpu.memory_space<vmem>>) target(%dma_start3A_80 : memref<64x128xf32, #tpu.memory_space<hbm>>) target_semaphore(%run_scoped3A : memref<!tpu.dma_semaphore, #tpu.memory_space<semaphore_mem>>)
      %dma_wait3A = arith.constant 0 : i32
      %dma_wait3A_84 = arith.constant 0 : i32
      %dma_wait3A_85 = tpu.memref_slice %arg17[%dma_wait3A, %dma_wait3A_84] : memref<64x128xf32, #tpu.memory_space<vmem>> -> memref<64x128xf32, #tpu.memory_space<vmem>>
      %dma_wait3A_86 = arith.constant 0 : i32
      %dma_wait3A_87 = tpu.memref_slice %arg9[%arg0, %add3A_55, %dma_wait3A_86] : memref<2x10240x128xf32, #tpu.memory_space<hbm>> -> memref<1x64x128xf32, #tpu.memory_space<hbm>>
      %dma_wait3A_88 = tpu.memref_squeeze %dma_wait3A_87 : memref<1x64x128xf32, #tpu.memory_space<hbm>> -> memref<64x128xf32, #tpu.memory_space<hbm>>
      %dma_wait3A_89 = arith.constant 0 : i32
      %dma_wait3A_90 = tpu.memref_slice %arg9[%arg0, %add3A_55, %dma_wait3A_89] : memref<2x10240x128xf32, #tpu.memory_space<hbm>> -> memref<1x64x128xf32, #tpu.memory_space<hbm>>
      %dma_wait3A_91 = tpu.memref_squeeze %dma_wait3A_90 : memref<1x64x128xf32, #tpu.memory_space<hbm>> -> memref<64x128xf32, #tpu.memory_space<hbm>>
      %dma_wait3A_92 = arith.constant 0 : i32
      %dma_wait3A_93 = arith.constant 0 : i32
      %dma_wait3A_94 = tpu.memref_slice %arg17[%dma_wait3A_92, %dma_wait3A_93] : memref<64x128xf32, #tpu.memory_space<vmem>> -> memref<64x128xf32, #tpu.memory_space<vmem>>
      tpu.wait_dma2 semaphore(%run_scoped3A : memref<!tpu.dma_semaphore, #tpu.memory_space<semaphore_mem>>) src(%dma_wait3A_94 : memref<64x128xf32, #tpu.memory_space<vmem>>) dst(%dma_wait3A_91 : memref<64x128xf32, #tpu.memory_space<hbm>>)
      tpu.yield
    }) : () -> ()
    %add3A_56 = arith.constant 448 : i32
    %add3A_57 = arith.addi %mul3A_0, %add3A_56 : i32
    "tpu.region"() ({
      %run_scoped3A = tpu.sem_alloc : memref<!tpu.dma_semaphore, #tpu.memory_space<semaphore_mem>>
      %dma_start3A = arith.constant 0 : i32
      %dma_start3A_73 = arith.constant 0 : i32
      %dma_start3A_74 = tpu.memref_slice %arg17[%dma_start3A, %dma_start3A_73] : memref<64x128xf32, #tpu.memory_space<vmem>> -> memref<64x128xf32, #tpu.memory_space<vmem>>
      %dma_start3A_75 = arith.constant 0 : i32
      %dma_start3A_76 = tpu.memref_slice %arg11[%add3A_57, %dma_start3A_75] : memref<10240x128xf32, #tpu.memory_space<vmem_shared>> -> memref<64x128xf32, #tpu.memory_space<vmem_shared>>
      %dma_start3A_77 = arith.constant 0 : i32
      %dma_start3A_78 = arith.constant 0 : i32
      %dma_start3A_79 = tpu.memref_slice %arg17[%dma_start3A_77, %dma_start3A_78] : memref<64x128xf32, #tpu.memory_space<vmem>> -> memref<64x128xf32, #tpu.memory_space<vmem>>
      %dma_start3A_80 = arith.constant 0 : i32
      %dma_start3A_81 = tpu.memref_slice %arg11[%add3A_57, %dma_start3A_80] : memref<10240x128xf32, #tpu.memory_space<vmem_shared>> -> memref<64x128xf32, #tpu.memory_space<vmem_shared>>
      tpu.enqueue_dma source(%dma_start3A_81 : memref<64x128xf32, #tpu.memory_space<vmem_shared>>) target(%dma_start3A_79 : memref<64x128xf32, #tpu.memory_space<vmem>>) target_semaphore(%run_scoped3A : memref<!tpu.dma_semaphore, #tpu.memory_space<semaphore_mem>>)
      %dma_wait3A = arith.constant 0 : i32
      %dma_wait3A_82 = arith.constant 0 : i32
      %dma_wait3A_83 = tpu.memref_slice %arg17[%dma_wait3A, %dma_wait3A_82] : memref<64x128xf32, #tpu.memory_space<vmem>> -> memref<64x128xf32, #tpu.memory_space<vmem>>
      %dma_wait3A_84 = arith.constant 0 : i32
      %dma_wait3A_85 = tpu.memref_slice %arg11[%add3A_57, %dma_wait3A_84] : memref<10240x128xf32, #tpu.memory_space<vmem_shared>> -> memref<64x128xf32, #tpu.memory_space<vmem_shared>>
      %dma_wait3A_86 = arith.constant 0 : i32
      %dma_wait3A_87 = arith.constant 0 : i32
      %dma_wait3A_88 = tpu.memref_slice %arg17[%dma_wait3A_86, %dma_wait3A_87] : memref<64x128xf32, #tpu.memory_space<vmem>> -> memref<64x128xf32, #tpu.memory_space<vmem>>
      %dma_wait3A_89 = arith.constant 0 : i32
      %dma_wait3A_90 = tpu.memref_slice %arg11[%add3A_57, %dma_wait3A_89] : memref<10240x128xf32, #tpu.memory_space<vmem_shared>> -> memref<64x128xf32, #tpu.memory_space<vmem_shared>>
      tpu.wait_dma2 semaphore(%run_scoped3A : memref<!tpu.dma_semaphore, #tpu.memory_space<semaphore_mem>>) src(%dma_wait3A_90 : memref<64x128xf32, #tpu.memory_space<vmem_shared>>) dst(%dma_wait3A_88 : memref<64x128xf32, #tpu.memory_space<vmem>>)
      tpu.yield
    }) : () -> ()
    %add3A_58 = arith.constant 448 : i32
    %add3A_59 = arith.addi %mul3A_0, %add3A_58 : i32
    "tpu.region"() ({
      %run_scoped3A = tpu.sem_alloc : memref<!tpu.dma_semaphore, #tpu.memory_space<semaphore_mem>>
      %dma_start3A = arith.constant 0 : i32
      %dma_start3A_73 = arith.constant 0 : i32
      %dma_start3A_74 = tpu.memref_slice %arg17[%dma_start3A, %dma_start3A_73] : memref<64x128xf32, #tpu.memory_space<vmem>> -> memref<64x128xf32, #tpu.memory_space<vmem>>
      %dma_start3A_75 = arith.constant 0 : i32
      %dma_start3A_76 = tpu.memref_slice %arg9[%arg0, %add3A_59, %dma_start3A_75] : memref<2x10240x128xf32, #tpu.memory_space<hbm>> -> memref<1x64x128xf32, #tpu.memory_space<hbm>>
      %dma_start3A_77 = tpu.memref_squeeze %dma_start3A_76 : memref<1x64x128xf32, #tpu.memory_space<hbm>> -> memref<64x128xf32, #tpu.memory_space<hbm>>
      %dma_start3A_78 = arith.constant 0 : i32
      %dma_start3A_79 = tpu.memref_slice %arg9[%arg0, %add3A_59, %dma_start3A_78] : memref<2x10240x128xf32, #tpu.memory_space<hbm>> -> memref<1x64x128xf32, #tpu.memory_space<hbm>>
      %dma_start3A_80 = tpu.memref_squeeze %dma_start3A_79 : memref<1x64x128xf32, #tpu.memory_space<hbm>> -> memref<64x128xf32, #tpu.memory_space<hbm>>
      %dma_start3A_81 = arith.constant 0 : i32
      %dma_start3A_82 = arith.constant 0 : i32
      %dma_start3A_83 = tpu.memref_slice %arg17[%dma_start3A_81, %dma_start3A_82] : memref<64x128xf32, #tpu.memory_space<vmem>> -> memref<64x128xf32, #tpu.memory_space<vmem>>
      tpu.enqueue_dma source(%dma_start3A_83 : memref<64x128xf32, #tpu.memory_space<vmem>>) target(%dma_start3A_80 : memref<64x128xf32, #tpu.memory_space<hbm>>) target_semaphore(%run_scoped3A : memref<!tpu.dma_semaphore, #tpu.memory_space<semaphore_mem>>)
      %dma_wait3A = arith.constant 0 : i32
      %dma_wait3A_84 = arith.constant 0 : i32
      %dma_wait3A_85 = tpu.memref_slice %arg17[%dma_wait3A, %dma_wait3A_84] : memref<64x128xf32, #tpu.memory_space<vmem>> -> memref<64x128xf32, #tpu.memory_space<vmem>>
      %dma_wait3A_86 = arith.constant 0 : i32
      %dma_wait3A_87 = tpu.memref_slice %arg9[%arg0, %add3A_59, %dma_wait3A_86] : memref<2x10240x128xf32, #tpu.memory_space<hbm>> -> memref<1x64x128xf32, #tpu.memory_space<hbm>>
      %dma_wait3A_88 = tpu.memref_squeeze %dma_wait3A_87 : memref<1x64x128xf32, #tpu.memory_space<hbm>> -> memref<64x128xf32, #tpu.memory_space<hbm>>
      %dma_wait3A_89 = arith.constant 0 : i32
      %dma_wait3A_90 = tpu.memref_slice %arg9[%arg0, %add3A_59, %dma_wait3A_89] : memref<2x10240x128xf32, #tpu.memory_space<hbm>> -> memref<1x64x128xf32, #tpu.memory_space<hbm>>
      %dma_wait3A_91 = tpu.memref_squeeze %dma_wait3A_90 : memref<1x64x128xf32, #tpu.memory_space<hbm>> -> memref<64x128xf32, #tpu.memory_space<hbm>>
      %dma_wait3A_92 = arith.constant 0 : i32
      %dma_wait3A_93 = arith.constant 0 : i32
      %dma_wait3A_94 = tpu.memref_slice %arg17[%dma_wait3A_92, %dma_wait3A_93] : memref<64x128xf32, #tpu.memory_space<vmem>> -> memref<64x128xf32, #tpu.memory_space<vmem>>
      tpu.wait_dma2 semaphore(%run_scoped3A : memref<!tpu.dma_semaphore, #tpu.memory_space<semaphore_mem>>) src(%dma_wait3A_94 : memref<64x128xf32, #tpu.memory_space<vmem>>) dst(%dma_wait3A_91 : memref<64x128xf32, #tpu.memory_space<hbm>>)
      tpu.yield
    }) : () -> ()
    %add3A_60 = arith.constant 512 : i32
    %add3A_61 = arith.addi %mul3A_0, %add3A_60 : i32
    "tpu.region"() ({
      %run_scoped3A = tpu.sem_alloc : memref<!tpu.dma_semaphore, #tpu.memory_space<semaphore_mem>>
      %dma_start3A = arith.constant 0 : i32
      %dma_start3A_73 = arith.constant 0 : i32
      %dma_start3A_74 = tpu.memref_slice %arg17[%dma_start3A, %dma_start3A_73] : memref<64x128xf32, #tpu.memory_space<vmem>> -> memref<64x128xf32, #tpu.memory_space<vmem>>
      %dma_start3A_75 = arith.constant 0 : i32
      %dma_start3A_76 = tpu.memref_slice %arg11[%add3A_61, %dma_start3A_75] : memref<10240x128xf32, #tpu.memory_space<vmem_shared>> -> memref<64x128xf32, #tpu.memory_space<vmem_shared>>
      %dma_start3A_77 = arith.constant 0 : i32
      %dma_start3A_78 = arith.constant 0 : i32
      %dma_start3A_79 = tpu.memref_slice %arg17[%dma_start3A_77, %dma_start3A_78] : memref<64x128xf32, #tpu.memory_space<vmem>> -> memref<64x128xf32, #tpu.memory_space<vmem>>
      %dma_start3A_80 = arith.constant 0 : i32
      %dma_start3A_81 = tpu.memref_slice %arg11[%add3A_61, %dma_start3A_80] : memref<10240x128xf32, #tpu.memory_space<vmem_shared>> -> memref<64x128xf32, #tpu.memory_space<vmem_shared>>
      tpu.enqueue_dma source(%dma_start3A_81 : memref<64x128xf32, #tpu.memory_space<vmem_shared>>) target(%dma_start3A_79 : memref<64x128xf32, #tpu.memory_space<vmem>>) target_semaphore(%run_scoped3A : memref<!tpu.dma_semaphore, #tpu.memory_space<semaphore_mem>>)
      %dma_wait3A = arith.constant 0 : i32
      %dma_wait3A_82 = arith.constant 0 : i32
      %dma_wait3A_83 = tpu.memref_slice %arg17[%dma_wait3A, %dma_wait3A_82] : memref<64x128xf32, #tpu.memory_space<vmem>> -> memref<64x128xf32, #tpu.memory_space<vmem>>
      %dma_wait3A_84 = arith.constant 0 : i32
      %dma_wait3A_85 = tpu.memref_slice %arg11[%add3A_61, %dma_wait3A_84] : memref<10240x128xf32, #tpu.memory_space<vmem_shared>> -> memref<64x128xf32, #tpu.memory_space<vmem_shared>>
      %dma_wait3A_86 = arith.constant 0 : i32
      %dma_wait3A_87 = arith.constant 0 : i32
      %dma_wait3A_88 = tpu.memref_slice %arg17[%dma_wait3A_86, %dma_wait3A_87] : memref<64x128xf32, #tpu.memory_space<vmem>> -> memref<64x128xf32, #tpu.memory_space<vmem>>
      %dma_wait3A_89 = arith.constant 0 : i32
      %dma_wait3A_90 = tpu.memref_slice %arg11[%add3A_61, %dma_wait3A_89] : memref<10240x128xf32, #tpu.memory_space<vmem_shared>> -> memref<64x128xf32, #tpu.memory_space<vmem_shared>>
      tpu.wait_dma2 semaphore(%run_scoped3A : memref<!tpu.dma_semaphore, #tpu.memory_space<semaphore_mem>>) src(%dma_wait3A_90 : memref<64x128xf32, #tpu.memory_space<vmem_shared>>) dst(%dma_wait3A_88 : memref<64x128xf32, #tpu.memory_space<vmem>>)
      tpu.yield
    }) : () -> ()
    %add3A_62 = arith.constant 512 : i32
    %add3A_63 = arith.addi %mul3A_0, %add3A_62 : i32
    "tpu.region"() ({
      %run_scoped3A = tpu.sem_alloc : memref<!tpu.dma_semaphore, #tpu.memory_space<semaphore_mem>>
      %dma_start3A = arith.constant 0 : i32
      %dma_start3A_73 = arith.constant 0 : i32
      %dma_start3A_74 = tpu.memref_slice %arg17[%dma_start3A, %dma_start3A_73] : memref<64x128xf32, #tpu.memory_space<vmem>> -> memref<64x128xf32, #tpu.memory_space<vmem>>
      %dma_start3A_75 = arith.constant 0 : i32
      %dma_start3A_76 = tpu.memref_slice %arg9[%arg0, %add3A_63, %dma_start3A_75] : memref<2x10240x128xf32, #tpu.memory_space<hbm>> -> memref<1x64x128xf32, #tpu.memory_space<hbm>>
      %dma_start3A_77 = tpu.memref_squeeze %dma_start3A_76 : memref<1x64x128xf32, #tpu.memory_space<hbm>> -> memref<64x128xf32, #tpu.memory_space<hbm>>
      %dma_start3A_78 = arith.constant 0 : i32
      %dma_start3A_79 = tpu.memref_slice %arg9[%arg0, %add3A_63, %dma_start3A_78] : memref<2x10240x128xf32, #tpu.memory_space<hbm>> -> memref<1x64x128xf32, #tpu.memory_space<hbm>>
      %dma_start3A_80 = tpu.memref_squeeze %dma_start3A_79 : memref<1x64x128xf32, #tpu.memory_space<hbm>> -> memref<64x128xf32, #tpu.memory_space<hbm>>
      %dma_start3A_81 = arith.constant 0 : i32
      %dma_start3A_82 = arith.constant 0 : i32
      %dma_start3A_83 = tpu.memref_slice %arg17[%dma_start3A_81, %dma_start3A_82] : memref<64x128xf32, #tpu.memory_space<vmem>> -> memref<64x128xf32, #tpu.memory_space<vmem>>
      tpu.enqueue_dma source(%dma_start3A_83 : memref<64x128xf32, #tpu.memory_space<vmem>>) target(%dma_start3A_80 : memref<64x128xf32, #tpu.memory_space<hbm>>) target_semaphore(%run_scoped3A : memref<!tpu.dma_semaphore, #tpu.memory_space<semaphore_mem>>)
      %dma_wait3A = arith.constant 0 : i32
      %dma_wait3A_84 = arith.constant 0 : i32
      %dma_wait3A_85 = tpu.memref_slice %arg17[%dma_wait3A, %dma_wait3A_84] : memref<64x128xf32, #tpu.memory_space<vmem>> -> memref<64x128xf32, #tpu.memory_space<vmem>>
      %dma_wait3A_86 = arith.constant 0 : i32
      %dma_wait3A_87 = tpu.memref_slice %arg9[%arg0, %add3A_63, %dma_wait3A_86] : memref<2x10240x128xf32, #tpu.memory_space<hbm>> -> memref<1x64x128xf32, #tpu.memory_space<hbm>>
      %dma_wait3A_88 = tpu.memref_squeeze %dma_wait3A_87 : memref<1x64x128xf32, #tpu.memory_space<hbm>> -> memref<64x128xf32, #tpu.memory_space<hbm>>
      %dma_wait3A_89 = arith.constant 0 : i32
      %dma_wait3A_90 = tpu.memref_slice %arg9[%arg0, %add3A_63, %dma_wait3A_89] : memref<2x10240x128xf32, #tpu.memory_space<hbm>> -> memref<1x64x128xf32, #tpu.memory_space<hbm>>
      %dma_wait3A_91 = tpu.memref_squeeze %dma_wait3A_90 : memref<1x64x128xf32, #tpu.memory_space<hbm>> -> memref<64x128xf32, #tpu.memory_space<hbm>>
      %dma_wait3A_92 = arith.constant 0 : i32
      %dma_wait3A_93 = arith.constant 0 : i32
      %dma_wait3A_94 = tpu.memref_slice %arg17[%dma_wait3A_92, %dma_wait3A_93] : memref<64x128xf32, #tpu.memory_space<vmem>> -> memref<64x128xf32, #tpu.memory_space<vmem>>
      tpu.wait_dma2 semaphore(%run_scoped3A : memref<!tpu.dma_semaphore, #tpu.memory_space<semaphore_mem>>) src(%dma_wait3A_94 : memref<64x128xf32, #tpu.memory_space<vmem>>) dst(%dma_wait3A_91 : memref<64x128xf32, #tpu.memory_space<hbm>>)
      tpu.yield
    }) : () -> ()
    %add3A_64 = arith.constant 576 : i32
    %add3A_65 = arith.addi %mul3A_0, %add3A_64 : i32
    "tpu.region"() ({
      %run_scoped3A = tpu.sem_alloc : memref<!tpu.dma_semaphore, #tpu.memory_space<semaphore_mem>>
      %dma_start3A = arith.constant 0 : i32
      %dma_start3A_73 = arith.constant 0 : i32
      %dma_start3A_74 = tpu.memref_slice %arg17[%dma_start3A, %dma_start3A_73] : memref<64x128xf32, #tpu.memory_space<vmem>> -> memref<64x128xf32, #tpu.memory_space<vmem>>
      %dma_start3A_75 = arith.constant 0 : i32
      %dma_start3A_76 = tpu.memref_slice %arg11[%add3A_65, %dma_start3A_75] : memref<10240x128xf32, #tpu.memory_space<vmem_shared>> -> memref<64x128xf32, #tpu.memory_space<vmem_shared>>
      %dma_start3A_77 = arith.constant 0 : i32
      %dma_start3A_78 = arith.constant 0 : i32
      %dma_start3A_79 = tpu.memref_slice %arg17[%dma_start3A_77, %dma_start3A_78] : memref<64x128xf32, #tpu.memory_space<vmem>> -> memref<64x128xf32, #tpu.memory_space<vmem>>
      %dma_start3A_80 = arith.constant 0 : i32
      %dma_start3A_81 = tpu.memref_slice %arg11[%add3A_65, %dma_start3A_80] : memref<10240x128xf32, #tpu.memory_space<vmem_shared>> -> memref<64x128xf32, #tpu.memory_space<vmem_shared>>
      tpu.enqueue_dma source(%dma_start3A_81 : memref<64x128xf32, #tpu.memory_space<vmem_shared>>) target(%dma_start3A_79 : memref<64x128xf32, #tpu.memory_space<vmem>>) target_semaphore(%run_scoped3A : memref<!tpu.dma_semaphore, #tpu.memory_space<semaphore_mem>>)
      %dma_wait3A = arith.constant 0 : i32
      %dma_wait3A_82 = arith.constant 0 : i32
      %dma_wait3A_83 = tpu.memref_slice %arg17[%dma_wait3A, %dma_wait3A_82] : memref<64x128xf32, #tpu.memory_space<vmem>> -> memref<64x128xf32, #tpu.memory_space<vmem>>
      %dma_wait3A_84 = arith.constant 0 : i32
      %dma_wait3A_85 = tpu.memref_slice %arg11[%add3A_65, %dma_wait3A_84] : memref<10240x128xf32, #tpu.memory_space<vmem_shared>> -> memref<64x128xf32, #tpu.memory_space<vmem_shared>>
      %dma_wait3A_86 = arith.constant 0 : i32
      %dma_wait3A_87 = arith.constant 0 : i32
      %dma_wait3A_88 = tpu.memref_slice %arg17[%dma_wait3A_86, %dma_wait3A_87] : memref<64x128xf32, #tpu.memory_space<vmem>> -> memref<64x128xf32, #tpu.memory_space<vmem>>
      %dma_wait3A_89 = arith.constant 0 : i32
      %dma_wait3A_90 = tpu.memref_slice %arg11[%add3A_65, %dma_wait3A_89] : memref<10240x128xf32, #tpu.memory_space<vmem_shared>> -> memref<64x128xf32, #tpu.memory_space<vmem_shared>>
      tpu.wait_dma2 semaphore(%run_scoped3A : memref<!tpu.dma_semaphore, #tpu.memory_space<semaphore_mem>>) src(%dma_wait3A_90 : memref<64x128xf32, #tpu.memory_space<vmem_shared>>) dst(%dma_wait3A_88 : memref<64x128xf32, #tpu.memory_space<vmem>>)
      tpu.yield
    }) : () -> ()
    %add3A_66 = arith.constant 576 : i32
    %add3A_67 = arith.addi %mul3A_0, %add3A_66 : i32
    "tpu.region"() ({
      %run_scoped3A = tpu.sem_alloc : memref<!tpu.dma_semaphore, #tpu.memory_space<semaphore_mem>>
      %dma_start3A = arith.constant 0 : i32
      %dma_start3A_73 = arith.constant 0 : i32
      %dma_start3A_74 = tpu.memref_slice %arg17[%dma_start3A, %dma_start3A_73] : memref<64x128xf32, #tpu.memory_space<vmem>> -> memref<64x128xf32, #tpu.memory_space<vmem>>
      %dma_start3A_75 = arith.constant 0 : i32
      %dma_start3A_76 = tpu.memref_slice %arg9[%arg0, %add3A_67, %dma_start3A_75] : memref<2x10240x128xf32, #tpu.memory_space<hbm>> -> memref<1x64x128xf32, #tpu.memory_space<hbm>>
      %dma_start3A_77 = tpu.memref_squeeze %dma_start3A_76 : memref<1x64x128xf32, #tpu.memory_space<hbm>> -> memref<64x128xf32, #tpu.memory_space<hbm>>
      %dma_start3A_78 = arith.constant 0 : i32
      %dma_start3A_79 = tpu.memref_slice %arg9[%arg0, %add3A_67, %dma_start3A_78] : memref<2x10240x128xf32, #tpu.memory_space<hbm>> -> memref<1x64x128xf32, #tpu.memory_space<hbm>>
      %dma_start3A_80 = tpu.memref_squeeze %dma_start3A_79 : memref<1x64x128xf32, #tpu.memory_space<hbm>> -> memref<64x128xf32, #tpu.memory_space<hbm>>
      %dma_start3A_81 = arith.constant 0 : i32
      %dma_start3A_82 = arith.constant 0 : i32
      %dma_start3A_83 = tpu.memref_slice %arg17[%dma_start3A_81, %dma_start3A_82] : memref<64x128xf32, #tpu.memory_space<vmem>> -> memref<64x128xf32, #tpu.memory_space<vmem>>
      tpu.enqueue_dma source(%dma_start3A_83 : memref<64x128xf32, #tpu.memory_space<vmem>>) target(%dma_start3A_80 : memref<64x128xf32, #tpu.memory_space<hbm>>) target_semaphore(%run_scoped3A : memref<!tpu.dma_semaphore, #tpu.memory_space<semaphore_mem>>)
      %dma_wait3A = arith.constant 0 : i32
      %dma_wait3A_84 = arith.constant 0 : i32
      %dma_wait3A_85 = tpu.memref_slice %arg17[%dma_wait3A, %dma_wait3A_84] : memref<64x128xf32, #tpu.memory_space<vmem>> -> memref<64x128xf32, #tpu.memory_space<vmem>>
      %dma_wait3A_86 = arith.constant 0 : i32
      %dma_wait3A_87 = tpu.memref_slice %arg9[%arg0, %add3A_67, %dma_wait3A_86] : memref<2x10240x128xf32, #tpu.memory_space<hbm>> -> memref<1x64x128xf32, #tpu.memory_space<hbm>>
      %dma_wait3A_88 = tpu.memref_squeeze %dma_wait3A_87 : memref<1x64x128xf32, #tpu.memory_space<hbm>> -> memref<64x128xf32, #tpu.memory_space<hbm>>
      %dma_wait3A_89 = arith.constant 0 : i32
      %dma_wait3A_90 = tpu.memref_slice %arg9[%arg0, %add3A_67, %dma_wait3A_89] : memref<2x10240x128xf32, #tpu.memory_space<hbm>> -> memref<1x64x128xf32, #tpu.memory_space<hbm>>
      %dma_wait3A_91 = tpu.memref_squeeze %dma_wait3A_90 : memref<1x64x128xf32, #tpu.memory_space<hbm>> -> memref<64x128xf32, #tpu.memory_space<hbm>>
      %dma_wait3A_92 = arith.constant 0 : i32
      %dma_wait3A_93 = arith.constant 0 : i32
      %dma_wait3A_94 = tpu.memref_slice %arg17[%dma_wait3A_92, %dma_wait3A_93] : memref<64x128xf32, #tpu.memory_space<vmem>> -> memref<64x128xf32, #tpu.memory_space<vmem>>
      tpu.wait_dma2 semaphore(%run_scoped3A : memref<!tpu.dma_semaphore, #tpu.memory_space<semaphore_mem>>) src(%dma_wait3A_94 : memref<64x128xf32, #tpu.memory_space<vmem>>) dst(%dma_wait3A_91 : memref<64x128xf32, #tpu.memory_space<hbm>>)
      tpu.yield
    }) : () -> ()
    %lt3A_68 = arith.constant 10 : i32
    %lt3A_69 = arith.cmpi slt, %arg1, %lt3A_68 : i32
    %convert_element_type3A_70 = arith.extui %lt3A_69 : i1 to i32
    %cond3A_71 = arith.constant 0 : i32
    %cond3A_72 = arith.cmpi ne, %convert_element_type3A_70, %cond3A_71 : i32
    scf.if %cond3A_72 {
      %mul3A_73 = arith.constant 8 : i32
      %mul3A_74 = arith.muli %arg1, %mul3A_73 : i32
      "tpu.region"() ({
        %run_scoped3A = tpu.sem_alloc : memref<!tpu.dma_semaphore, #tpu.memory_space<semaphore_mem>>
        %dma_start3A = arith.constant 0 : i32
        %dma_start3A_77 = arith.constant 0 : i32
        %dma_start3A_78 = tpu.memref_slice %arg19[%dma_start3A, %dma_start3A_77] : memref<64x128xf32, #tpu.memory_space<vmem>> -> memref<8x128xf32, #tpu.memory_space<vmem>>
        %dma_start3A_79 = arith.constant 0 : i32
        %dma_start3A_80 = tpu.memref_slice %arg12[%mul3A_74, %dma_start3A_79] : memref<80x128xf32, #tpu.memory_space<vmem_shared>> -> memref<8x128xf32, #tpu.memory_space<vmem_shared>>
        %dma_start3A_81 = arith.constant 0 : i32
        %dma_start3A_82 = arith.constant 0 : i32
        %dma_start3A_83 = tpu.memref_slice %arg19[%dma_start3A_81, %dma_start3A_82] : memref<64x128xf32, #tpu.memory_space<vmem>> -> memref<8x128xf32, #tpu.memory_space<vmem>>
        %dma_start3A_84 = arith.constant 0 : i32
        %dma_start3A_85 = tpu.memref_slice %arg12[%mul3A_74, %dma_start3A_84] : memref<80x128xf32, #tpu.memory_space<vmem_shared>> -> memref<8x128xf32, #tpu.memory_space<vmem_shared>>
        tpu.enqueue_dma source(%dma_start3A_85 : memref<8x128xf32, #tpu.memory_space<vmem_shared>>) target(%dma_start3A_83 : memref<8x128xf32, #tpu.memory_space<vmem>>) target_semaphore(%run_scoped3A : memref<!tpu.dma_semaphore, #tpu.memory_space<semaphore_mem>>)
        %dma_wait3A = arith.constant 0 : i32
        %dma_wait3A_86 = arith.constant 0 : i32
        %dma_wait3A_87 = tpu.memref_slice %arg19[%dma_wait3A, %dma_wait3A_86] : memref<64x128xf32, #tpu.memory_space<vmem>> -> memref<8x128xf32, #tpu.memory_space<vmem>>
        %dma_wait3A_88 = arith.constant 0 : i32
        %dma_wait3A_89 = tpu.memref_slice %arg12[%mul3A_74, %dma_wait3A_88] : memref<80x128xf32, #tpu.memory_space<vmem_shared>> -> memref<8x128xf32, #tpu.memory_space<vmem_shared>>
        %dma_wait3A_90 = arith.constant 0 : i32
        %dma_wait3A_91 = arith.constant 0 : i32
        %dma_wait3A_92 = tpu.memref_slice %arg19[%dma_wait3A_90, %dma_wait3A_91] : memref<64x128xf32, #tpu.memory_space<vmem>> -> memref<8x128xf32, #tpu.memory_space<vmem>>
        %dma_wait3A_93 = arith.constant 0 : i32
        %dma_wait3A_94 = tpu.memref_slice %arg12[%mul3A_74, %dma_wait3A_93] : memref<80x128xf32, #tpu.memory_space<vmem_shared>> -> memref<8x128xf32, #tpu.memory_space<vmem_shared>>
        tpu.wait_dma2 semaphore(%run_scoped3A : memref<!tpu.dma_semaphore, #tpu.memory_space<semaphore_mem>>) src(%dma_wait3A_94 : memref<8x128xf32, #tpu.memory_space<vmem_shared>>) dst(%dma_wait3A_92 : memref<8x128xf32, #tpu.memory_space<vmem>>)
        tpu.yield
      }) : () -> ()
      %mul3A_75 = arith.constant 8 : i32
      %mul3A_76 = arith.muli %arg1, %mul3A_75 : i32
      "tpu.region"() ({
        %run_scoped3A = tpu.sem_alloc : memref<!tpu.dma_semaphore, #tpu.memory_space<semaphore_mem>>
        %dma_start3A = arith.constant 0 : i32
        %dma_start3A_77 = arith.constant 0 : i32
        %dma_start3A_78 = tpu.memref_slice %arg19[%dma_start3A, %dma_start3A_77] : memref<64x128xf32, #tpu.memory_space<vmem>> -> memref<8x128xf32, #tpu.memory_space<vmem>>
        %dma_start3A_79 = arith.constant 0 : i32
        %dma_start3A_80 = tpu.memref_slice %arg10[%arg0, %mul3A_76, %dma_start3A_79] : memref<2x80x128xf32, #tpu.memory_space<hbm>> -> memref<1x8x128xf32, #tpu.memory_space<hbm>>
        %dma_start3A_81 = tpu.memref_squeeze %dma_start3A_80 : memref<1x8x128xf32, #tpu.memory_space<hbm>> -> memref<8x128xf32, #tpu.memory_space<hbm>>
        %dma_start3A_82 = arith.constant 0 : i32
        %dma_start3A_83 = tpu.memref_slice %arg10[%arg0, %mul3A_76, %dma_start3A_82] : memref<2x80x128xf32, #tpu.memory_space<hbm>> -> memref<1x8x128xf32, #tpu.memory_space<hbm>>
        %dma_start3A_84 = tpu.memref_squeeze %dma_start3A_83 : memref<1x8x128xf32, #tpu.memory_space<hbm>> -> memref<8x128xf32, #tpu.memory_space<hbm>>
        %dma_start3A_85 = arith.constant 0 : i32
        %dma_start3A_86 = arith.constant 0 : i32
        %dma_start3A_87 = tpu.memref_slice %arg19[%dma_start3A_85, %dma_start3A_86] : memref<64x128xf32, #tpu.memory_space<vmem>> -> memref<8x128xf32, #tpu.memory_space<vmem>>
        tpu.enqueue_dma source(%dma_start3A_87 : memref<8x128xf32, #tpu.memory_space<vmem>>) target(%dma_start3A_84 : memref<8x128xf32, #tpu.memory_space<hbm>>) target_semaphore(%run_scoped3A : memref<!tpu.dma_semaphore, #tpu.memory_space<semaphore_mem>>)
        %dma_wait3A = arith.constant 0 : i32
        %dma_wait3A_88 = arith.constant 0 : i32
        %dma_wait3A_89 = tpu.memref_slice %arg19[%dma_wait3A, %dma_wait3A_88] : memref<64x128xf32, #tpu.memory_space<vmem>> -> memref<8x128xf32, #tpu.memory_space<vmem>>
        %dma_wait3A_90 = arith.constant 0 : i32
        %dma_wait3A_91 = tpu.memref_slice %arg10[%arg0, %mul3A_76, %dma_wait3A_90] : memref<2x80x128xf32, #tpu.memory_space<hbm>> -> memref<1x8x128xf32, #tpu.memory_space<hbm>>
        %dma_wait3A_92 = tpu.memref_squeeze %dma_wait3A_91 : memref<1x8x128xf32, #tpu.memory_space<hbm>> -> memref<8x128xf32, #tpu.memory_space<hbm>>
        %dma_wait3A_93 = arith.constant 0 : i32
        %dma_wait3A_94 = tpu.memref_slice %arg10[%arg0, %mul3A_76, %dma_wait3A_93] : memref<2x80x128xf32, #tpu.memory_space<hbm>> -> memref<1x8x128xf32, #tpu.memory_space<hbm>>
        %dma_wait3A_95 = tpu.memref_squeeze %dma_wait3A_94 : memref<1x8x128xf32, #tpu.memory_space<hbm>> -> memref<8x128xf32, #tpu.memory_space<hbm>>
        %dma_wait3A_96 = arith.constant 0 : i32
        %dma_wait3A_97 = arith.constant 0 : i32
        %dma_wait3A_98 = tpu.memref_slice %arg19[%dma_wait3A_96, %dma_wait3A_97] : memref<64x128xf32, #tpu.memory_space<vmem>> -> memref<8x128xf32, #tpu.memory_space<vmem>>
        tpu.wait_dma2 semaphore(%run_scoped3A : memref<!tpu.dma_semaphore, #tpu.memory_space<semaphore_mem>>) src(%dma_wait3A_98 : memref<8x128xf32, #tpu.memory_space<vmem>>) dst(%dma_wait3A_95 : memref<8x128xf32, #tpu.memory_space<hbm>>)
        tpu.yield
      }) : () -> ()
    } else {
    }
    return
  }
}

module attributes {stable_mosaic.version = 14 : i64} {
  func.func @body(%arg0: i32, %arg1: i32, %arg2: memref<2000x128xf32, #tpu.memory_space<vmem>>, %arg3: memref<128x128xf32, #tpu.memory_space<vmem>>, %arg4: memref<1x1x128xf32, #tpu.memory_space<vmem>>, %arg5: memref<1x2000x128xf32, #tpu.memory_space<vmem>>) attributes {dimension_semantics = [#tpu.dimension_semantics<arbitrary>, #tpu.dimension_semantics<arbitrary>], iteration_bounds = array<i64: 2, 5>, scalar_prefetch = 0 : i64, scratch_operands = 0 : i64, tpu.core_type = #tpu.core_type<tc>, window_params = [{transform_indices = @transform_0, window_bounds = array<i64: 2000, 128>}, {transform_indices = @transform_1, window_bounds = array<i64: 128, 128>}, {transform_indices = @transform_2, window_bounds = array<i64: 1, 1, 128>}, {transform_indices = @transform_3, window_bounds = array<i64: 1, 2000, 128>}]} {
    %get3A = arith.constant 0 : index
    %get3A_0 = arith.constant 0 : index
    %get3A_1 = vector.load %arg2[%get3A, %get3A_0] : memref<2000x128xf32, #tpu.memory_space<vmem>>, vector<2000x128xf32>
    %get3A_2 = arith.constant 0 : index
    %get3A_3 = arith.constant 0 : index
    %get3A_4 = vector.load %arg3[%get3A_2, %get3A_3] : memref<128x128xf32, #tpu.memory_space<vmem>>, vector<128x128xf32>
    %dot_general3A = arith.constant dense<0.000000e+00> : vector<2000x128xf32>
    %dot_general3A_5 = tpu.matmul %get3A_1, %get3A_4, %dot_general3A {dimension_numbers = #tpu.dot_dimension_numbers<[1], [1], [0], [0], [0, 0, 1, 0], [], []>, transpose_lhs_hint = false} : vector<2000x128xf32>, vector<128x128xf32>, vector<2000x128xf32> -> vector<2000x128xf32>
    %get3A_6 = arith.constant 0 : index
    %get3A_7 = arith.constant 0 : index
    %get3A_8 = arith.constant 0 : index
    %get3A_9 = vector.load %arg4[%get3A_6, %get3A_7, %get3A_8] : memref<1x1x128xf32, #tpu.memory_space<vmem>>, vector<1x1x128xf32>
    %get3A_10 = vector.shape_cast %get3A_9 : vector<1x1x128xf32> to vector<1x128xf32>
    %add3A = vector.broadcast %get3A_10 : vector<1x128xf32> to vector<2000x128xf32>
    %add3A_11 = arith.addf %dot_general3A_5, %add3A : vector<2000x128xf32>
    %broadcast_in_dim3A = vector.shape_cast %add3A_11 : vector<2000x128xf32> to vector<1x2000x128xf32>
    %swap3A = arith.constant 0 : index
    %swap3A_12 = arith.constant 0 : index
    %swap3A_13 = arith.constant 0 : index
    %swap3A_14 = vector.load %arg5[%swap3A, %swap3A_12, %swap3A_13] : memref<1x2000x128xf32, #tpu.memory_space<vmem>>, vector<1x2000x128xf32>
    tpu.vector_store %arg5[%swap3A, %swap3A_12, %swap3A_13], %broadcast_in_dim3A {strides = array<i32>} : memref<1x2000x128xf32, #tpu.memory_space<vmem>>, vector<1x2000x128xf32>,
    return
  }
  func.func @transform_0(%arg0: i32, %arg1: i32) -> (i32, i32) {
    %c0_i32 = arith.constant 0 : i32
    %c0_i32_0 = arith.constant 0 : i32
    return %arg1, %c0_i32 : i32, i32
  }
  func.func @transform_1(%arg0: i32, %arg1: i32) -> (i32, i32) {
    %c0_i32 = arith.constant 0 : i32
    %c0_i32_0 = arith.constant 0 : i32
    return %arg0, %c0_i32 : i32, i32
  }
  func.func @transform_2(%arg0: i32, %arg1: i32) -> (i32, i32, i32) {
    %c0_i32 = arith.constant 0 : i32
    %c0_i32_0 = arith.constant 0 : i32
    %c0_i32_1 = arith.constant 0 : i32
    return %arg0, %c0_i32, %c0_i32_0 : i32, i32, i32
  }
  func.func @transform_3(%arg0: i32, %arg1: i32) -> (i32, i32, i32) {
    %c0_i32 = arith.constant 0 : i32
    %c0_i32_0 = arith.constant 0 : i32
    return %arg0, %arg1, %c0_i32 : i32, i32, i32
  }
}

module attributes {stable_mosaic.version = 14 : i64} {
  func.func @body(%arg0: i32, %arg1: memref<2x1024x128xf32, #tpu.memory_space<vmem>>, %arg2: memref<2x1024x1xf32, #tpu.memory_space<vmem>>, %arg3: memref<1024x128xf32, #tpu.memory_space<vmem>>) attributes {dimension_semantics = [#tpu.dimension_semantics<arbitrary>], iteration_bounds = array<i64: 10>, scalar_prefetch = 0 : i64, scratch_operands = 0 : i64, tpu.core_type = #tpu.core_type<tc>, window_params = [{transform_indices = @transform_0, window_bounds = array<i64: 2, 1024, 128>}, {transform_indices = @transform_1, window_bounds = array<i64: 2, 1024, 1>}, {transform_indices = @transform_2, window_bounds = array<i64: 1024, 128>}]} {
    %get3A = arith.constant 0 : index
    %get3A_0 = arith.constant 0 : index
    %get3A_1 = arith.constant 0 : index
    %get3A_2 = vector.load %arg1[%get3A, %get3A_0, %get3A_1] : memref<2x1024x128xf32, #tpu.memory_space<vmem>>, vector<1x1024x128xf32>
    %get3A_3 = vector.shape_cast %get3A_2 : vector<1x1024x128xf32> to vector<1024x128xf32>
    %get3A_4 = arith.constant 1 : index
    %get3A_5 = arith.constant 0 : index
    %get3A_6 = arith.constant 0 : index
    %get3A_7 = vector.load %arg1[%get3A_4, %get3A_5, %get3A_6] : memref<2x1024x128xf32, #tpu.memory_space<vmem>>, vector<1x1024x128xf32>
    %get3A_8 = vector.shape_cast %get3A_7 : vector<1x1024x128xf32> to vector<1024x128xf32>
    %add3A = arith.addf %get3A_3, %get3A_8 : vector<1024x128xf32>
    %get3A_9 = arith.constant 0 : index
    %get3A_10 = arith.constant 0 : index
    %get3A_11 = arith.constant 0 : index
    %get3A_12 = vector.load %arg2[%get3A_9, %get3A_10, %get3A_11] : memref<2x1024x1xf32, #tpu.memory_space<vmem>>, vector<1x1024x1xf32>
    %get3A_13 = vector.shape_cast %get3A_12 : vector<1x1024x1xf32> to vector<1024x1xf32>
    %get3A_14 = arith.constant 1 : index
    %get3A_15 = arith.constant 0 : index
    %get3A_16 = arith.constant 0 : index
    %get3A_17 = vector.load %arg2[%get3A_14, %get3A_15, %get3A_16] : memref<2x1024x1xf32, #tpu.memory_space<vmem>>, vector<1x1024x1xf32>
    %get3A_18 = vector.shape_cast %get3A_17 : vector<1x1024x1xf32> to vector<1024x1xf32>
    %add3A_19 = arith.addf %get3A_13, %get3A_18 : vector<1024x1xf32>
    %eq3A = arith.constant 0.000000e+00 : f32
    %eq3A_20 = vector.broadcast %eq3A : f32 to vector<1024x1xf32>
    %eq3A_21 = arith.cmpf oeq, %add3A_19, %eq3A_20 : vector<1024x1xf32>
    %jit3A = arith.constant 1.000000e+00 : f32
    %broadcast_in_dim3A = vector.broadcast %jit3A : f32 to vector<1024x1xf32>
    %select_n3A = arith.select %eq3A_21, %broadcast_in_dim3A, %add3A_19 : vector<1024x1xi1>, vector<1024x1xf32>
    %div3A = vector.broadcast %select_n3A : vector<1024x1xf32> to vector<1024x128xf32>
    %div3A_22 = arith.divf %add3A, %div3A : vector<1024x128xf32>
    %add3A_23 = arith.constant 9.99999993E-9 : f32
    %add3A_24 = vector.broadcast %add3A_23 : f32 to vector<1024x128xf32>
    %add3A_25 = arith.addf %div3A_22, %add3A_24 : vector<1024x128xf32>
    %swap3A = arith.constant 0 : index
    %swap3A_26 = arith.constant 0 : index
    %swap3A_27 = vector.load %arg3[%swap3A, %swap3A_26] : memref<1024x128xf32, #tpu.memory_space<vmem>>, vector<1024x128xf32>
    tpu.vector_store %arg3[%swap3A, %swap3A_26], %add3A_25 {strides = array<i32>} : memref<1024x128xf32, #tpu.memory_space<vmem>>, vector<1024x128xf32>,
    return
  }
  func.func @transform_0(%arg0: i32) -> (i32, i32, i32) {
    %c0_i32 = arith.constant 0 : i32
    %c0_i32_0 = arith.constant 0 : i32
    %c0_i32_1 = arith.constant 0 : i32
    return %c0_i32, %arg0, %c0_i32_0 : i32, i32, i32
  }
  func.func @transform_1(%arg0: i32) -> (i32, i32, i32) {
    %c0_i32 = arith.constant 0 : i32
    %c0_i32_0 = arith.constant 0 : i32
    %c0_i32_1 = arith.constant 0 : i32
    return %c0_i32, %arg0, %c0_i32_0 : i32, i32, i32
  }
  func.func @transform_2(%arg0: i32) -> (i32, i32) {
    %c0_i32 = arith.constant 0 : i32
    %c0_i32_0 = arith.constant 0 : i32
    return %arg0, %c0_i32 : i32, i32
  }
}

</mosaic_0001>

<sc_bundles>
// kernel: kernel.5.cloned.1.call-start
scs
__scs_entry_jumppad:
0x0: {  	(pc) =	sbr.rel $0x88, $3  }
0x1: {  	(tag) =	ssettag $0x0;
	lr =	simm.s32 $0x1  }
0x2: {  	[smem:$0x3F9D] =	sst lr;
	_ =	strace $0xD0000000  }
0x3: {  	_ = 	snop  }
0x4: {  	_ = 	snop  }
0x5: {  	_ = 	snop  }
0x6: {  	_ = 	snop  }
0x7: {  	_ = 	snop  }
__scs_overlays_trampoline_lowered:
0x8: {  	[smem:$0x3FAC] =	sst s0  }
0x9: {  	[smem:$0x3FAD] =	sst s1  }
0xa: {  	[smem:$0x3FAE] =	sst s2  }
0xb: {  	[smem:$0x3FAF] =	sst s3  }
0xc: {  	[smem:$0x3FB0] =	sst s4  }
0xd: {  	[smem:$0x3FB1] =	sst s5  }
0xe: {  	[smem:$0x3FB2] =	sst s6  }
0xf: {  	[smem:$0x3FB3] =	sst s7  }
0x10: {  	[smem:$0x3FB4] =	sst s8  }
0x11: {  	[smem:$0x3FB5] =	sst s9;
	s0 =	simm.s32 @!p0 $0x0  }
0x12: {  	s1 =	sld [smem:$0x3F9B];
	s0 =	simm.s32 @p0 $0x1  }
0x13: {  	[smem:$0x3FB6] =	sst s0;
	s0 =	simm.s32 @!p1 $0x0  }
0x14: {  	s2 =	sld [smem:$0x3F9A];
	s0 =	simm.s32 @p1 $0x1  }
0x15: {  	[smem:$0x3FB7] =	sst s0;
	s0 =	simm.s32 @!p2 $0x0  }
0x16: {  	s3 =	sld [smem:$0x3FDB];
	s0 =	simm.s32 @p2 $0x1  }
0x17: {  	s4 =	simm.s32 $0x1BF5;
	[smem:$0x3FB9] =	sst s0  }
0x18: {  	s0 =	sld [smem:$0x3F9C];
	_ =	swait.ge [sflag:s4], $0x0  }
0x19: {  	s7 =	sld [smem:$0x3F9D]  }
0x1a: {  	s8 =	sadd.s32 $0xFFFFE003, lr  }
0x1b: {  	s9 =	sadd.s32 $0xFFFFFEF7, lr;
	s5 =	simm.s32 $0xFFFFFFFF;
	p2 =	slt.u32 s8, $0xFFFFF086  }
0x1c: {  	p1 =	slt.u32 s9, $0xF7A;
	s5 =	simm.s32 @!p2 $0x0  }
0x1d: {  	s5 =	simm.s32 @p1 $0x1;
	p0 =	seq.s32 s7, s2  }
0x1e: {  	s7 =	smul.u32 @!p0 $0xF7A, s2;
	p2 =	seq.s32 @!p0 s5, $0x0  }
0x1f: {  	s9 =	smul.u32 $0xF7A, s1;
	s8 =	simm.s32 @!p0 $0x1BF5;
	p2 =	por !p2, p0  }
0x20: {  	[sflag:s8] =	ssyncset.s32 @!p0 $0xFFFFF086;
	s6 =	sadd.s32 @!p0 s3, s7;
	s7 =	simm.s32 @!p0 $0x108  }
0x21: {  	s3 =	sadd.s32 s3, s9;
	s6 =	sadd.s32 @!p0 $0x88, s6;
	s7 =	simm.s32 @p2 $0x1082  }
0x22: {  	[simem:s7], [sflag:s8] =	dma.local @!p0 [hbm:s6], $0xF7A  }
0x23: {  	s9 =	sor.u32 $0xD0000000, s2;
	s6 =	simm.s32 $0x108;
	_ =	swait.ge @!p0 [sflag:s8], $0x0  }
0x24: {  	s3 =	sadd.s32 $0x88, s3;
	s6 =	simm.s32 @!p1 $0x1082;
	[sflag:s4] =	ssyncset.s32 $0xFFFFF086  }
0x25: {  	[simem:s6], [sflag:s4] =	dma.local [hbm:s3], $0xF7A  }
0x26: {  	[smem:$0x3F9D] =	sst s1;
	(tag) =	ssettag s2;
	_ =	strace s9  }
0x27: {  	s1 =	sld [smem:$0x3FAD]  }
0x28: {  	s2 =	sld [smem:$0x3FAE]  }
0x29: {  	s4 =	sld [smem:$0x3FB0]  }
0x2a: {  	p0 =	seq.s32 s5, $0x0;
	s5 =	sld [smem:$0x3FB1]  }
0x2b: {  	s6 =	sld [smem:$0x3FB2]  }
0x2c: {  	s7 =	sld [smem:$0x3FB3]  }
0x2d: {  	s3 =	simm.s32 $0x108;
	s8 =	sld [smem:$0x3FB4]  }
0x2e: {  	s3 =	simm.s32 @!p0 $0x1082;
	s9 =	sld [smem:$0x3FB5]  }
0x2f: {  	lr =	sadd.s32 s0, s3;
	s0 =	sld [smem:$0x3FAC]  }
0x30: {  	s3 =	sld [smem:$0x3FAF]  }
0x31: {  	[smem:$0x3FB8] =	sst s10  }
0x32: {  	s10 =	sld [smem:$0x3FB6];
	_ =	sdelay $0x3  }
0x33: {  	p0 =	seq.s32 s10, $0x1;
	s10 =	sld [smem:$0x3FB8];
	_ =	sdelay $0x3  }
0x34: {  	[smem:$0x3FB8] =	sst s10  }
0x35: {  	s10 =	sld [smem:$0x3FB7];
	_ =	sdelay $0x3  }
0x36: {  	p1 =	seq.s32 s10, $0x1;
	s10 =	sld [smem:$0x3FB8];
	_ =	sdelay $0x3  }
0x37: {  	[smem:$0x3FB8] =	sst s10  }
0x38: {  	s10 =	sld [smem:$0x3FB9]  }
0x39: {  	_ = 	snop;
	(pc) =	sbr.ind lr, $3  }
0x3a: {  	_ = 	snop  }
0x3b: {  	_ = 	snop  }
0x3c: {  	p2 =	seq.s32 s10, $0x1;
	s10 =	sld [smem:$0x3FB8]  }
0x3d: {  	_ =	shalt  }
0x3e: {  	_ =	shalt  }
0x3f: {  	_ =	shalt  }
0x40: {  	_ =	shalt  }
0x41: {  	_ =	shalt  }
0x42: {  	_ =	shalt  }
0x43: {  	_ =	shalt  }
0x44: {  	_ =	shalt  }
0x45: {  	_ =	shalt  }
0x46: {  	_ =	shalt  }
0x47: {  	_ =	shalt  }
0x48: {  	_ =	shalt  }
0x49: {  	_ =	shalt  }
0x4a: {  	_ =	shalt  }
0x4b: {  	_ =	shalt  }
0x4c: {  	_ =	shalt  }
0x4d: {  	_ =	shalt  }
0x4e: {  	_ =	shalt  }
0x4f: {  	_ =	shalt  }
0x50: {  	_ =	shalt  }
0x51: {  	_ =	shalt  }
0x52: {  	_ =	shalt  }
0x53: {  	_ =	shalt  }
0x54: {  	_ =	shalt  }
0x55: {  	_ =	shalt  }
0x56: {  	_ =	shalt  }
0x57: {  	_ =	shalt  }
0x58: {  	_ =	shalt  }
0x59: {  	_ =	shalt  }
0x5a: {  	_ =	shalt  }
0x5b: {  	_ =	shalt  }
0x5c: {  	_ =	shalt  }
0x5d: {  	_ =	shalt  }
0x5e: {  	_ =	shalt  }
0x5f: {  	_ =	shalt  }
0x60: {  	_ =	shalt  }
0x61: {  	_ =	shalt  }
0x62: {  	_ =	shalt  }
0x63: {  	_ =	shalt  }
0x64: {  	_ =	shalt  }
0x65: {  	_ =	shalt  }
0x66: {  	_ =	shalt  }
0x67: {  	_ =	shalt  }
0x68: {  	_ =	shalt  }
0x69: {  	_ =	shalt  }
0x6a: {  	_ =	shalt  }
0x6b: {  	_ =	shalt  }
0x6c: {  	_ =	shalt  }
0x6d: {  	_ =	shalt  }
0x6e: {  	_ =	shalt  }
0x6f: {  	_ =	shalt  }
0x70: {  	_ =	shalt  }
0x71: {  	_ =	shalt  }
0x72: {  	_ =	shalt  }
0x73: {  	_ =	shalt  }
0x74: {  	_ =	shalt  }
0x75: {  	_ =	shalt  }
0x76: {  	_ =	shalt  }
0x77: {  	_ =	shalt  }
0x78: {  	_ =	shalt  }
0x79: {  	_ =	shalt  }
0x7a: {  	_ =	shalt  }
0x7b: {  	_ =	shalt  }
0x7c: {  	_ =	shalt  }
0x7d: {  	_ =	shalt  }
0x7e: {  	_ =	shalt  }
0x7f: {  	_ =	shalt  }
0x80: {  	_ =	shalt  }
0x81: {  	_ =	shalt  }
0x82: {  	_ =	shalt  }
0x83: {  	_ =	shalt  }
0x84: {  	_ =	shalt  }
0x85: {  	_ =	shalt  }
0x86: {  	_ =	shalt  }
0x87: {  	_ =	shalt  }
.Lfunc_end0:
.L_simem_size_0:
called_computation_lowered:
.L_overlay_start_0:
0x88: {  	s2 =	sld [smem:$0x3FD9]  }
0x89: {  	s3 =	sld [smem:$0x3FFE];
	_ =	sdelay $0x1  }
0x8a: {  	s1 =	srdreg.scid  }
0x8b: {  	s0 =	sand.u32 $0x1, s1  }
0x8c: {  	s17 =	sshll.u32 s0, $0xA;
	s2 =	sadd.s32 s3, s2  }
0x8d: {  	s2 =	sadd.s32 s2, s17  }
0x8e: {  	[smem:$0x3FC4] =	sst s2  }
0x8f: {  	_ = 	snop  }
0x90: {  	s2 =	sld [smem:$0x3FD0];
	(tm) =	ssettm $0x1  }
0x91: {  	s18 =	sld [smem:$0x3FFB];
	_ =	sdelay $0x3  }
0x92: {  	_ =	strace s18  }
0x93: {  	s3 =	sld [smem:$0x3FFC];
	_ =	sdelay $0x3  }
0x94: {  	_ =	strace s3  }
0x95: {  	s3 =	sld [smem:$0x3FFD];
	_ =	sdelay $0x3  }
0x96: {  	_ =	strace s3  }
0x97: {  	_ =	strace $0x8FFFFFFF  }
0x98: {  	s19 =	sld [smem:$0x3FDB];
	_ =	sdelay $0x1  }
0x99: {  	s4 =	simm.s32 $_scs_section_size  }
0x9a: {  	s5 =	simm.s32 $_size__tile_overlayer_lowered;
	s6 =	simm.s32 $_tile_overlayer_lowered  }
0x9b: {  	s22 =	simm.s32 $0x1BFF;
	s21 =	sshll.u32 s6, $0x1;
	s3 =	sadd.s32 s4, s19  }
0x9c: {  	s7 =	simm.s32 $0x0;
	s20 =	sshll.u32 s5, $0x1;
	s5 =	sadd.s32 s21, s3  }
0x9d: {  	[timem:s7], [sflag:s22] =	dma.local [hbm:s5], s20  }
0x9e: {  	_ =	swait.ge [sflag:s22], s20  }
0x9f: {  	s4 =	ssub.s32 $0x0, s20;
	[sflag:s22] =	ssyncset.done $0x0  }
0xa0: {  	[sflag:s22] =	ssyncadd.s32 s4;
	_ =	sdelay $0x1  }
0xa1: {  	s23 =	simm.s32 $0x1B8B  }
0xa2: {  	_ =	swait.ge [sflag:s23], $0x1  }
0xa3: {  	[sflag:s23] =	ssyncset.done $0x0  }
0xa4: {  	s25 =	simm.s32 $0x1B8E;
	s24 =	sld [smem:$0x3FFE];
	[sflag:s23] =	ssyncadd.s32 $0xFFFFFFFF  }
0xa5: {  	s26 =	simm.s32 $execute0_lowered;
	[smem:$0x3FD2] =	sst s25  }
0xa6: {  	s5 =	sshll.u32 s26, $0x1;
	_ =	strace $0x80000046;
	[dreg:$0x1] =	wrdreg $0xFFFFFFFF  }
0xa7: {  	s28 =	simm.s32 $_size_execute0_lowered;
	s3 =	sadd.s32 s3, s5;
	[dreg:$0x0] =	wrdreg $0x0  }
0xa8: {  	s5 =	sshll.u32 s28, $0x1;
	[dreg:$0x2] =	wrdreg s3  }
0xa9: {  	[dreg:$0x3] =	wrdreg s5  }
0xaa: {  	[dreg:$0x4] =	wrdreg $0xC0  }
0xab: {  	_ =	task [dreg:s7], $0x5FFFF  }
0xac: {  	[dreg:$0x1] =	wrdreg $0xFFFFFFFF  }
0xad: {  	[dreg:$0x0] =	wrdreg $0x60  }
0xae: {  	[dreg:$0x2] =	wrdreg s2  }
0xaf: {  	[dreg:$0x3] =	wrdreg s24  }
0xb0: {  	[dreg:$0x4] =	wrdreg $0x0  }
0xb1: {  	[dreg:$0x5] =	wrdreg $0x140000  }
0xb2: {  	[dreg:$0x6] =	wrdreg $0x9  }
0xb3: {  	_ =	task.clear_ibuf [dreg:s7], $0x7FFFF;
	_ =	strace $0x90000046  }
0xb4: {  	s29 =	simm.s32 $0x9;
	_ =	strace $0x80000048  }
0xb5: {  	_ =	swait.ge [sflag:s29], $0x1  }
0xb6: {  	[sflag:s29] =	ssyncadd.s32 $0xFFFFFFFF  }
0xb7: {  	_ =	strace $0x90000048  }
0xb8: {  	_ =	sfence  }
0xb9: {  	s30 =	sld [smem:$0x0];
	_ =	sdelay $0x2  }
0xba: {  	s31 =	sshll.u32 s1, $0xD;
	s1 =	sshrl.u32 s1, $0x2  }
0xbb: {  	s3 =	sand.u32 $0x4000, s31;
	s1 =	sadd.s32 s1, s30  }
0xbc: {  	s0 =	sor.u32 s3, s0;
	s1 =	sshll.u32 s1, $0x11  }
0xbd: {  	s0 =	sor.u32 s1, s0  }
0xbe: {  	s0 =	sadd.s32 $0x8F2B, s0  }
0xbf: {  	[sflag:s0] =	ssyncadd.remote.s32 $0x1  }
0xc0: {  	_ =	sfence.sel $0xFFFF  }
0xc1: {  	[dreg:$0x0] =	wrdreg $0xFFFFFFFF;
	(pc) =	sbr.abs _section_cstart, $3  }
0xc2: {  	[dreg:$0x1] =	wrdreg $0xFFFFFFFF  }
0xc3: {  	_ =	task.clear_ibuf [dreg:s7], $0x2FFFF;
	_ =	strace $0x9FFFFFFF  }
0xc4: {  	(tm) =	ssettm $0x7FFFFFFF  }
0xc5: {  	_ =	shalt  }
tec
execute0_lowered:
.L_overlay_start_1:
0x0: {  	(tag) =	ssettag $0x1  }
0x1: {  	s6 =	rddreg [dreg:$0x0]  }
0x2: {  	s0 =	rddreg [dreg:$0x1]  }
0x3: {  	s2 =	rddreg [dreg:$0x2]  }
0x4: {  	s3 =	rddreg [dreg:$0x3];
	s4 =	simm.s32 $0x0  }
0x5: {  	s14 =	simm.s32 $0x14300;
	[smem:$0x7FF] =	sst s4  }
0x6: {  	s18 =	simm.s32 $0x14F00;
	_ =	strace $0x80000047;
	[dreg:$0x9] =	wrdreg s14  }
0x7: {  	s1 =	srdreg.scid;
	s19 =	simm.s32 $0x14700;
	[dreg:$0xa] =	wrdreg s18  }
0x8: {  	s21 =	stileid.u32;
	s20 =	simm.s32 $0x14B00;
	[dreg:$0xb] =	wrdreg s19  }
0x9: {  	s22 =	simm.s32 $0x14380;
	s23 =	simm.s32 $0x14C00;
	[dreg:$0xc] =	wrdreg s20  }
0xa: {  	s24 =	simm.s32 $0x15080;
	s25 =	simm.s32 $0x14880;
	[dreg:$0xd] =	wrdreg s22  }
0xb: {  	s26 =	simm.s32 $0x14C80;
	s30 =	simm.s32 $0x4;
	[dreg:$0x14] =	wrdreg s23  }
0xc: {  	s31 =	simm.s32 $0x5;
	s5 =	smul.u32 $0x5000, s21;
	[dreg:$0x16] =	wrdreg s24  }
0xd: {  	s15 =	sand.u32 $0x1, s1;
	s17 =	smul.u32 $0x14000, s21;
	[dreg:$0x17] =	wrdreg s25  }
0xe: {  	p0 =	sgt.u32 s21, $0x9;
	s14 =	simm.s32 $0x14400;
	[dreg:$0x18] =	wrdreg s26  }
0xf: {  	s1 =	smul.u32 $0x50000, s15;
	s18 =	simm.s32 $0x14800;
	[dreg:$0x11] =	wrdreg s14  }
0x10: {  	s9 =	smul.u32 $0x2800, s15;
	s19 =	simm.s32 $0x14480;
	[dreg:$0x13] =	wrdreg s18  }
0x11: {  	s13 =	ssub.s32 $0x2, s15;
	s22 =	simm.s32 $0x15100;
	[dreg:$0x15] =	wrdreg s19  }
0x12: {  	s15 =	smul.u32 $0x140000, s15;
	s23 =	simm.s32 $0x14900;
	[dreg:$0x1a] =	wrdreg s22  }
0x13: {  	s24 =	simm.s32 $0x14D00;
	s26 =	simm.s32 $0x14580;
	[dreg:$0x1b] =	wrdreg s23  }
0x14: {  	s16 =	sshrl.u32 s13, $0x1;
	s14 =	sadd.s32 $0xE000, s17;
	[dreg:$0x1c] =	wrdreg s24  }
0x15: {  	s18 =	sadd.s32 $0x12000, s17;
	s19 =	simm.s32 $0x14500;
	[dreg:$0x1d] =	wrdreg s26  }
0x16: {  	s22 =	simm.s32 $0x14980;
	s24 =	simm.s32 $0x14D80;
	[dreg:$0x19] =	wrdreg s19  }
0x17: {  	s1 =	sadd.s32 s5, s1;
	s5 =	sadd.s32 $0x8CE00, s0;
	[dreg:$0x1f] =	wrdreg s22  }
0x18: {  	[smem:$0x7E5] =	sst s24;
	s8 =	sshrl.u32 s1, $0x3;
	s1 =	sshll.u32 s21, $0xA  }
0x19: {  	s7 =	sadd.s32 s8, s0;
	s9 =	sadd.s32 s1, s9;
	s6 =	sadd.s32 s8, s6  }
0x1a: {  	s8 =	sor.u32 $0x2000, s17;
	s29 =	sadd.s32 s1, s3;
	s1 =	simm.s32 $0x15280  }
0x1b: {  	s10 =	sadd.s32 $0x15E00, s7;
	s11 =	sadd.s32 $0x29E00, s7;
	[dreg:$0x8] =	wrdreg s6  }
0x1c: {  	s12 =	sadd.s32 $0x1E00, s7;
	s7 =	sshrl.u32 s9, $0x3;
	[smem:$0x7FD] =	sst s29  }
0x1d: {  	s6 =	ssub.s32 s13, s16;
	s9 =	sadd.s32 $0x4000, s17;
	[dreg:$0x5] =	wrdreg s10  }
0x1e: {  	s13 =	simm.s32 $0x14B80;
	s16 =	simm.s32 $0x15000;
	[dreg:$0x6] =	wrdreg s11  }
0x1f: {  	s20 =	sadd.s32 s15, s8;
	[dreg:$0x7] =	wrdreg s12;
	s11 =	simm.s32 $0x14F80  }
0x20: {  	s10 =	sadd.s32 $0x6000, s17;
	s12 =	simm.s32 $0x14780;
	[dreg:$0x10] =	wrdreg s13  }
0x21: {  	s13 =	sadd.s32 $0xC000, s17;
	[dreg:$0x12] =	wrdreg s16;
	s16 =	sadd.s32 $0x10000, s17  }
0x22: {  	s19 =	sshrl.u32 s20, $0x3;
	s25 =	sadd.s32 s15, s9;
	[dreg:$0xe] =	wrdreg s11  }
0x23: {  	s20 =	simm.s32 $0x15180;
	s11 =	sadd.s32 $0x8000, s17;
	[dreg:$0xf] =	wrdreg s12  }
0x24: {  	s12 =	sadd.s32 $0xA000, s17;
	s17 =	sadd.s32 s17, s15;
	s19 =	sadd.s32 s5, s19  }
0x25: {  	[dreg:$0x1e] =	wrdreg s20;
	s23 =	sadd.s32 s15, s10;
	s22 =	sadd.s32 s15, s13  }
0x26: {  	s24 =	sadd.s32 s15, s16;
	s13 =	sadd.s32 s13, s2;
	s17 =	sshrl.u32 s17, $0x3  }
0x27: {  	[smem:$0x7E3] =	sst s19;
	s19 =	sshrl.u32 s25, $0x3;
	s25 =	simm.s32 $0x14600  }
0x28: {  	s20 =	sadd.s32 s15, s11;
	s26 =	sadd.s32 s15, s12;
	[smem:$0x7F2] =	sst s13  }
0x29: {  	s11 =	sadd.s32 s11, s2;
	s12 =	sadd.s32 s12, s2;
	[smem:$0x7E6] =	sst s25  }
0x2a: {  	s13 =	simm.s32 $0x17280;
	s17 =	sadd.s32 s5, s17;
	[smem:$0x7F0] =	sst s11  }
0x2b: {  	s19 =	sadd.s32 s5, s19;
	s20 =	sshrl.u32 s20, $0x3;
	[smem:$0x7F1] =	sst s12  }
0x2c: {  	s11 =	simm.s32 $0x1;
	s12 =	simm.s32 $0x3;
	[smem:$0x7E2] =	sst s17  }
0x2d: {  	[smem:$0x7E4] =	sst s19;
	s19 =	sshrl.u32 s23, $0x3;
	s17 =	sshrl.u32 s26, $0x3  }
0x2e: {  	s23 =	sadd.s32 s15, s14;
	s26 =	sshrl.u32 s24, $0x3;
	s15 =	sadd.s32 s15, s18  }
0x2f: {  	s24 =	sadd.s32 s7, s0;
	s14 =	sadd.s32 s14, s2;
	s7 =	simm.s32 $0x14A80  }
0x30: {  	s19 =	sadd.s32 s5, s19;
	s17 =	sadd.s32 s5, s17;
	[smem:$0x7F3] =	sst s14  }
0x31: {  	s25 =	sshrl.u32 s23, $0x3;
	s15 =	sshrl.u32 s15, $0x3;
	[smem:$0x7E7] =	sst s19  }
0x32: {  	s23 =	simm.s32 $0x15200;
	s14 =	simm.s32 $0x1B280;
	[smem:$0x7E9] =	sst s17  }
0x33: {  	s19 =	sadd.s32 s5, s20;
	s17 =	sshrl.u32 s22, $0x3;
	[smem:$0x7EE] =	sst s23  }
0x34: {  	s20 =	sadd.s32 s5, s26;
	s22 =	smul.u32 $0x50000, s21;
	[smem:$0x7E8] =	sst s19  }
0x35: {  	s26 =	sadd.s32 $0x8C000, s0;
	s23 =	sadd.s32 s9, s2;
	[smem:$0x7EC] =	sst s20  }
0x36: {  	s9 =	simm.s32 $0x40;
	s21 =	simm.s32 $0x14A00;
	[smem:$0x7EF] =	sst s26  }
0x37: {  	s17 =	sadd.s32 s5, s17;
	s26 =	sadd.s32 s10, s2;
	[smem:$0x7FA] =	sst s23  }
0x38: {  	s19 =	sadd.s32 s16, s2;
	s20 =	sadd.s32 s18, s2;
	[smem:$0x7EA] =	sst s17  }
0x39: {  	s10 =	simm.s32 $0x19280;
	s16 =	simm.s32 $0x2;
	[smem:$0x7F4] =	sst s19  }
0x3a: {  	s18 =	simm.s32 $0x7;
	s17 =	sadd.s32 s5, s25;
	[smem:$0x7F5] =	sst s20  }
0x3b: {  	s5 =	sadd.s32 s5, s15;
	s25 =	sshrl.u32 s22, $0x2;
	[smem:$0x7FB] =	sst s26  }
0x3c: {  	s15 =	sadd.s32 $0x3DE00, s0;
	s22 =	sadd.s32 $0x8C400, s24;
	[smem:$0x7EB] =	sst s17  }
0x3d: {  	s24 =	smax.u32 s6, $0x1;
	s6 =	simm.s32 $0x14680;
	[smem:$0x7ED] =	sst s5  }
0x3e: {  	s19 =	simm.s32 $0x6;
	s20 =	simm.s32 $0x8;
	[smem:$0x7F6] =	sst s22  }
0x3f: {  	s17 =	sadd.s32 $0x1600, s0;
	[smem:$0x7F7] =	sst s24;
	s24 =	simm.s32 $0x0  }
0x40: {  	s28 =	sadd.s32 s25, s2;
	s25 =	sadd.s32 s8, s2;
	[smem:$0x7F8] =	sst s24  }
0x41: {  	s0 =	simm.s32 $0x9;
	s5 =	simm.s32 $0x14280;
	[smem:$0x7F9] =	sst s25  }
0x42: {  	s8 =	simm.s32 $0x14E80;
	s22 =	simm.s32 $0x14E00;
	[smem:$0x7FC] =	sst s28  }
.LBB2_1:
0x43: {  	s24 =	sld [smem:$0x7EF];
	_ =	sdelay $0x2  }
0x44: {  	[tilespmem:s1], [sflag:$0x9] =	stream.linear.gather [hbm4b:s24+s4], $0x2000, $0x38;
	[tilespmem:$0x1D280] =	vst v63  }
0x45: {  	_ =	swait.ge [sflag:s0], $0x2000  }
0x46: {  	[sflag:s0] =	ssyncset.done $0x0  }
0x47: {  	[sflag:s0] =	ssyncadd.s32 $0xFFFFE000  }
0x48: {  	[spmem:s28] =	stream.linear.scatter [tilespmem:s1], [sflag:$0x9], $0x2000, $0x38;
	[tilespmem:$0x1D280] =	vst v63  }
0x49: {  	_ =	swait.ge [sflag:s0], $0x2000  }
0x4a: {  	[sflag:s0] =	ssyncset.done $0x0  }
0x4b: {  	[sflag:s0] =	ssyncadd.s32 $0xFFFFE000  }
0x4c: {  	[spmem:s25] =	stream.linear.scatter [tilespmem:s1], [sflag:$0x9], $0x2000, $0x38;
	[tilespmem:$0x1D280] =	vst v63  }
0x4d: {  	_ =	swait.ge [sflag:s0], $0x2000  }
0x4e: {  	[sflag:s0] =	ssyncset.done $0x0  }
0x4f: {  	[sflag:s0] =	ssyncadd.s32 $0xFFFFE000  }
0x50: {  	[spmem:s23] =	stream.linear.scatter [tilespmem:s1], [sflag:$0x9], $0x2000, $0x38;
	[tilespmem:$0x1D280] =	vst v63  }
0x51: {  	_ =	swait.ge [sflag:s0], $0x2000  }
0x52: {  	[sflag:s0] =	ssyncset.done $0x0  }
0x53: {  	[sflag:s0] =	ssyncadd.s32 $0xFFFFE000  }
0x54: {  	[spmem:s26] =	stream.linear.scatter [tilespmem:s1], [sflag:$0x9], $0x2000, $0x38;
	[tilespmem:$0x1D280] =	vst v63  }
0x55: {  	_ =	swait.ge [sflag:s0], $0x2000  }
0x56: {  	s26 =	sld [smem:$0x7F0]  }
0x57: {  	[sflag:s0] =	ssyncset.done $0x0  }
0x58: {  	[sflag:s0] =	ssyncadd.s32 $0xFFFFE000  }
0x59: {  	[spmem:s26] =	stream.linear.scatter [tilespmem:s1], [sflag:$0x9], $0x2000, $0x38;
	[tilespmem:$0x1D280] =	vst v63  }
0x5a: {  	_ =	swait.ge [sflag:s0], $0x2000  }
0x5b: {  	s28 =	sld [smem:$0x7F1]  }
0x5c: {  	[sflag:s0] =	ssyncset.done $0x0  }
0x5d: {  	[sflag:s0] =	ssyncadd.s32 $0xFFFFE000  }
0x5e: {  	[spmem:s28] =	stream.linear.scatter [tilespmem:s1], [sflag:$0x9], $0x2000, $0x38;
	[tilespmem:$0x1D280] =	vst v63  }
0x5f: {  	_ =	swait.ge [sflag:s0], $0x2000  }
0x60: {  	s24 =	sld [smem:$0x7F2]  }
0x61: {  	[sflag:s0] =	ssyncset.done $0x0  }
0x62: {  	[sflag:s0] =	ssyncadd.s32 $0xFFFFE000  }
0x63: {  	[spmem:s24] =	stream.linear.scatter [tilespmem:s1], [sflag:$0x9], $0x2000, $0x38;
	[tilespmem:$0x1D280] =	vst v63  }
0x64: {  	_ =	swait.ge [sflag:s0], $0x2000  }
0x65: {  	s25 =	sld [smem:$0x7F3]  }
0x66: {  	[sflag:s0] =	ssyncset.done $0x0  }
0x67: {  	[sflag:s0] =	ssyncadd.s32 $0xFFFFE000  }
0x68: {  	[spmem:s25] =	stream.linear.scatter [tilespmem:s1], [sflag:$0x9], $0x2000, $0x38;
	[tilespmem:$0x1D280] =	vst v63  }
0x69: {  	_ =	swait.ge [sflag:s0], $0x2000  }
0x6a: {  	s26 =	sld [smem:$0x7F4]  }
0x6b: {  	[sflag:s0] =	ssyncset.done $0x0  }
0x6c: {  	[sflag:s0] =	ssyncadd.s32 $0xFFFFE000  }
0x6d: {  	[spmem:s26] =	stream.linear.scatter [tilespmem:s1], [sflag:$0x9], $0x2000, $0x38;
	[tilespmem:$0x1D280] =	vst v63  }
0x6e: {  	_ =	swait.ge [sflag:s0], $0x2000  }
0x6f: {  	s28 =	sld [smem:$0x7F5]  }
0x70: {  	[sflag:s0] =	ssyncset.done $0x0  }
0x71: {  	[sflag:s0] =	ssyncadd.s32 $0xFFFFE000  }
0x72: {  	[spmem:s28] =	stream.linear.scatter [tilespmem:s1], [sflag:$0x9], $0x2000, $0x38;
	[tilespmem:$0x1D280] =	vst v63  }
0x73: {  	_ =	swait.ge [sflag:s0], $0x2000  }
0x74: {  	[sflag:s0] =	ssyncset.done $0x0  }
0x75: {  	s24 =	simm.s32 @!p0 $0x15280;
	[sflag:s0] =	ssyncadd.s32 $0xFFFFE000  }
0x76: {  	[spmem:s29] =	stream.linear.scatter @!p0 [tilespmem:s24], [sflag:$0x9], $0x400, $0x38;
	[tilespmem:$0x1D280] =	vst v63  }
0x77: {  	s24 =	simm.s32 @!p0 $0x9  }
0x78: {  	_ =	swait.ge @!p0 [sflag:s24], $0x400  }
0x79: {  	[sflag:s24] =	ssyncset.done @!p0 $0x0  }
0x7a: {  	[sflag:s24] =	ssyncadd.s32 @!p0 $0xFFFFFC00  }
0x7b: {  	[bflag:$0x0] =	sbarrier.arrive $0xFFFF  }
0x7c: {  	s23 =	rddreg [dreg:$0x8]  }
0x7d: {  	s24 =	sadd.s32 $0x0, s23  }
0x7e: {  	[tilespmem:s5], [sflag:$0x9] =	stream.linear.gather [hbm4b:s24+s4], $0x400, $0x38;
	[tilespmem:$0x1D280] =	vst v63  }
0x7f: {  	_ =	swait.ge [sflag:s0], $0x400  }
0x80: {  	s25 =	rddreg [dreg:$0x7];
	[sflag:s0] =	ssyncset.done $0x0  }
0x81: {  	[sflag:s0] =	ssyncadd.s32 $0xFFFFFC00;
	s24 =	sadd.s32 $0x0, s25  }
0x82: {  	[tilespmem:s6], [sflag:$0x9] =	stream.linear.gather [hbm4b:s24+s4], $0x400, $0x38;
	[tilespmem:$0x1D280] =	vst v63  }
0x83: {  	_ =	swait.ge [sflag:s0], $0x400  }
0x84: {  	s26 =	rddreg [dreg:$0x6];
	[sflag:s0] =	ssyncset.done $0x0  }
0x85: {  	[sflag:s0] =	ssyncadd.s32 $0xFFFFFC00;
	s24 =	sadd.s32 $0x0, s26  }
0x86: {  	[tilespmem:s7], [sflag:$0x9] =	stream.linear.gather [hbm4b:s24+s4], $0x400, $0x38;
	[tilespmem:$0x1D280] =	vst v63  }
0x87: {  	_ =	swait.ge [sflag:s0], $0x400  }
0x88: {  	s28 =	rddreg [dreg:$0x5];
	[sflag:s0] =	ssyncset.done $0x0  }
0x89: {  	[sflag:s0] =	ssyncadd.s32 $0xFFFFFC00;
	s24 =	sadd.s32 $0x0, s28  }
0x8a: {  	[tilespmem:s8], [sflag:$0x9] =	stream.linear.gather [hbm4b:s24+s4], $0x400, $0x38;
	[tilespmem:$0x1D280] =	vst v63  }
0x8b: {  	_ =	swait.ge [sflag:s0], $0x400  }
0x8c: {  	[sflag:s0] =	ssyncset.done $0x0  }
0x8d: {  	[sflag:s0] =	ssyncadd.s32 $0xFFFFFC00  }
0x8e: {  	[tilespmem:s1], [sflag:$0x1] =	stream.indirect.gather [hbm4b:s15+s9], $0x80, s5, s9, $0xb8;
	[tilespmem:$0x1D280] =	vst v63  }
0x8f: {  	_ = 	snop  }
0x90: {  	[tilespmem:s10], [sflag:$0x3] =	stream.indirect.gather [hbm4b:s17+s9], $0x80, s8, s9, $0xb8;
	[tilespmem:$0x1D280] =	vst v63  }
0x91: {  	_ =	swait.ge [sflag:s11], $0x2000  }
0x92: {  	[sflag:s11] =	ssyncset.done $0x0  }
0x93: {  	[sflag:s11] =	ssyncadd.s32 $0xFFFFE000  }
0x94: {  	[spmem:s2] =	stream.indirect.scatter.add.f32 [tilespmem:s1], [sflag:$0x5], $0x80, s6, s9, $0xb8;
	[tilespmem:$0x1D280] =	vst v63  }
0x95: {  	_ =	swait.ge [sflag:s12], $0x2000  }
0x96: {  	[sflag:s12] =	ssyncset.done $0x0  }
0x97: {  	[sflag:s12] =	ssyncadd.s32 $0xFFFFE000  }
0x98: {  	[spmem:s3] =	stream.indirect.scatter.add.f32 [tilespmem:s10], [sflag:$0x7], $0x80, s7, s9, $0xb8;
	[tilespmem:$0x1D280] =	vst v63  }
0x99: {  	s29 =	rddreg [dreg:$0x9]  }
0x9a: {  	[tilespmem:s13], [sflag:$0x2] =	stream.indirect.gather [hbm4b:s15+s9], $0x80, s29, s9, $0xb8;
	[tilespmem:$0x1D280] =	vst v63  }
0x9b: {  	s23 =	rddreg [dreg:$0xa]  }
0x9c: {  	[tilespmem:s14], [sflag:$0x4] =	stream.indirect.gather [hbm4b:s17+s9], $0x80, s23, s9, $0xb8;
	[tilespmem:$0x1D280] =	vst v63  }
0x9d: {  	_ =	swait.ge [sflag:s16], $0x2000  }
0x9e: {  	[sflag:s16] =	ssyncset.done $0x0  }
0x9f: {  	s25 =	rddreg [dreg:$0xb];
	[sflag:s16] =	ssyncadd.s32 $0xFFFFE000  }
0xa0: {  	[spmem:s2] =	stream.indirect.scatter.add.f32 [tilespmem:s13], [sflag:$0x6], $0x80, s25, s9, $0xb8;
	[tilespmem:$0x1D280] =	vst v63  }
0xa1: {  	_ =	swait.ge [sflag:s30], $0x2000  }
0xa2: {  	[sflag:s30] =	ssyncset.done $0x0  }
0xa3: {  	s26 =	rddreg [dreg:$0xc];
	[sflag:s30] =	ssyncadd.s32 $0xFFFFE000  }
0xa4: {  	[spmem:s3] =	stream.indirect.scatter.add.f32 [tilespmem:s14], [sflag:$0x8], $0x80, s26, s9, $0xb8;
	[tilespmem:$0x1D280] =	vst v63  }
0xa5: {  	_ =	swait.ge [sflag:s31], $0x2000  }
0xa6: {  	[sflag:s31] =	ssyncset.done $0x0  }
0xa7: {  	s28 =	rddreg [dreg:$0xd];
	[sflag:s31] =	ssyncadd.s32 $0xFFFFE000  }
0xa8: {  	[tilespmem:s1], [sflag:$0x1] =	stream.indirect.gather [hbm4b:s15+s9], $0x80, s28, s9, $0xb8;
	[tilespmem:$0x1D280] =	vst v63  }
0xa9: {  	_ =	swait.ge [sflag:s18], $0x2000  }
0xaa: {  	[sflag:s18] =	ssyncset.done $0x0  }
0xab: {  	s29 =	rddreg [dreg:$0xe];
	[sflag:s18] =	ssyncadd.s32 $0xFFFFE000  }
0xac: {  	[tilespmem:s10], [sflag:$0x3] =	stream.indirect.gather [hbm4b:s17+s9], $0x80, s29, s9, $0xb8;
	[tilespmem:$0x1D280] =	vst v63  }
0xad: {  	_ =	swait.ge [sflag:s11], $0x2000  }
0xae: {  	[sflag:s11] =	ssyncset.done $0x0  }
0xaf: {  	s23 =	rddreg [dreg:$0xf];
	[sflag:s11] =	ssyncadd.s32 $0xFFFFE000  }
0xb0: {  	[spmem:s2] =	stream.indirect.scatter.add.f32 [tilespmem:s1], [sflag:$0x5], $0x80, s23, s9, $0xb8;
	[tilespmem:$0x1D280] =	vst v63  }
0xb1: {  	_ =	swait.ge [sflag:s12], $0x2000  }
0xb2: {  	[sflag:s12] =	ssyncset.done $0x0  }
0xb3: {  	s25 =	rddreg [dreg:$0x10];
	[sflag:s12] =	ssyncadd.s32 $0xFFFFE000  }
0xb4: {  	[spmem:s3] =	stream.indirect.scatter.add.f32 [tilespmem:s10], [sflag:$0x7], $0x80, s25, s9, $0xb8;
	[tilespmem:$0x1D280] =	vst v63  }
0xb5: {  	_ =	swait.ge [sflag:s19], $0x2000  }
0xb6: {  	[sflag:s19] =	ssyncset.done $0x0  }
0xb7: {  	s26 =	rddreg [dreg:$0x11];
	[sflag:s19] =	ssyncadd.s32 $0xFFFFE000  }
0xb8: {  	[tilespmem:s13], [sflag:$0x2] =	stream.indirect.gather [hbm4b:s15+s9], $0x80, s26, s9, $0xb8;
	[tilespmem:$0x1D280] =	vst v63  }
0xb9: {  	_ =	swait.ge [sflag:s20], $0x2000  }
0xba: {  	[sflag:s20] =	ssyncset.done $0x0  }
0xbb: {  	s28 =	rddreg [dreg:$0x12];
	[sflag:s20] =	ssyncadd.s32 $0xFFFFE000  }
0xbc: {  	[tilespmem:s14], [sflag:$0x4] =	stream.indirect.gather [hbm4b:s17+s9], $0x80, s28, s9, $0xb8;
	[tilespmem:$0x1D280] =	vst v63  }
0xbd: {  	_ =	swait.ge [sflag:s16], $0x2000  }
0xbe: {  	[sflag:s16] =	ssyncset.done $0x0  }
0xbf: {  	s29 =	rddreg [dreg:$0x13];
	[sflag:s16] =	ssyncadd.s32 $0xFFFFE000  }
0xc0: {  	[spmem:s2] =	stream.indirect.scatter.add.f32 [tilespmem:s13], [sflag:$0x6], $0x80, s29, s9, $0xb8;
	[tilespmem:$0x1D280] =	vst v63  }
0xc1: {  	_ =	swait.ge [sflag:s30], $0x2000  }
0xc2: {  	[sflag:s30] =	ssyncset.done $0x0  }
0xc3: {  	s23 =	rddreg [dreg:$0x14];
	[sflag:s30] =	ssyncadd.s32 $0xFFFFE000  }
0xc4: {  	[spmem:s3] =	stream.indirect.scatter.add.f32 [tilespmem:s14], [sflag:$0x8], $0x80, s23, s9, $0xb8;
	[tilespmem:$0x1D280] =	vst v63  }
0xc5: {  	_ =	swait.ge [sflag:s31], $0x2000  }
0xc6: {  	[sflag:s31] =	ssyncset.done $0x0  }
0xc7: {  	s25 =	rddreg [dreg:$0x15];
	[sflag:s31] =	ssyncadd.s32 $0xFFFFE000  }
0xc8: {  	[tilespmem:s1], [sflag:$0x1] =	stream.indirect.gather [hbm4b:s15+s9], $0x80, s25, s9, $0xb8;
	[tilespmem:$0x1D280] =	vst v63  }
0xc9: {  	_ =	swait.ge [sflag:s18], $0x2000  }
0xca: {  	[sflag:s18] =	ssyncset.done $0x0  }
0xcb: {  	s26 =	rddreg [dreg:$0x16];
	[sflag:s18] =	ssyncadd.s32 $0xFFFFE000  }
0xcc: {  	[tilespmem:s10], [sflag:$0x3] =	stream.indirect.gather [hbm4b:s17+s9], $0x80, s26, s9, $0xb8;
	[tilespmem:$0x1D280] =	vst v63  }
0xcd: {  	_ =	swait.ge [sflag:s11], $0x2000  }
0xce: {  	[sflag:s11] =	ssyncset.done $0x0  }
0xcf: {  	s28 =	rddreg [dreg:$0x17];
	[sflag:s11] =	ssyncadd.s32 $0xFFFFE000  }
0xd0: {  	[spmem:s2] =	stream.indirect.scatter.add.f32 [tilespmem:s1], [sflag:$0x5], $0x80, s28, s9, $0xb8;
	[tilespmem:$0x1D280] =	vst v63  }
0xd1: {  	_ =	swait.ge [sflag:s12], $0x2000  }
0xd2: {  	[sflag:s12] =	ssyncset.done $0x0  }
0xd3: {  	s29 =	rddreg [dreg:$0x18];
	[sflag:s12] =	ssyncadd.s32 $0xFFFFE000  }
0xd4: {  	[spmem:s3] =	stream.indirect.scatter.add.f32 [tilespmem:s10], [sflag:$0x7], $0x80, s29, s9, $0xb8;
	[tilespmem:$0x1D280] =	vst v63  }
0xd5: {  	_ =	swait.ge [sflag:s19], $0x2000  }
0xd6: {  	[sflag:s19] =	ssyncset.done $0x0  }
0xd7: {  	s23 =	rddreg [dreg:$0x19];
	[sflag:s19] =	ssyncadd.s32 $0xFFFFE000  }
0xd8: {  	[tilespmem:s13], [sflag:$0x2] =	stream.indirect.gather [hbm4b:s15+s9], $0x80, s23, s9, $0xb8;
	[tilespmem:$0x1D280] =	vst v63  }
0xd9: {  	_ =	swait.ge [sflag:s20], $0x2000  }
0xda: {  	[sflag:s20] =	ssyncset.done $0x0  }
0xdb: {  	s25 =	rddreg [dreg:$0x1a];
	[sflag:s20] =	ssyncadd.s32 $0xFFFFE000  }
0xdc: {  	[tilespmem:s14], [sflag:$0x4] =	stream.indirect.gather [hbm4b:s17+s9], $0x80, s25, s9, $0xb8;
	[tilespmem:$0x1D280] =	vst v63  }
0xdd: {  	_ =	swait.ge [sflag:s16], $0x2000  }
0xde: {  	[sflag:s16] =	ssyncset.done $0x0  }
0xdf: {  	s26 =	rddreg [dreg:$0x1b];
	[sflag:s16] =	ssyncadd.s32 $0xFFFFE000  }
0xe0: {  	[spmem:s2] =	stream.indirect.scatter.add.f32 [tilespmem:s13], [sflag:$0x6], $0x80, s26, s9, $0xb8;
	[tilespmem:$0x1D280] =	vst v63  }
0xe1: {  	_ =	swait.ge [sflag:s30], $0x2000  }
0xe2: {  	[sflag:s30] =	ssyncset.done $0x0  }
0xe3: {  	s28 =	rddreg [dreg:$0x1c];
	[sflag:s30] =	ssyncadd.s32 $0xFFFFE000  }
0xe4: {  	[spmem:s3] =	stream.indirect.scatter.add.f32 [tilespmem:s14], [sflag:$0x8], $0x80, s28, s9, $0xb8;
	[tilespmem:$0x1D280] =	vst v63  }
0xe5: {  	_ =	swait.ge [sflag:s31], $0x2000  }
0xe6: {  	[sflag:s31] =	ssyncset.done $0x0  }
0xe7: {  	s29 =	rddreg [dreg:$0x1d];
	[sflag:s31] =	ssyncadd.s32 $0xFFFFE000  }
0xe8: {  	[tilespmem:s1], [sflag:$0x1] =	stream.indirect.gather [hbm4b:s15+s9], $0x80, s29, s9, $0xb8;
	[tilespmem:$0x1D280] =	vst v63  }
0xe9: {  	_ =	swait.ge [sflag:s18], $0x2000  }
0xea: {  	[sflag:s18] =	ssyncset.done $0x0  }
0xeb: {  	s23 =	rddreg [dreg:$0x1e];
	[sflag:s18] =	ssyncadd.s32 $0xFFFFE000  }
0xec: {  	[tilespmem:s10], [sflag:$0x3] =	stream.indirect.gather [hbm4b:s17+s9], $0x80, s23, s9, $0xb8;
	[tilespmem:$0x1D280] =	vst v63  }
0xed: {  	_ =	swait.ge [sflag:s11], $0x2000  }
0xee: {  	[sflag:s11] =	ssyncset.done $0x0  }
0xef: {  	s25 =	rddreg [dreg:$0x1f];
	[sflag:s11] =	ssyncadd.s32 $0xFFFFE000  }
0xf0: {  	[spmem:s2] =	stream.indirect.scatter.add.f32 [tilespmem:s1], [sflag:$0x5], $0x80, s25, s9, $0xb8;
	[tilespmem:$0x1D280] =	vst v63  }
0xf1: {  	_ =	swait.ge [sflag:s12], $0x2000  }
0xf2: {  	s26 =	sld [smem:$0x7E5]  }
0xf3: {  	[sflag:s12] =	ssyncset.done $0x0  }
0xf4: {  	[sflag:s12] =	ssyncadd.s32 $0xFFFFE000  }
0xf5: {  	[spmem:s3] =	stream.indirect.scatter.add.f32 [tilespmem:s10], [sflag:$0x7], $0x80, s26, s9, $0xb8;
	[tilespmem:$0x1D280] =	vst v63  }
0xf6: {  	_ =	swait.ge [sflag:s19], $0x2000  }
0xf7: {  	s28 =	sld [smem:$0x7E6]  }
0xf8: {  	[sflag:s19] =	ssyncset.done $0x0  }
0xf9: {  	[sflag:s19] =	ssyncadd.s32 $0xFFFFE000  }
0xfa: {  	[tilespmem:s13], [sflag:$0x2] =	stream.indirect.gather [hbm4b:s15+s9], $0x80, s28, s9, $0xb8;
	[tilespmem:$0x1D280] =	vst v63  }
0xfb: {  	_ =	swait.ge [sflag:s20], $0x2000  }
0xfc: {  	s29 =	sld [smem:$0x7EE]  }
0xfd: {  	[sflag:s20] =	ssyncset.done $0x0  }
0xfe: {  	[sflag:s20] =	ssyncadd.s32 $0xFFFFE000  }
0xff: {  	[tilespmem:s14], [sflag:$0x4] =	stream.indirect.gather [hbm4b:s17+s9], $0x80, s29, s9, $0xb8;
	[tilespmem:$0x1D280] =	vst v63  }
0x100: {  	_ =	swait.ge [sflag:s16], $0x2000  }
0x101: {  	[sflag:s16] =	ssyncset.done $0x0  }
0x102: {  	[sflag:s16] =	ssyncadd.s32 $0xFFFFE000  }
0x103: {  	[spmem:s2] =	stream.indirect.scatter.add.f32 [tilespmem:s13], [sflag:$0x6], $0x80, s21, s9, $0xb8;
	[tilespmem:$0x1D280] =	vst v63  }
0x104: {  	_ =	swait.ge [sflag:s30], $0x2000  }
0x105: {  	[sflag:s30] =	ssyncset.done $0x0  }
0x106: {  	[sflag:s30] =	ssyncadd.s32 $0xFFFFE000  }
0x107: {  	[spmem:s3] =	stream.indirect.scatter.add.f32 [tilespmem:s14], [sflag:$0x8], $0x80, s22, s9, $0xb8;
	[tilespmem:$0x1D280] =	vst v63  }
0x108: {  	_ =	swait.ge [sflag:s31], $0x2000  }
0x109: {  	[sflag:s31] =	ssyncset.done $0x0  }
0x10a: {  	[sflag:s31] =	ssyncadd.s32 $0xFFFFE000  }
0x10b: {  	_ =	swait.ge [sflag:s18], $0x2000  }
0x10c: {  	[sflag:s18] =	ssyncset.done $0x0  }
0x10d: {  	[sflag:s18] =	ssyncadd.s32 $0xFFFFE000  }
0x10e: {  	_ =	swait.ge [sflag:s19], $0x2000  }
0x10f: {  	[sflag:s19] =	ssyncset.done $0x0  }
0x110: {  	[sflag:s19] =	ssyncadd.s32 $0xFFFFE000  }
0x111: {  	s24 =	simm.s32 $0x80;
	_ =	swait.ge [sflag:s20], $0x2000  }
0x112: {  	s25 =	simm.s32 $0x100;
	s26 =	rddreg [dreg:$0x8];
	[sflag:s20] =	ssyncset.done $0x0  }
.LBB2_2:
0x113: {  	[sflag:s20] =	ssyncadd.s32 $0xFFFFE000;
	s26 =	sadd.s32 s24, s26  }
0x114: {  	[tilespmem:s5], [sflag:$0x9] =	stream.linear.gather [hbm4b:s26+s4], $0x400, $0x38;
	[tilespmem:$0x1D280] =	vst v63  }
0x115: {  	_ =	swait.ge [sflag:s0], $0x400  }
0x116: {  	s29 =	rddreg [dreg:$0x7];
	[sflag:s0] =	ssyncset.done $0x0  }
0x117: {  	[sflag:s0] =	ssyncadd.s32 $0xFFFFFC00;
	s26 =	sadd.s32 s24, s29  }
0x118: {  	[tilespmem:s6], [sflag:$0x9] =	stream.linear.gather [hbm4b:s26+s4], $0x400, $0x38;
	[tilespmem:$0x1D280] =	vst v63  }
0x119: {  	_ =	swait.ge [sflag:s0], $0x400  }
0x11a: {  	s23 =	rddreg [dreg:$0x6];
	[sflag:s0] =	ssyncset.done $0x0  }
0x11b: {  	[sflag:s0] =	ssyncadd.s32 $0xFFFFFC00;
	s26 =	sadd.s32 s24, s23  }
0x11c: {  	[tilespmem:s7], [sflag:$0x9] =	stream.linear.gather [hbm4b:s26+s4], $0x400, $0x38;
	[tilespmem:$0x1D280] =	vst v63  }
0x11d: {  	_ =	swait.ge [sflag:s0], $0x400  }
0x11e: {  	s29 =	rddreg [dreg:$0x5];
	[sflag:s0] =	ssyncset.done $0x0  }
0x11f: {  	[sflag:s0] =	ssyncadd.s32 $0xFFFFFC00;
	s26 =	sadd.s32 s24, s29  }
0x120: {  	[tilespmem:s8], [sflag:$0x9] =	stream.linear.gather [hbm4b:s26+s4], $0x400, $0x38;
	[tilespmem:$0x1D280] =	vst v63  }
0x121: {  	_ =	swait.ge [sflag:s0], $0x400  }
0x122: {  	[sflag:s0] =	ssyncset.done $0x0  }
0x123: {  	[sflag:s0] =	ssyncadd.s32 $0xFFFFFC00  }
0x124: {  	[tilespmem:s1], [sflag:$0x1] =	stream.indirect.gather [hbm4b:s15+s9], $0x80, s5, s9, $0xb8;
	[tilespmem:$0x1D280] =	vst v63  }
0x125: {  	_ = 	snop  }
0x126: {  	[tilespmem:s10], [sflag:$0x3] =	stream.indirect.gather [hbm4b:s17+s9], $0x80, s8, s9, $0xb8;
	[tilespmem:$0x1D280] =	vst v63  }
0x127: {  	_ =	swait.ge [sflag:s11], $0x2000  }
0x128: {  	[sflag:s11] =	ssyncset.done $0x0  }
0x129: {  	[sflag:s11] =	ssyncadd.s32 $0xFFFFE000  }
0x12a: {  	[spmem:s2] =	stream.indirect.scatter.add.f32 [tilespmem:s1], [sflag:$0x5], $0x80, s6, s9, $0xb8;
	[tilespmem:$0x1D280] =	vst v63  }
0x12b: {  	_ =	swait.ge [sflag:s12], $0x2000  }
0x12c: {  	[sflag:s12] =	ssyncset.done $0x0  }
0x12d: {  	[sflag:s12] =	ssyncadd.s32 $0xFFFFE000  }
0x12e: {  	[spmem:s3] =	stream.indirect.scatter.add.f32 [tilespmem:s10], [sflag:$0x7], $0x80, s7, s9, $0xb8;
	[tilespmem:$0x1D280] =	vst v63  }
0x12f: {  	s23 =	rddreg [dreg:$0x9]  }
0x130: {  	[tilespmem:s13], [sflag:$0x2] =	stream.indirect.gather [hbm4b:s15+s9], $0x80, s23, s9, $0xb8;
	[tilespmem:$0x1D280] =	vst v63  }
0x131: {  	s29 =	rddreg [dreg:$0xa]  }
0x132: {  	[tilespmem:s14], [sflag:$0x4] =	stream.indirect.gather [hbm4b:s17+s9], $0x80, s29, s9, $0xb8;
	[tilespmem:$0x1D280] =	vst v63  }
0x133: {  	_ =	swait.ge [sflag:s16], $0x2000  }
0x134: {  	[sflag:s16] =	ssyncset.done $0x0  }
0x135: {  	s23 =	rddreg [dreg:$0xb];
	[sflag:s16] =	ssyncadd.s32 $0xFFFFE000  }
0x136: {  	[spmem:s2] =	stream.indirect.scatter.add.f32 [tilespmem:s13], [sflag:$0x6], $0x80, s23, s9, $0xb8;
	[tilespmem:$0x1D280] =	vst v63  }
0x137: {  	_ =	swait.ge [sflag:s30], $0x2000  }
0x138: {  	s28 =	smov.u32 s25;
	[sflag:s30] =	ssyncset.done $0x0  }
0x139: {  	s24 =	smov.u32 s28;
	s28 =	rddreg [dreg:$0xc];
	[sflag:s30] =	ssyncadd.s32 $0xFFFFE000  }
0x13a: {  	[spmem:s3] =	stream.indirect.scatter.add.f32 [tilespmem:s14], [sflag:$0x8], $0x80, s28, s9, $0xb8;
	[tilespmem:$0x1D280] =	vst v63  }
0x13b: {  	_ =	swait.ge [sflag:s31], $0x2000  }
0x13c: {  	[sflag:s31] =	ssyncset.done $0x0  }
0x13d: {  	s29 =	rddreg [dreg:$0xd];
	[sflag:s31] =	ssyncadd.s32 $0xFFFFE000  }
0x13e: {  	[tilespmem:s1], [sflag:$0x1] =	stream.indirect.gather [hbm4b:s15+s9], $0x80, s29, s9, $0xb8;
	[tilespmem:$0x1D280] =	vst v63  }
0x13f: {  	_ =	swait.ge [sflag:s18], $0x2000  }
0x140: {  	[sflag:s18] =	ssyncset.done $0x0  }
0x141: {  	s23 =	rddreg [dreg:$0xe];
	[sflag:s18] =	ssyncadd.s32 $0xFFFFE000  }
0x142: {  	[tilespmem:s10], [sflag:$0x3] =	stream.indirect.gather [hbm4b:s17+s9], $0x80, s23, s9, $0xb8;
	[tilespmem:$0x1D280] =	vst v63  }
0x143: {  	_ =	swait.ge [sflag:s11], $0x2000  }
0x144: {  	[sflag:s11] =	ssyncset.done $0x0  }
0x145: {  	s28 =	rddreg [dreg:$0xf];
	[sflag:s11] =	ssyncadd.s32 $0xFFFFE000  }
0x146: {  	[spmem:s2] =	stream.indirect.scatter.add.f32 [tilespmem:s1], [sflag:$0x5], $0x80, s28, s9, $0xb8;
	[tilespmem:$0x1D280] =	vst v63  }
0x147: {  	_ =	swait.ge [sflag:s12], $0x2000  }
0x148: {  	[sflag:s12] =	ssyncset.done $0x0  }
0x149: {  	s29 =	rddreg [dreg:$0x10];
	[sflag:s12] =	ssyncadd.s32 $0xFFFFE000  }
0x14a: {  	[spmem:s3] =	stream.indirect.scatter.add.f32 [tilespmem:s10], [sflag:$0x7], $0x80, s29, s9, $0xb8;
	[tilespmem:$0x1D280] =	vst v63  }
0x14b: {  	_ =	swait.ge [sflag:s19], $0x2000  }
0x14c: {  	[sflag:s19] =	ssyncset.done $0x0  }
0x14d: {  	s23 =	rddreg [dreg:$0x11];
	[sflag:s19] =	ssyncadd.s32 $0xFFFFE000  }
0x14e: {  	[tilespmem:s13], [sflag:$0x2] =	stream.indirect.gather [hbm4b:s15+s9], $0x80, s23, s9, $0xb8;
	[tilespmem:$0x1D280] =	vst v63  }
0x14f: {  	_ =	swait.ge [sflag:s20], $0x2000  }
0x150: {  	[sflag:s20] =	ssyncset.done $0x0  }
0x151: {  	s28 =	rddreg [dreg:$0x12];
	[sflag:s20] =	ssyncadd.s32 $0xFFFFE000  }
0x152: {  	[tilespmem:s14], [sflag:$0x4] =	stream.indirect.gather [hbm4b:s17+s9], $0x80, s28, s9, $0xb8;
	[tilespmem:$0x1D280] =	vst v63  }
0x153: {  	_ =	swait.ge [sflag:s16], $0x2000  }
0x154: {  	[sflag:s16] =	ssyncset.done $0x0  }
0x155: {  	s29 =	rddreg [dreg:$0x13];
	[sflag:s16] =	ssyncadd.s32 $0xFFFFE000  }
0x156: {  	[spmem:s2] =	stream.indirect.scatter.add.f32 [tilespmem:s13], [sflag:$0x6], $0x80, s29, s9, $0xb8;
	[tilespmem:$0x1D280] =	vst v63  }
0x157: {  	_ =	swait.ge [sflag:s30], $0x2000  }
0x158: {  	[sflag:s30] =	ssyncset.done $0x0  }
0x159: {  	s23 =	rddreg [dreg:$0x14];
	[sflag:s30] =	ssyncadd.s32 $0xFFFFE000  }
0x15a: {  	[spmem:s3] =	stream.indirect.scatter.add.f32 [tilespmem:s14], [sflag:$0x8], $0x80, s23, s9, $0xb8;
	[tilespmem:$0x1D280] =	vst v63  }
0x15b: {  	_ =	swait.ge [sflag:s31], $0x2000  }
0x15c: {  	[sflag:s31] =	ssyncset.done $0x0  }
0x15d: {  	s28 =	rddreg [dreg:$0x15];
	[sflag:s31] =	ssyncadd.s32 $0xFFFFE000  }
0x15e: {  	[tilespmem:s1], [sflag:$0x1] =	stream.indirect.gather [hbm4b:s15+s9], $0x80, s28, s9, $0xb8;
	[tilespmem:$0x1D280] =	vst v63  }
0x15f: {  	_ =	swait.ge [sflag:s18], $0x2000  }
0x160: {  	[sflag:s18] =	ssyncset.done $0x0  }
0x161: {  	s29 =	rddreg [dreg:$0x16];
	[sflag:s18] =	ssyncadd.s32 $0xFFFFE000  }
0x162: {  	[tilespmem:s10], [sflag:$0x3] =	stream.indirect.gather [hbm4b:s17+s9], $0x80, s29, s9, $0xb8;
	[tilespmem:$0x1D280] =	vst v63  }
0x163: {  	_ =	swait.ge [sflag:s11], $0x2000  }
0x164: {  	[sflag:s11] =	ssyncset.done $0x0  }
0x165: {  	s23 =	rddreg [dreg:$0x17];
	[sflag:s11] =	ssyncadd.s32 $0xFFFFE000  }
0x166: {  	[spmem:s2] =	stream.indirect.scatter.add.f32 [tilespmem:s1], [sflag:$0x5], $0x80, s23, s9, $0xb8;
	[tilespmem:$0x1D280] =	vst v63  }
0x167: {  	_ =	swait.ge [sflag:s12], $0x2000  }
0x168: {  	[sflag:s12] =	ssyncset.done $0x0  }
0x169: {  	s28 =	rddreg [dreg:$0x18];
	[sflag:s12] =	ssyncadd.s32 $0xFFFFE000  }
0x16a: {  	[spmem:s3] =	stream.indirect.scatter.add.f32 [tilespmem:s10], [sflag:$0x7], $0x80, s28, s9, $0xb8;
	[tilespmem:$0x1D280] =	vst v63  }
0x16b: {  	_ =	swait.ge [sflag:s19], $0x2000  }
0x16c: {  	[sflag:s19] =	ssyncset.done $0x0  }
0x16d: {  	s29 =	rddreg [dreg:$0x19];
	[sflag:s19] =	ssyncadd.s32 $0xFFFFE000  }
0x16e: {  	[tilespmem:s13], [sflag:$0x2] =	stream.indirect.gather [hbm4b:s15+s9], $0x80, s29, s9, $0xb8;
	[tilespmem:$0x1D280] =	vst v63  }
0x16f: {  	_ =	swait.ge [sflag:s20], $0x2000  }
0x170: {  	[sflag:s20] =	ssyncset.done $0x0  }
0x171: {  	s23 =	rddreg [dreg:$0x1a];
	[sflag:s20] =	ssyncadd.s32 $0xFFFFE000  }
0x172: {  	[tilespmem:s14], [sflag:$0x4] =	stream.indirect.gather [hbm4b:s17+s9], $0x80, s23, s9, $0xb8;
	[tilespmem:$0x1D280] =	vst v63  }
0x173: {  	_ =	swait.ge [sflag:s16], $0x2000  }
0x174: {  	[sflag:s16] =	ssyncset.done $0x0  }
0x175: {  	s28 =	rddreg [dreg:$0x1b];
	[sflag:s16] =	ssyncadd.s32 $0xFFFFE000  }
0x176: {  	[spmem:s2] =	stream.indirect.scatter.add.f32 [tilespmem:s13], [sflag:$0x6], $0x80, s28, s9, $0xb8;
	[tilespmem:$0x1D280] =	vst v63  }
0x177: {  	_ =	swait.ge [sflag:s30], $0x2000  }
0x178: {  	[sflag:s30] =	ssyncset.done $0x0  }
0x179: {  	s29 =	rddreg [dreg:$0x1c];
	[sflag:s30] =	ssyncadd.s32 $0xFFFFE000  }
0x17a: {  	[spmem:s3] =	stream.indirect.scatter.add.f32 [tilespmem:s14], [sflag:$0x8], $0x80, s29, s9, $0xb8;
	[tilespmem:$0x1D280] =	vst v63  }
0x17b: {  	_ =	swait.ge [sflag:s31], $0x2000  }
0x17c: {  	[sflag:s31] =	ssyncset.done $0x0  }
0x17d: {  	s23 =	rddreg [dreg:$0x1d];
	[sflag:s31] =	ssyncadd.s32 $0xFFFFE000  }
0x17e: {  	[tilespmem:s1], [sflag:$0x1] =	stream.indirect.gather [hbm4b:s15+s9], $0x80, s23, s9, $0xb8;
	[tilespmem:$0x1D280] =	vst v63  }
0x17f: {  	_ =	swait.ge [sflag:s18], $0x2000  }
0x180: {  	[sflag:s18] =	ssyncset.done $0x0  }
0x181: {  	s28 =	rddreg [dreg:$0x1e];
	[sflag:s18] =	ssyncadd.s32 $0xFFFFE000  }
0x182: {  	[tilespmem:s10], [sflag:$0x3] =	stream.indirect.gather [hbm4b:s17+s9], $0x80, s28, s9, $0xb8;
	[tilespmem:$0x1D280] =	vst v63  }
0x183: {  	_ =	swait.ge [sflag:s11], $0x2000  }
0x184: {  	[sflag:s11] =	ssyncset.done $0x0  }
0x185: {  	s29 =	rddreg [dreg:$0x1f];
	[sflag:s11] =	ssyncadd.s32 $0xFFFFE000  }
0x186: {  	[spmem:s2] =	stream.indirect.scatter.add.f32 [tilespmem:s1], [sflag:$0x5], $0x80, s29, s9, $0xb8;
	[tilespmem:$0x1D280] =	vst v63  }
0x187: {  	_ =	swait.ge [sflag:s12], $0x2000  }
0x188: {  	s23 =	sld [smem:$0x7E5]  }
0x189: {  	[sflag:s12] =	ssyncset.done $0x0  }
0x18a: {  	[sflag:s12] =	ssyncadd.s32 $0xFFFFE000  }
0x18b: {  	[spmem:s3] =	stream.indirect.scatter.add.f32 [tilespmem:s10], [sflag:$0x7], $0x80, s23, s9, $0xb8;
	[tilespmem:$0x1D280] =	vst v63  }
0x18c: {  	_ =	swait.ge [sflag:s19], $0x2000  }
0x18d: {  	s28 =	sld [smem:$0x7E6]  }
0x18e: {  	[sflag:s19] =	ssyncset.done $0x0  }
0x18f: {  	[sflag:s19] =	ssyncadd.s32 $0xFFFFE000  }
0x190: {  	[tilespmem:s13], [sflag:$0x2] =	stream.indirect.gather [hbm4b:s15+s9], $0x80, s28, s9, $0xb8;
	[tilespmem:$0x1D280] =	vst v63  }
0x191: {  	_ =	swait.ge [sflag:s20], $0x2000  }
0x192: {  	s29 =	sld [smem:$0x7EE]  }
0x193: {  	[sflag:s20] =	ssyncset.done $0x0  }
0x194: {  	[sflag:s20] =	ssyncadd.s32 $0xFFFFE000  }
0x195: {  	[tilespmem:s14], [sflag:$0x4] =	stream.indirect.gather [hbm4b:s17+s9], $0x80, s29, s9, $0xb8;
	[tilespmem:$0x1D280] =	vst v63  }
0x196: {  	_ =	swait.ge [sflag:s16], $0x2000  }
0x197: {  	[sflag:s16] =	ssyncset.done $0x0  }
0x198: {  	[sflag:s16] =	ssyncadd.s32 $0xFFFFE000  }
0x199: {  	[spmem:s2] =	stream.indirect.scatter.add.f32 [tilespmem:s13], [sflag:$0x6], $0x80, s21, s9, $0xb8;
	[tilespmem:$0x1D280] =	vst v63  }
0x19a: {  	_ =	swait.ge [sflag:s30], $0x2000  }
0x19b: {  	[sflag:s30] =	ssyncset.done $0x0  }
0x19c: {  	[sflag:s30] =	ssyncadd.s32 $0xFFFFE000  }
0x19d: {  	[spmem:s3] =	stream.indirect.scatter.add.f32 [tilespmem:s14], [sflag:$0x8], $0x80, s22, s9, $0xb8;
	[tilespmem:$0x1D280] =	vst v63  }
0x19e: {  	_ =	swait.ge [sflag:s31], $0x2000  }
0x19f: {  	[sflag:s31] =	ssyncset.done $0x0  }
0x1a0: {  	[sflag:s31] =	ssyncadd.s32 $0xFFFFE000  }
0x1a1: {  	_ =	swait.ge [sflag:s18], $0x2000  }
0x1a2: {  	[sflag:s18] =	ssyncset.done $0x0  }
0x1a3: {  	p1 =	sne.s32 s25, $0x980;
	[sflag:s18] =	ssyncadd.s32 $0xFFFFE000  }
.Ltmp0:
0x1a4: {  	_ =	swait.ge [sflag:s19], $0x2000;
	(pc) =	sbr.rel @p1 .LBB2_2-.Ltmp0, $4  }
0x1a5: {  	[sflag:s19] =	ssyncset.done $0x0  }
0x1a6: {  	[sflag:s19] =	ssyncadd.s32 $0xFFFFE000  }
0x1a7: {  	_ =	swait.ge [sflag:s20], $0x2000  }
0x1a8: {  	s25 =	sadd.s32 $0x80, s25;
	s26 =	rddreg [dreg:$0x8];
	[sflag:s20] =	ssyncset.done $0x0  }
0x1a9: {  	[sflag:s20] =	ssyncadd.s32 $0xFFFFE000;
	s25 =	sadd.s32 s24, s26  }
0x1aa: {  	[tilespmem:s5], [sflag:$0x9] =	stream.linear.gather [hbm4b:s25+s4], $0x400, $0x38;
	[tilespmem:$0x1D280] =	vst v63  }
0x1ab: {  	_ =	swait.ge [sflag:s0], $0x400  }
0x1ac: {  	s26 =	rddreg [dreg:$0x7];
	[sflag:s0] =	ssyncset.done $0x0  }
0x1ad: {  	[sflag:s0] =	ssyncadd.s32 $0xFFFFFC00;
	s25 =	sadd.s32 s24, s26  }
0x1ae: {  	[tilespmem:s6], [sflag:$0x9] =	stream.linear.gather [hbm4b:s25+s4], $0x400, $0x38;
	[tilespmem:$0x1D280] =	vst v63  }
0x1af: {  	_ =	swait.ge [sflag:s0], $0x400  }
0x1b0: {  	s23 =	rddreg [dreg:$0x6];
	[sflag:s0] =	ssyncset.done $0x0  }
0x1b1: {  	[sflag:s0] =	ssyncadd.s32 $0xFFFFFC00;
	s25 =	sadd.s32 s24, s23  }
0x1b2: {  	[tilespmem:s7], [sflag:$0x9] =	stream.linear.gather [hbm4b:s25+s4], $0x400, $0x38;
	[tilespmem:$0x1D280] =	vst v63  }
0x1b3: {  	_ =	swait.ge [sflag:s0], $0x400  }
0x1b4: {  	s26 =	rddreg [dreg:$0x5];
	[sflag:s0] =	ssyncset.done $0x0  }
0x1b5: {  	[sflag:s0] =	ssyncadd.s32 $0xFFFFFC00;
	s23 =	sadd.s32 s24, s26  }
0x1b6: {  	[tilespmem:s8], [sflag:$0x9] =	stream.linear.gather [hbm4b:s23+s4], $0x400, $0x38;
	[tilespmem:$0x1D280] =	vst v63  }
0x1b7: {  	_ =	swait.ge [sflag:s0], $0x400  }
0x1b8: {  	[sflag:s0] =	ssyncset.done $0x0  }
0x1b9: {  	[sflag:s0] =	ssyncadd.s32 $0xFFFFFC00  }
0x1ba: {  	[tilespmem:s1], [sflag:$0x1] =	stream.indirect.gather [hbm4b:s15+s9], $0x80, s5, s9, $0xb8;
	[tilespmem:$0x1D280] =	vst v63  }
0x1bb: {  	_ = 	snop  }
0x1bc: {  	[tilespmem:s10], [sflag:$0x3] =	stream.indirect.gather [hbm4b:s17+s9], $0x80, s8, s9, $0xb8;
	[tilespmem:$0x1D280] =	vst v63  }
0x1bd: {  	_ =	swait.ge [sflag:s11], $0x2000  }
0x1be: {  	[sflag:s11] =	ssyncset.done $0x0  }
0x1bf: {  	[sflag:s11] =	ssyncadd.s32 $0xFFFFE000  }
0x1c0: {  	[spmem:s2] =	stream.indirect.scatter.add.f32 [tilespmem:s1], [sflag:$0x5], $0x80, s6, s9, $0xb8;
	[tilespmem:$0x1D280] =	vst v63  }
0x1c1: {  	_ =	swait.ge [sflag:s12], $0x2000  }
0x1c2: {  	[sflag:s12] =	ssyncset.done $0x0  }
0x1c3: {  	[sflag:s12] =	ssyncadd.s32 $0xFFFFE000  }
0x1c4: {  	[spmem:s3] =	stream.indirect.scatter.add.f32 [tilespmem:s10], [sflag:$0x7], $0x80, s7, s9, $0xb8;
	[tilespmem:$0x1D280] =	vst v63  }
0x1c5: {  	s25 =	rddreg [dreg:$0x9]  }
0x1c6: {  	[tilespmem:s13], [sflag:$0x2] =	stream.indirect.gather [hbm4b:s15+s9], $0x80, s25, s9, $0xb8;
	[tilespmem:$0x1D280] =	vst v63  }
0x1c7: {  	s26 =	rddreg [dreg:$0xa]  }
0x1c8: {  	[tilespmem:s14], [sflag:$0x4] =	stream.indirect.gather [hbm4b:s17+s9], $0x80, s26, s9, $0xb8;
	[tilespmem:$0x1D280] =	vst v63  }
0x1c9: {  	_ =	swait.ge [sflag:s16], $0x2000  }
0x1ca: {  	[sflag:s16] =	ssyncset.done $0x0  }
0x1cb: {  	s23 =	rddreg [dreg:$0xb];
	[sflag:s16] =	ssyncadd.s32 $0xFFFFE000  }
0x1cc: {  	[spmem:s2] =	stream.indirect.scatter.add.f32 [tilespmem:s13], [sflag:$0x6], $0x80, s23, s9, $0xb8;
	[tilespmem:$0x1D280] =	vst v63  }
0x1cd: {  	_ =	swait.ge [sflag:s30], $0x2000  }
0x1ce: {  	[sflag:s30] =	ssyncset.done $0x0  }
0x1cf: {  	s25 =	rddreg [dreg:$0xc];
	[sflag:s30] =	ssyncadd.s32 $0xFFFFE000  }
0x1d0: {  	[spmem:s3] =	stream.indirect.scatter.add.f32 [tilespmem:s14], [sflag:$0x8], $0x80, s25, s9, $0xb8;
	[tilespmem:$0x1D280] =	vst v63  }
0x1d1: {  	_ =	swait.ge [sflag:s31], $0x2000  }
0x1d2: {  	[sflag:s31] =	ssyncset.done $0x0  }
0x1d3: {  	s26 =	rddreg [dreg:$0xd];
	[sflag:s31] =	ssyncadd.s32 $0xFFFFE000  }
0x1d4: {  	[tilespmem:s1], [sflag:$0x1] =	stream.indirect.gather [hbm4b:s15+s9], $0x80, s26, s9, $0xb8;
	[tilespmem:$0x1D280] =	vst v63  }
0x1d5: {  	_ =	swait.ge [sflag:s18], $0x2000  }
0x1d6: {  	[sflag:s18] =	ssyncset.done $0x0  }
0x1d7: {  	s23 =	rddreg [dreg:$0xe];
	[sflag:s18] =	ssyncadd.s32 $0xFFFFE000  }
0x1d8: {  	[tilespmem:s10], [sflag:$0x3] =	stream.indirect.gather [hbm4b:s17+s9], $0x80, s23, s9, $0xb8;
	[tilespmem:$0x1D280] =	vst v63  }
0x1d9: {  	_ =	swait.ge [sflag:s11], $0x2000  }
0x1da: {  	[sflag:s11] =	ssyncset.done $0x0  }
0x1db: {  	s25 =	rddreg [dreg:$0xf];
	[sflag:s11] =	ssyncadd.s32 $0xFFFFE000  }
0x1dc: {  	[spmem:s2] =	stream.indirect.scatter.add.f32 [tilespmem:s1], [sflag:$0x5], $0x80, s25, s9, $0xb8;
	[tilespmem:$0x1D280] =	vst v63  }
0x1dd: {  	_ =	swait.ge [sflag:s12], $0x2000  }
0x1de: {  	[sflag:s12] =	ssyncset.done $0x0  }
0x1df: {  	s26 =	rddreg [dreg:$0x10];
	[sflag:s12] =	ssyncadd.s32 $0xFFFFE000  }
0x1e0: {  	[spmem:s3] =	stream.indirect.scatter.add.f32 [tilespmem:s10], [sflag:$0x7], $0x80, s26, s9, $0xb8;
	[tilespmem:$0x1D280] =	vst v63  }
0x1e1: {  	_ =	swait.ge [sflag:s19], $0x2000  }
0x1e2: {  	[sflag:s19] =	ssyncset.done $0x0  }
0x1e3: {  	s23 =	rddreg [dreg:$0x11];
	[sflag:s19] =	ssyncadd.s32 $0xFFFFE000  }
0x1e4: {  	[tilespmem:s13], [sflag:$0x2] =	stream.indirect.gather [hbm4b:s15+s9], $0x80, s23, s9, $0xb8;
	[tilespmem:$0x1D280] =	vst v63  }
0x1e5: {  	_ =	swait.ge [sflag:s20], $0x2000  }
0x1e6: {  	[sflag:s20] =	ssyncset.done $0x0  }
0x1e7: {  	s25 =	rddreg [dreg:$0x12];
	[sflag:s20] =	ssyncadd.s32 $0xFFFFE000  }
0x1e8: {  	[tilespmem:s14], [sflag:$0x4] =	stream.indirect.gather [hbm4b:s17+s9], $0x80, s25, s9, $0xb8;
	[tilespmem:$0x1D280] =	vst v63  }
0x1e9: {  	_ =	swait.ge [sflag:s16], $0x2000  }
0x1ea: {  	[sflag:s16] =	ssyncset.done $0x0  }
0x1eb: {  	s26 =	rddreg [dreg:$0x13];
	[sflag:s16] =	ssyncadd.s32 $0xFFFFE000  }
0x1ec: {  	[spmem:s2] =	stream.indirect.scatter.add.f32 [tilespmem:s13], [sflag:$0x6], $0x80, s26, s9, $0xb8;
	[tilespmem:$0x1D280] =	vst v63  }
0x1ed: {  	_ =	swait.ge [sflag:s30], $0x2000  }
0x1ee: {  	[sflag:s30] =	ssyncset.done $0x0  }
0x1ef: {  	s23 =	rddreg [dreg:$0x14];
	[sflag:s30] =	ssyncadd.s32 $0xFFFFE000  }
0x1f0: {  	[spmem:s3] =	stream.indirect.scatter.add.f32 [tilespmem:s14], [sflag:$0x8], $0x80, s23, s9, $0xb8;
	[tilespmem:$0x1D280] =	vst v63  }
0x1f1: {  	_ =	swait.ge [sflag:s31], $0x2000  }
0x1f2: {  	[sflag:s31] =	ssyncset.done $0x0  }
0x1f3: {  	s25 =	rddreg [dreg:$0x15];
	[sflag:s31] =	ssyncadd.s32 $0xFFFFE000  }
0x1f4: {  	[tilespmem:s1], [sflag:$0x1] =	stream.indirect.gather [hbm4b:s15+s9], $0x80, s25, s9, $0xb8;
	[tilespmem:$0x1D280] =	vst v63  }
0x1f5: {  	_ =	swait.ge [sflag:s18], $0x2000  }
0x1f6: {  	[sflag:s18] =	ssyncset.done $0x0  }
0x1f7: {  	s26 =	rddreg [dreg:$0x16];
	[sflag:s18] =	ssyncadd.s32 $0xFFFFE000  }
0x1f8: {  	[tilespmem:s10], [sflag:$0x3] =	stream.indirect.gather [hbm4b:s17+s9], $0x80, s26, s9, $0xb8;
	[tilespmem:$0x1D280] =	vst v63  }
0x1f9: {  	_ =	swait.ge [sflag:s11], $0x2000  }
0x1fa: {  	[sflag:s11] =	ssyncset.done $0x0  }
0x1fb: {  	s23 =	rddreg [dreg:$0x17];
	[sflag:s11] =	ssyncadd.s32 $0xFFFFE000  }
0x1fc: {  	[spmem:s2] =	stream.indirect.scatter.add.f32 [tilespmem:s1], [sflag:$0x5], $0x80, s23, s9, $0xb8;
	[tilespmem:$0x1D280] =	vst v63  }
0x1fd: {  	_ =	swait.ge [sflag:s12], $0x2000  }
0x1fe: {  	[sflag:s12] =	ssyncset.done $0x0  }
0x1ff: {  	s25 =	rddreg [dreg:$0x18];
	[sflag:s12] =	ssyncadd.s32 $0xFFFFE000  }
0x200: {  	[spmem:s3] =	stream.indirect.scatter.add.f32 [tilespmem:s10], [sflag:$0x7], $0x80, s25, s9, $0xb8;
	[tilespmem:$0x1D280] =	vst v63  }
0x201: {  	_ =	swait.ge [sflag:s19], $0x2000  }
0x202: {  	[sflag:s19] =	ssyncset.done $0x0  }
0x203: {  	s26 =	rddreg [dreg:$0x19];
	[sflag:s19] =	ssyncadd.s32 $0xFFFFE000  }
0x204: {  	[tilespmem:s13], [sflag:$0x2] =	stream.indirect.gather [hbm4b:s15+s9], $0x80, s26, s9, $0xb8;
	[tilespmem:$0x1D280] =	vst v63  }
0x205: {  	_ =	swait.ge [sflag:s20], $0x2000  }
0x206: {  	[sflag:s20] =	ssyncset.done $0x0  }
0x207: {  	s23 =	rddreg [dreg:$0x1a];
	[sflag:s20] =	ssyncadd.s32 $0xFFFFE000  }
0x208: {  	[tilespmem:s14], [sflag:$0x4] =	stream.indirect.gather [hbm4b:s17+s9], $0x80, s23, s9, $0xb8;
	[tilespmem:$0x1D280] =	vst v63  }
0x209: {  	_ =	swait.ge [sflag:s16], $0x2000  }
0x20a: {  	[sflag:s16] =	ssyncset.done $0x0  }
0x20b: {  	s25 =	rddreg [dreg:$0x1b];
	[sflag:s16] =	ssyncadd.s32 $0xFFFFE000  }
0x20c: {  	[spmem:s2] =	stream.indirect.scatter.add.f32 [tilespmem:s13], [sflag:$0x6], $0x80, s25, s9, $0xb8;
	[tilespmem:$0x1D280] =	vst v63  }
0x20d: {  	_ =	swait.ge [sflag:s30], $0x2000  }
0x20e: {  	[sflag:s30] =	ssyncset.done $0x0  }
0x20f: {  	s26 =	rddreg [dreg:$0x1c];
	[sflag:s30] =	ssyncadd.s32 $0xFFFFE000  }
0x210: {  	[spmem:s3] =	stream.indirect.scatter.add.f32 [tilespmem:s14], [sflag:$0x8], $0x80, s26, s9, $0xb8;
	[tilespmem:$0x1D280] =	vst v63  }
0x211: {  	_ =	swait.ge [sflag:s31], $0x2000  }
0x212: {  	[sflag:s31] =	ssyncset.done $0x0  }
0x213: {  	s23 =	rddreg [dreg:$0x1d];
	[sflag:s31] =	ssyncadd.s32 $0xFFFFE000  }
0x214: {  	[tilespmem:s1], [sflag:$0x1] =	stream.indirect.gather [hbm4b:s15+s9], $0x80, s23, s9, $0xb8;
	[tilespmem:$0x1D280] =	vst v63  }
0x215: {  	_ =	swait.ge [sflag:s18], $0x2000  }
0x216: {  	[sflag:s18] =	ssyncset.done $0x0  }
0x217: {  	s25 =	rddreg [dreg:$0x1e];
	[sflag:s18] =	ssyncadd.s32 $0xFFFFE000  }
0x218: {  	[tilespmem:s10], [sflag:$0x3] =	stream.indirect.gather [hbm4b:s17+s9], $0x80, s25, s9, $0xb8;
	[tilespmem:$0x1D280] =	vst v63  }
0x219: {  	_ =	swait.ge [sflag:s11], $0x2000  }
0x21a: {  	[sflag:s11] =	ssyncset.done $0x0  }
0x21b: {  	s26 =	rddreg [dreg:$0x1f];
	[sflag:s11] =	ssyncadd.s32 $0xFFFFE000  }
0x21c: {  	[spmem:s2] =	stream.indirect.scatter.add.f32 [tilespmem:s1], [sflag:$0x5], $0x80, s26, s9, $0xb8;
	[tilespmem:$0x1D280] =	vst v63  }
0x21d: {  	_ =	swait.ge [sflag:s12], $0x2000  }
0x21e: {  	s23 =	sld [smem:$0x7E5]  }
0x21f: {  	[sflag:s12] =	ssyncset.done $0x0  }
0x220: {  	[sflag:s12] =	ssyncadd.s32 $0xFFFFE000  }
0x221: {  	[spmem:s3] =	stream.indirect.scatter.add.f32 [tilespmem:s10], [sflag:$0x7], $0x80, s23, s9, $0xb8;
	[tilespmem:$0x1D280] =	vst v63  }
0x222: {  	_ =	swait.ge [sflag:s19], $0x2000  }
0x223: {  	s25 =	sld [smem:$0x7E6]  }
0x224: {  	[sflag:s19] =	ssyncset.done $0x0  }
0x225: {  	[sflag:s19] =	ssyncadd.s32 $0xFFFFE000  }
0x226: {  	[tilespmem:s13], [sflag:$0x2] =	stream.indirect.gather [hbm4b:s15+s9], $0x80, s25, s9, $0xb8;
	[tilespmem:$0x1D280] =	vst v63  }
0x227: {  	_ =	swait.ge [sflag:s20], $0x2000  }
0x228: {  	s26 =	sld [smem:$0x7EE]  }
0x229: {  	[sflag:s20] =	ssyncset.done $0x0  }
0x22a: {  	[sflag:s20] =	ssyncadd.s32 $0xFFFFE000  }
0x22b: {  	[tilespmem:s14], [sflag:$0x4] =	stream.indirect.gather [hbm4b:s17+s9], $0x80, s26, s9, $0xb8;
	[tilespmem:$0x1D280] =	vst v63  }
0x22c: {  	_ =	swait.ge [sflag:s16], $0x2000  }
0x22d: {  	[sflag:s16] =	ssyncset.done $0x0  }
0x22e: {  	[sflag:s16] =	ssyncadd.s32 $0xFFFFE000  }
0x22f: {  	[spmem:s2] =	stream.indirect.scatter.add.f32 [tilespmem:s13], [sflag:$0x6], $0x80, s21, s9, $0xb8;
	[tilespmem:$0x1D280] =	vst v63  }
0x230: {  	_ =	swait.ge [sflag:s30], $0x2000  }
0x231: {  	[sflag:s30] =	ssyncset.done $0x0  }
0x232: {  	[sflag:s30] =	ssyncadd.s32 $0xFFFFE000  }
0x233: {  	[spmem:s3] =	stream.indirect.scatter.add.f32 [tilespmem:s14], [sflag:$0x8], $0x80, s22, s9, $0xb8;
	[tilespmem:$0x1D280] =	vst v63  }
0x234: {  	_ =	swait.ge [sflag:s31], $0x2000  }
0x235: {  	[sflag:s31] =	ssyncset.done $0x0  }
0x236: {  	[sflag:s31] =	ssyncadd.s32 $0xFFFFE000  }
0x237: {  	_ =	swait.ge [sflag:s18], $0x2000  }
0x238: {  	[sflag:s18] =	ssyncset.done $0x0  }
0x239: {  	[sflag:s18] =	ssyncadd.s32 $0xFFFFE000  }
0x23a: {  	_ =	swait.ge [sflag:s19], $0x2000  }
0x23b: {  	[sflag:s19] =	ssyncset.done $0x0  }
0x23c: {  	[sflag:s19] =	ssyncadd.s32 $0xFFFFE000  }
0x23d: {  	_ =	swait.ge [sflag:s20], $0x2000  }
0x23e: {  	[sflag:s20] =	ssyncset.done $0x0  }
0x23f: {  	[sflag:s20] =	ssyncadd.s32 $0xFFFFE000  }
0x240: {  	[bflag:$0x0] =	sbarrier.arrive $0xFFFF  }
0x241: {  	s23 =	sld [smem:$0x7FC];
	_ =	sdelay $0x2  }
0x242: {  	[tilespmem:s1], [sflag:$0x9] =	stream.linear.gather [spmem:s23], $0x2000, $0x38;
	[tilespmem:$0x1D280] =	vst v63  }
0x243: {  	_ =	swait.ge [sflag:s0], $0x2000  }
0x244: {  	s23 =	sld [smem:$0x7E2]  }
0x245: {  	[sflag:s0] =	ssyncset.done $0x0  }
0x246: {  	[sflag:s0] =	ssyncadd.s32 $0xFFFFE000  }
0x247: {  	[hbm4b:s23+s4] =	stream.linear.scatter [tilespmem:s1], [sflag:$0x9], $0x2000, $0x38;
	[tilespmem:$0x1D280] =	vst v63  }
0x248: {  	_ =	swait.ge [sflag:s0], $0x2000  }
0x249: {  	s25 =	sld [smem:$0x7F9]  }
0x24a: {  	[sflag:s0] =	ssyncset.done $0x0  }
0x24b: {  	[sflag:s0] =	ssyncadd.s32 $0xFFFFE000  }
0x24c: {  	[tilespmem:s1], [sflag:$0x9] =	stream.linear.gather [spmem:s25], $0x2000, $0x38;
	[tilespmem:$0x1D280] =	vst v63  }
0x24d: {  	_ =	swait.ge [sflag:s0], $0x2000  }
0x24e: {  	s26 =	sld [smem:$0x7E3]  }
0x24f: {  	[sflag:s0] =	ssyncset.done $0x0  }
0x250: {  	[sflag:s0] =	ssyncadd.s32 $0xFFFFE000  }
0x251: {  	[hbm4b:s26+s4] =	stream.linear.scatter [tilespmem:s1], [sflag:$0x9], $0x2000, $0x38;
	[tilespmem:$0x1D280] =	vst v63  }
0x252: {  	_ =	swait.ge [sflag:s0], $0x2000  }
0x253: {  	s28 =	sld [smem:$0x7FA]  }
0x254: {  	[sflag:s0] =	ssyncset.done $0x0  }
0x255: {  	[sflag:s0] =	ssyncadd.s32 $0xFFFFE000  }
0x256: {  	[tilespmem:s1], [sflag:$0x9] =	stream.linear.gather [spmem:s28], $0x2000, $0x38;
	[tilespmem:$0x1D280] =	vst v63  }
0x257: {  	_ =	swait.ge [sflag:s0], $0x2000  }
0x258: {  	s23 =	sld [smem:$0x7E4]  }
0x259: {  	[sflag:s0] =	ssyncset.done $0x0  }
0x25a: {  	[sflag:s0] =	ssyncadd.s32 $0xFFFFE000  }
0x25b: {  	[hbm4b:s23+s4] =	stream.linear.scatter [tilespmem:s1], [sflag:$0x9], $0x2000, $0x38;
	[tilespmem:$0x1D280] =	vst v63  }
0x25c: {  	_ =	swait.ge [sflag:s0], $0x2000  }
0x25d: {  	s24 =	sld [smem:$0x7FB]  }
0x25e: {  	[sflag:s0] =	ssyncset.done $0x0  }
0x25f: {  	[sflag:s0] =	ssyncadd.s32 $0xFFFFE000  }
0x260: {  	[tilespmem:s1], [sflag:$0x9] =	stream.linear.gather [spmem:s24], $0x2000, $0x38;
	[tilespmem:$0x1D280] =	vst v63  }
0x261: {  	_ =	swait.ge [sflag:s0], $0x2000  }
0x262: {  	s25 =	sld [smem:$0x7E7]  }
0x263: {  	[sflag:s0] =	ssyncset.done $0x0  }
0x264: {  	[sflag:s0] =	ssyncadd.s32 $0xFFFFE000  }
0x265: {  	[hbm4b:s25+s4] =	stream.linear.scatter [tilespmem:s1], [sflag:$0x9], $0x2000, $0x38;
	[tilespmem:$0x1D280] =	vst v63  }
0x266: {  	_ =	swait.ge [sflag:s0], $0x2000  }
0x267: {  	s26 =	sld [smem:$0x7F0]  }
0x268: {  	[sflag:s0] =	ssyncset.done $0x0  }
0x269: {  	[sflag:s0] =	ssyncadd.s32 $0xFFFFE000  }
0x26a: {  	[tilespmem:s1], [sflag:$0x9] =	stream.linear.gather [spmem:s26], $0x2000, $0x38;
	[tilespmem:$0x1D280] =	vst v63  }
0x26b: {  	_ =	swait.ge [sflag:s0], $0x2000  }
0x26c: {  	s23 =	sld [smem:$0x7E8]  }
0x26d: {  	[sflag:s0] =	ssyncset.done $0x0  }
0x26e: {  	[sflag:s0] =	ssyncadd.s32 $0xFFFFE000  }
0x26f: {  	[hbm4b:s23+s4] =	stream.linear.scatter [tilespmem:s1], [sflag:$0x9], $0x2000, $0x38;
	[tilespmem:$0x1D280] =	vst v63  }
0x270: {  	_ =	swait.ge [sflag:s0], $0x2000  }
0x271: {  	s24 =	sld [smem:$0x7F1]  }
0x272: {  	[sflag:s0] =	ssyncset.done $0x0  }
0x273: {  	[sflag:s0] =	ssyncadd.s32 $0xFFFFE000  }
0x274: {  	[tilespmem:s1], [sflag:$0x9] =	stream.linear.gather [spmem:s24], $0x2000, $0x38;
	[tilespmem:$0x1D280] =	vst v63  }
0x275: {  	_ =	swait.ge [sflag:s0], $0x2000  }
0x276: {  	s25 =	sld [smem:$0x7E9]  }
0x277: {  	[sflag:s0] =	ssyncset.done $0x0  }
0x278: {  	[sflag:s0] =	ssyncadd.s32 $0xFFFFE000  }
0x279: {  	[hbm4b:s25+s4] =	stream.linear.scatter [tilespmem:s1], [sflag:$0x9], $0x2000, $0x38;
	[tilespmem:$0x1D280] =	vst v63  }
0x27a: {  	_ =	swait.ge [sflag:s0], $0x2000  }
0x27b: {  	s26 =	sld [smem:$0x7F2]  }
0x27c: {  	[sflag:s0] =	ssyncset.done $0x0  }
0x27d: {  	[sflag:s0] =	ssyncadd.s32 $0xFFFFE000  }
0x27e: {  	[tilespmem:s1], [sflag:$0x9] =	stream.linear.gather [spmem:s26], $0x2000, $0x38;
	[tilespmem:$0x1D280] =	vst v63  }
0x27f: {  	_ =	swait.ge [sflag:s0], $0x2000  }
0x280: {  	s23 =	sld [smem:$0x7EA]  }
0x281: {  	[sflag:s0] =	ssyncset.done $0x0  }
0x282: {  	[sflag:s0] =	ssyncadd.s32 $0xFFFFE000  }
0x283: {  	[hbm4b:s23+s4] =	stream.linear.scatter [tilespmem:s1], [sflag:$0x9], $0x2000, $0x38;
	[tilespmem:$0x1D280] =	vst v63  }
0x284: {  	_ =	swait.ge [sflag:s0], $0x2000  }
0x285: {  	s24 =	sld [smem:$0x7F3]  }
0x286: {  	[sflag:s0] =	ssyncset.done $0x0  }
0x287: {  	[sflag:s0] =	ssyncadd.s32 $0xFFFFE000  }
0x288: {  	[tilespmem:s1], [sflag:$0x9] =	stream.linear.gather [spmem:s24], $0x2000, $0x38;
	[tilespmem:$0x1D280] =	vst v63  }
0x289: {  	_ =	swait.ge [sflag:s0], $0x2000  }
0x28a: {  	s25 =	sld [smem:$0x7EB]  }
0x28b: {  	[sflag:s0] =	ssyncset.done $0x0  }
0x28c: {  	[sflag:s0] =	ssyncadd.s32 $0xFFFFE000  }
0x28d: {  	[hbm4b:s25+s4] =	stream.linear.scatter [tilespmem:s1], [sflag:$0x9], $0x2000, $0x38;
	[tilespmem:$0x1D280] =	vst v63  }
0x28e: {  	_ =	swait.ge [sflag:s0], $0x2000  }
0x28f: {  	s26 =	sld [smem:$0x7F4]  }
0x290: {  	[sflag:s0] =	ssyncset.done $0x0  }
0x291: {  	[sflag:s0] =	ssyncadd.s32 $0xFFFFE000  }
0x292: {  	[tilespmem:s1], [sflag:$0x9] =	stream.linear.gather [spmem:s26], $0x2000, $0x38;
	[tilespmem:$0x1D280] =	vst v63  }
0x293: {  	_ =	swait.ge [sflag:s0], $0x2000  }
0x294: {  	s23 =	sld [smem:$0x7EC]  }
0x295: {  	[sflag:s0] =	ssyncset.done $0x0  }
0x296: {  	[sflag:s0] =	ssyncadd.s32 $0xFFFFE000  }
0x297: {  	[hbm4b:s23+s4] =	stream.linear.scatter [tilespmem:s1], [sflag:$0x9], $0x2000, $0x38;
	[tilespmem:$0x1D280] =	vst v63  }
0x298: {  	_ =	swait.ge [sflag:s0], $0x2000  }
0x299: {  	s25 =	sld [smem:$0x7F5]  }
0x29a: {  	[sflag:s0] =	ssyncset.done $0x0  }
0x29b: {  	[sflag:s0] =	ssyncadd.s32 $0xFFFFE000  }
0x29c: {  	[tilespmem:s1], [sflag:$0x9] =	stream.linear.gather [spmem:s25], $0x2000, $0x38;
	[tilespmem:$0x1D280] =	vst v63  }
0x29d: {  	_ =	swait.ge [sflag:s0], $0x2000  }
0x29e: {  	s26 =	sld [smem:$0x7ED]  }
0x29f: {  	[sflag:s0] =	ssyncset.done $0x0  }
0x2a0: {  	[sflag:s0] =	ssyncadd.s32 $0xFFFFE000  }
0x2a1: {  	[hbm4b:s26+s4] =	stream.linear.scatter [tilespmem:s1], [sflag:$0x9], $0x2000, $0x38;
	[tilespmem:$0x1D280] =	vst v63  }
0x2a2: {  	_ =	swait.ge [sflag:s0], $0x2000  }
0x2a3: {  	s29 =	sld [smem:$0x7FD]  }
0x2a4: {  	[sflag:s0] =	ssyncset.done $0x0  }
0x2a5: {  	s24 =	simm.s32 @!p0 $0x19280;
	s25 =	simm.s32 @!p0 $0x9;
	[sflag:s0] =	ssyncadd.s32 $0xFFFFE000  }
0x2a6: {  	[tilespmem:s24], [sflag:$0x9] =	stream.linear.gather @!p0 [spmem:s29], $0x400, $0x38;
	[tilespmem:$0x1D280] =	vst v63  }
0x2a7: {  	_ =	swait.ge @!p0 [sflag:s25], $0x400  }
0x2a8: {  	s23 =	sld [smem:$0x7F6]  }
0x2a9: {  	[sflag:s25] =	ssyncset.done @!p0 $0x0  }
0x2aa: {  	s26 =	simm.s32 @!p0 $0x0;
	[sflag:s25] =	ssyncadd.s32 @!p0 $0xFFFFFC00  }
0x2ab: {  	[hbm4b:s23+s26] =	stream.linear.scatter @!p0 [tilespmem:s24], [sflag:$0x9], $0x400, $0x38;
	[tilespmem:$0x1D280] =	vst v63  }
0x2ac: {  	s26 =	sld [smem:$0x7FB];
	_ =	swait.ge @!p0 [sflag:s25], $0x400  }
0x2ad: {  	s23 =	smov.u32 s28;
	s28 =	sld [smem:$0x7F8]  }
0x2ae: {  	s24 =	sld [smem:$0x7F7];
	_ =	sdelay $0x1  }
0x2af: {  	s28 =	sadd.s32 $0x1, s28  }
0x2b0: {  	p1 =	sne.s32 s28, s24  }
.Ltmp1:
0x2b1: {  	_ = 	snop;
	(pc) =	sbr.rel @p1 .LBB2_1-.Ltmp1, $4  }
0x2b2: {  	[sflag:s25] =	ssyncset.done @!p0 $0x0  }
0x2b3: {  	[sflag:s25] =	ssyncadd.s32 @!p0 $0xFFFFFC00;
	s25 =	sld [smem:$0x7F9]  }
0x2b4: {  	[smem:$0x7F8] =	sst s28  }
0x2b5: {  	s28 =	sld [smem:$0x7FC]  }
0x2b6: {  	_ =	sfence.sel $0x180000  }
0x2b7: {  	[bflag:$0x0] =	sbarrier.arrive $0xFFFF  }
0x2b8: {  	_ =	strace $0x90000047  }
0x2b9: {  	s0 =	stileid.u32;
	[bflag:$0x2] =	sbarrier.arrive $0xFFFF  }
0x2ba: {  	p0 =	sne.s32 s0, $0x0;
	s0 =	rddreg [dreg:$0x4]  }
0x2bb: {  	s0 =	sadd.s32 @!p0 $0x100000, s0  }
0x2bc: {  	[sflag:s0] =	ssyncadd.tile.s32 @!p0 $0x1;
	_ =	shalt  }
.Lfunc_end2:
_tile_overlayer_lowered:
.L_overlay_start_2:
0x2bd: {  	(tag) =	ssettag $0x2  }
0x2be: {  	s0 =	rddreg [dreg:$0x0];
	s2 =	stileid.u32  }
0x2bf: {  	s1 =	rddreg [dreg:$0x1];
	p0 =	sne.s32 s2, $0x0  }
0x2c0: {  	s3 =	rddreg [dreg:$0x2];
	[bflag:$0x3] =	sbarrier.arrive $0xFFFF;
	s2 =	simm.s32 @!p0 $0x1C09  }
0x2c1: {  	[timem:s3], [sflag:s2] =	dma.local @!p0 [hbm:s0], s1  }
0x2c2: {  	s0 =	simm.s32 @!p0 $0x9  }
0x2c3: {  	_ =	swait.ge @!p0 [sflag:s0], s1  }
0x2c4: {  	s1 =	ssub.s32 @!p0 $0x0, s1;
	[sflag:s0] =	ssyncset.done @!p0 $0x0  }
0x2c5: {  	[sflag:s0] =	ssyncadd.s32 @!p0 s1  }
0x2c6: {  	[bflag:$0x3] =	sbarrier.arrive $0xFFFF  }
0x2c7: {  	_ =	shalt  }

</sc_bundles>
